<compile_context>
chip_gen: v7x
topology: tpu7x:2x2x1
jax: 0.10.2.dev20260603
libtpu: 0.0.44.dev20260713+nightly
codegen_flags: <defaults>
</compile_context>

<pallas_src>
import functools

import jax
import jax.numpy as jnp
from jax import lax
from jax.experimental import pallas as pl
from jax.experimental.pallas import tpu as pltpu
from jax.experimental.pallas import tpu_sc as plsc

N_NODES = 10000
D = 128
B_GRAPHS = 256
N_TEMPLATES = 512

NC = 2
NS = 16
NW = NC * NS
LANE = 128
CH = 79
EPAD = NW * CH * LANE
TRASH = N_NODES
ACC_R = 10112
RPT = ACC_R // NS

NHALF = 5056
CACC = 5120
LTRASH = NHALF
CH2 = 158
EPAD2 = NS * CH2 * LANE
RPT2 = CACC // NS

POOL_CH = 3
POOL_N = NW * POOL_CH * LANE
POOL_R = 264

@functools.lru_cache(maxsize=None)
def _get_mesh():
    return plsc.VectorSubcoreMesh(core_axis_name="c", subcore_axis_name="s",
                                  num_cores=NC, num_subcores=NS)


def _fill(ref, rows, value):
    w = ref.shape[1]

    def body(i, carry):
        for j in range(w // 16):
            ref[i, pl.ds(j * 16, 16)] = jnp.full((16,), value, jnp.float32)
        return carry

    lax.fori_loop(0, rows, body, 0)


@functools.lru_cache(maxsize=None)
def _make_deg_sc():
    return pl.kernel(
        _deg_body,
        out_type=jax.ShapeDtypeStruct((NC, ACC_R, 16), jnp.float32),
        mesh=_get_mesh(),
        scratch_types=[
            pltpu.VMEM((CH, LANE), jnp.int32),
            pltpu.VMEM((LANE, 16), jnp.float32),
            pltpu.VMEM((LANE, 16), jnp.float32),
            pltpu.VMEM_SHARED((ACC_R, 16), jnp.float32),
        ],
    )


def _deg_body(dst_hbm, out_hbm, dst_v, ones_v, z_v, acc_sh):
    c = lax.axis_index("c")
    s = lax.axis_index("s")
    wid = s * NC + c
    _fill(ones_v, LANE, 1.0)
    _fill(z_v, LANE, 0.0)

    base = s * RPT
    off = 0
    for sz in (128, 128, 128, 128, 120):
        pltpu.sync_copy(z_v.at[pl.ds(0, sz)], acc_sh.at[pl.ds(base + off, sz)])
        off += sz
    plsc.subcore_barrier()
    pltpu.sync_copy(dst_hbm.at[wid], dst_v)

    def body(j, carry):
        pltpu.sync_copy(ones_v, acc_sh.at[dst_v.at[j]], add=True)
        return carry

    lax.fori_loop(0, CH, body, 0)
    plsc.subcore_barrier()
    pltpu.sync_copy(acc_sh.at[pl.ds(base, RPT)], out_hbm.at[c].at[pl.ds(base, RPT)])


@functools.lru_cache(maxsize=None)
def _make_agg_sc():
    return pl.kernel(
        _agg_body,
        out_type=jax.ShapeDtypeStruct((NC, CACC, D), jnp.float32),
        mesh=_get_mesh(),
        scratch_types=[
            pltpu.VMEM((CH2, LANE), jnp.int32),
            pltpu.VMEM((CH2, LANE), jnp.int32),
            pltpu.VMEM((LANE, D), jnp.float32),
            pltpu.VMEM((LANE, D), jnp.float32),
            pltpu.VMEM((LANE, D), jnp.float32),
            pltpu.VMEM_SHARED((CACC, D), jnp.float32),
            pltpu.SemaphoreType.DMA,
            pltpu.SemaphoreType.DMA,
        ],
    )


def _agg_body(h2_hbm, src_hbm, dstl_hbm, out_hbm, src_v, dst_v, msg0_v, msg1_v,
              z_v, acc_sh, sem0, sem1):
    c = lax.axis_index("c")
    s = lax.axis_index("s")
    _fill(z_v, LANE, 0.0)

    base = s * RPT2
    off = 0
    for sz in (128, 128, 64):
        pltpu.sync_copy(z_v.at[pl.ds(0, sz)], acc_sh.at[pl.ds(base + off, sz)])
        off += sz
    plsc.subcore_barrier()
    pltpu.sync_copy(src_hbm.at[s], src_v)
    pltpu.sync_copy(dstl_hbm.at[c].at[s], dst_v)

    dummy = h2_hbm.at[pl.ds(0, LANE)]
    pltpu.async_copy(h2_hbm.at[src_v.at[0]], msg0_v, sem0)

    def body(jj, carry):
        j0 = 2 * jj
        pltpu.async_copy(h2_hbm.at[src_v.at[j0 + 1]], msg1_v, sem1)
        pltpu.make_async_copy(dummy, msg0_v, sem0).wait()
        pltpu.sync_copy(msg0_v, acc_sh.at[dst_v.at[j0]], add=True)

        @pl.when(j0 + 2 < CH2)
        def _next():
            pltpu.async_copy(h2_hbm.at[src_v.at[j0 + 2]], msg0_v, sem0)

        pltpu.make_async_copy(dummy, msg1_v, sem1).wait()
        pltpu.sync_copy(msg1_v, acc_sh.at[dst_v.at[j0 + 1]], add=True)
        return carry

    lax.fori_loop(0, CH2 // 2, body, 0)
    plsc.subcore_barrier()
    pltpu.sync_copy(acc_sh.at[pl.ds(base, RPT2)], out_hbm.at[c].at[pl.ds(base, RPT2)])


@functools.lru_cache(maxsize=None)
def _make_pool_sc():
    return pl.kernel(
        _pool_body,
        out_type=(
            jax.ShapeDtypeStruct((NC, POOL_R, D), jnp.float32),
            jax.ShapeDtypeStruct((NC, POOL_R, 16), jnp.float32),
            jax.ShapeDtypeStruct((B_GRAPHS, D), jnp.float32),
        ),
        mesh=_get_mesh(),
        scratch_types=[
            pltpu.VMEM((POOL_CH, LANE), jnp.int32),
            pltpu.VMEM((POOL_CH * LANE, D), jnp.float32),
            pltpu.VMEM((LANE, D), jnp.float32),
            pltpu.VMEM((LANE, 16), jnp.float32),
            pltpu.VMEM((LANE, 16), jnp.float32),
            pltpu.VMEM((1, LANE), jnp.int32),
            pltpu.VMEM_SHARED((POOL_R, D), jnp.float32),
            pltpu.VMEM_SHARED((POOL_R, 16), jnp.float32),
            pltpu.SemaphoreType.DMA,
        ],
    )


def _pool_body(g_hbm, batch_hbm, selidx_hbm, emb_hbm,
               sums_hbm, cnts_hbm, sel_hbm,
               idx_v, rows_v, zd_v, ones_v, z16_v, si_v, acc_sh, accc_sh, sem):
    c = lax.axis_index("c")
    s = lax.axis_index("s")
    wid = s * NC + c
    _fill(ones_v, LANE, 1.0)
    _fill(z16_v, LANE, 0.0)
    _fill(zd_v, LANE, 0.0)

    @pl.when(s == 0)
    def _zero():
        off = 0
        for sz in (128, 128, 8):
            pltpu.sync_copy(zd_v.at[pl.ds(0, sz)], acc_sh.at[pl.ds(off, sz)])
            pltpu.sync_copy(z16_v.at[pl.ds(0, sz)], accc_sh.at[pl.ds(off, sz)])
            off += sz

    plsc.subcore_barrier()
    pltpu.sync_copy(g_hbm.at[pl.ds(wid * POOL_CH * LANE, POOL_CH * LANE)], rows_v)
    pltpu.sync_copy(batch_hbm.at[wid], idx_v)
    for j in range(POOL_CH):
        pltpu.sync_copy(rows_v.at[pl.ds(j * LANE, LANE)],
                        acc_sh.at[idx_v.at[j]], add=True)
        pltpu.sync_copy(ones_v, accc_sh.at[idx_v.at[j]], add=True)
    plsc.subcore_barrier()

    @pl.when(s == 0)
    def _out():
        pltpu.sync_copy(acc_sh, sums_hbm.at[c])
        pltpu.sync_copy(accc_sh, cnts_hbm.at[c])

    @pl.when(s == 1)
    def _sel():
        pltpu.sync_copy(selidx_hbm.at[pl.ds(c, 1)], si_v)
        pltpu.async_copy(emb_hbm.at[si_v.at[0]], zd_v, sem).wait()
        pltpu.sync_copy(zd_v, sel_hbm.at[pl.ds(c * LANE, LANE)])


_BLK = 1024


def _dinv_of(d0, d1):
    return 1.0 / jnp.sqrt(1.0 + d0[:, 0:1] + d1[:, 0:1])


def _m1_body(x_ref, w_ref, d0_ref, d1_ref, o_ref):
    dinv = _dinv_of(d0_ref[...], d1_ref[...])
    o_ref[...] = jnp.dot(x_ref[...], w_ref[...],
                         preferred_element_type=jnp.float32) * dinv


def _fused_body(a_ref, p_ref, d0_ref, d1_ref, b_ref, w_ref, o_ref):
    dinv = _dinv_of(d0_ref[...], d1_ref[...])
    g = jnp.maximum(dinv * (a_ref[...] + p_ref[...]) + b_ref[...], 0.0)
    o_ref[...] = jnp.dot(g, w_ref[...], preferred_element_type=jnp.float32) * dinv


def _g3_body(a_ref, p_ref, d0_ref, d1_ref, b_ref, o_ref):
    dinv = _dinv_of(d0_ref[...], d1_ref[...])
    o_ref[...] = jnp.maximum(
        dinv * (a_ref[...] + p_ref[...]) + b_ref[...], 0.0)


def _remap_body(d_ref, a_ref, b_ref):
    d = d_ref[...]
    a_ref[...] = jnp.where(d < NHALF, d, LTRASH)
    b_ref[...] = jnp.where((d >= NHALF) & (d < N_NODES), d - NHALF, LTRASH)


def _head_body(s0_ref, s1_ref, c0_ref, c1_ref, sel_ref, wr1_ref, br1_ref,
               wr2_ref, br2_ref, t_ref, hn_ref, rxn_ref):
    sums = s0_ref[...] + s1_ref[...]
    cnt = c0_ref[:, 0:1] + c1_ref[:, 0:1]
    h_state = sums / jnp.maximum(cnt, 1.0)
    n = jnp.sqrt(jnp.sum(h_state * h_state, axis=-1, keepdims=True))
    hn = h_state / jnp.maximum(n, 1e-12)
    temp = jnp.maximum(t_ref[0, 0], 1e-4)
    hn_ref[...] = hn / temp
    sel = sel_ref[...]
    rxn_in = jnp.concatenate([h_state, sel], axis=1)
    t = jnp.maximum(
        jnp.dot(rxn_in, wr1_ref[...], preferred_element_type=jnp.float32)
        + br1_ref[...], 0.0)
    rxn_ref[...] = jnp.dot(t, wr2_ref[...],
                           preferred_element_type=jnp.float32) + br2_ref[...]


_EBLK = 2048


def _logits_body(hn_ref, e_ref, o_ref):
    e = e_ref[...]
    n = jnp.sqrt(jnp.sum(e * e, axis=-1, keepdims=True))
    en = e / jnp.maximum(n, 1e-12)
    o_ref[...] = lax.dot_general(hn_ref[...], en, (((1,), (1,)), ((), ())),
                                 preferred_element_type=jnp.float32)


def _row_grid(body, n_rows, in_specs, out_shape):
    grid = (pl.cdiv(n_rows, _BLK),)
    return pl.pallas_call(body, grid=grid, in_specs=in_specs,
                          out_specs=pl.BlockSpec((_BLK, out_shape.shape[1]),
                                                 lambda i: (i, 0)),
                          out_shape=out_shape)


def kernel(x, edge_index, batch, block_embeddings, block_indices_for_reaction,
           W1, b1, W2, b2, W3, b3, Wr1, br1, Wr2, br2, temperature):
    f32 = jnp.float32
    src = edge_index[0].astype(jnp.int32)
    dst = edge_index[1].astype(jnp.int32)
    pad = EPAD - src.shape[0]
    dst_p = jnp.concatenate([dst, jnp.full((pad,), TRASH, jnp.int32)]).reshape(NW, CH, LANE)
    pad2 = EPAD2 - src.shape[0]
    src2 = jnp.concatenate([src, jnp.zeros((pad2,), jnp.int32)]).reshape(NS, CH2, LANE)
    dst2f = jnp.concatenate([dst, jnp.full((pad2,), TRASH, jnp.int32)]).reshape(NS * CH2, LANE)
    batch_p = jnp.concatenate([
        batch.astype(jnp.int32),
        jnp.full((POOL_N - batch.shape[0],), B_GRAPHS, jnp.int32)
    ]).reshape(NW, POOL_CH, LANE)
    sel_idx = block_indices_for_reaction.astype(jnp.int32).reshape(NC, LANE)

    deg = _make_deg_sc()(dst_p)
    d0 = deg[0, :N_NODES]
    d1 = deg[1, :N_NODES]

    row = pl.BlockSpec((_BLK, D), lambda i: (i, 0))
    row16 = pl.BlockSpec((_BLK, 16), lambda i: (i, 0))
    wfull = pl.BlockSpec((D, D), lambda i: (0, 0))
    brow = pl.BlockSpec((1, D), lambda i: (0, 0))
    b1r, b2r, b3r = b1.reshape(1, D), b2.reshape(1, D), b3.reshape(1, D)

    h2 = _row_grid(_m1_body, N_NODES, [row, wfull, row16, row16],
                   jax.ShapeDtypeStruct((N_NODES, D), f32))(x, W1, d0, d1)

    rowi = pl.BlockSpec((512, LANE), lambda i: (i, 0))
    dstA, dstB = pl.pallas_call(
        _remap_body, grid=(pl.cdiv(NS * CH2, 512),),
        in_specs=[rowi], out_specs=(rowi, rowi),
        out_shape=(jax.ShapeDtypeStruct((NS * CH2, LANE), jnp.int32),
                   jax.ShapeDtypeStruct((NS * CH2, LANE), jnp.int32)),
    )(dst2f)
    dstl = jnp.stack([dstA.reshape(NS, CH2, LANE), dstB.reshape(NS, CH2, LANE)])

    def assemble(a):
        return jnp.concatenate([a[0, :NHALF], a[1, :N_NODES - NHALF]], axis=0)

    Ws = jnp.stack([W2, W3, W2])
    bs = jnp.stack([b1r, b2r, b3r])
    agg_sc = _make_agg_sc()
    fused = _row_grid(_fused_body, N_NODES,
                      [row, row, row16, row16, brow, wfull],
                      jax.ShapeDtypeStruct((N_NODES, D), f32))

    def layer_body(k, carry):
        h2_cur, _, _ = carry
        a = agg_sc(h2_cur, src2, dstl)
        h2n = fused(assemble(a), h2_cur, d0, d1, bs[k], Ws[k])
        return (h2n, h2_cur, a)

    init = (h2, h2, jnp.zeros((NC, CACC, D), f32))
    _, h2, agg = lax.fori_loop(0, 3, layer_body, init)
    rowc = pl.BlockSpec((_BLK, D), lambda i: (jnp.minimum(i, N_NODES // _BLK), 0))
    rowc16 = pl.BlockSpec((_BLK, 16), lambda i: (jnp.minimum(i, N_NODES // _BLK), 0))
    browc = pl.BlockSpec((1, D), lambda i: (0, 0))
    g3 = pl.pallas_call(
        _g3_body, grid=(POOL_N // _BLK,),
        in_specs=[rowc, rowc, rowc16, rowc16, browc],
        out_specs=pl.BlockSpec((_BLK, D), lambda i: (i, 0)),
        out_shape=jax.ShapeDtypeStruct((POOL_N, D), f32),
    )(assemble(agg), h2, d0, d1, b3r)

    sums, cnts, selected = _make_pool_sc()(g3, batch_p, sel_idx, block_embeddings)

    full = lambda r, c_: pl.BlockSpec((r, c_), lambda: (0, 0))
    hn_s, rxn_logits = pl.pallas_call(
        _head_body,
        in_specs=[full(B_GRAPHS, D), full(B_GRAPHS, D), full(B_GRAPHS, 16),
                  full(B_GRAPHS, 16), full(B_GRAPHS, D), full(2 * D, D),
                  full(1, D), full(D, N_TEMPLATES), full(1, N_TEMPLATES),
                  full(1, 1)],
        out_specs=(full(B_GRAPHS, D), full(B_GRAPHS, N_TEMPLATES)),
        out_shape=(jax.ShapeDtypeStruct((B_GRAPHS, D), f32),
                   jax.ShapeDtypeStruct((B_GRAPHS, N_TEMPLATES), f32)),
    )(sums[0, :B_GRAPHS], sums[1, :B_GRAPHS], cnts[0, :B_GRAPHS],
      cnts[1, :B_GRAPHS], selected, Wr1, br1.reshape(1, D), Wr2,
      br2.reshape(1, N_TEMPLATES), temperature.reshape(1, 1).astype(f32))

    n_blocks = block_embeddings.shape[0]
    block_logits = pl.pallas_call(
        _logits_body, grid=(pl.cdiv(n_blocks, _EBLK),),
        in_specs=[pl.BlockSpec((B_GRAPHS, D), lambda i: (0, 0)),
                  pl.BlockSpec((_EBLK, D), lambda i: (i, 0))],
        out_specs=pl.BlockSpec((B_GRAPHS, _EBLK), lambda i: (0, i)),
        out_shape=jax.ShapeDtypeStruct((B_GRAPHS, n_blocks), f32),
    )(hn_s, block_embeddings)

    return (block_logits, rxn_logits)

# --- scband reference (transcript-rebuilt; emitter-appended) ---
"""Pipeline reference for scband-synth-policy-net-23605140259147 (READ-ONLY COPY).

The authoritative reference and input builder live on the scoring server;
editing this copy changes nothing except your own understanding.
"""

import jax, jax.numpy as jnp
import numpy as np

N_NODES = 10000
N_EDGES = 320000
D = 128
B_GRAPHS = 256
N_BLOCKS = 100000
N_TEMPLATES = 512


def setup_inputs(seed: int = 0) -> dict:
    key = jax.random.key(seed)
    ks = jax.random.split(key, 20)
    x = jax.random.normal(ks[0], (N_NODES, D), dtype=jnp.float32)
    edge_index = jax.random.randint(ks[1], (2, N_EDGES), 0, N_NODES, dtype=jnp.int64 if jax.config.read('jax_enable_x64') else jnp.int32)
    batch = jnp.sort(jax.random.randint(ks[2], (N_NODES,), 0, B_GRAPHS))
    block_embeddings = jax.random.normal(ks[3], (N_BLOCKS, D), dtype=jnp.float32)
    block_indices = jax.random.randint(ks[4], (B_GRAPHS,), 0, N_BLOCKS)
    s = 1.0 / np.sqrt(D)
    W1 = jax.random.normal(ks[5], (D, D), jnp.float32) * s
    b1 = jnp.zeros((D,), jnp.float32)
    W2 = jax.random.normal(ks[6], (D, D), jnp.float32) * s
    b2 = jnp.zeros((D,), jnp.float32)
    W3 = jax.random.normal(ks[7], (D, D), jnp.float32) * s
    b3 = jnp.zeros((D,), jnp.float32)
    Wr1 = jax.random.normal(ks[8], (2 * D, D), jnp.float32) * (1.0 / np.sqrt(2 * D))
    br1 = jnp.zeros((D,), jnp.float32)
    Wr2 = jax.random.normal(ks[9], (D, N_TEMPLATES), jnp.float32) * s
    br2 = jnp.zeros((N_TEMPLATES,), jnp.float32)
    temperature = jnp.asarray(0.07, dtype=jnp.float32)
    return {
        'x': x, 'edge_index': edge_index, 'batch': batch,
        'block_embeddings': block_embeddings, 'block_indices_for_reaction': block_indices,
        'W1': W1, 'b1': b1, 'W2': W2, 'b2': b2, 'W3': W3, 'b3': b3,
        'Wr1': Wr1, 'br1': br1, 'Wr2': Wr2, 'br2': br2, 'temperature': temperature,
    }


def _l2norm(v):
    n = jnp.sqrt(jnp.sum(v * v, axis=-1, keepdims=True))
    return v / jnp.maximum(n, 1e-12)


def reference(x, edge_index, batch, block_embeddings, block_indices_for_reaction,
              W1, b1, W2, b2, W3, b3, Wr1, br1, Wr2, br2, temperature):
    n = x.shape[0]
    loops = jnp.arange(n, dtype=edge_index.dtype)
    src = jnp.concatenate([edge_index[0], loops])
    dst = jnp.concatenate([edge_index[1], loops])
    deg = jax.ops.segment_sum(jnp.ones(src.shape[0], dtype=x.dtype), dst, num_segments=n)
    dinv = 1.0 / jnp.sqrt(deg)  # deg >= 1 because of self loops
    norm = dinv[src] * dinv[dst]

    def gcn_conv(h, W, b):
        h = h @ W
        msg = h[src] * norm[:, None]
        return jax.ops.segment_sum(msg, dst, num_segments=n) + b

    h = jax.nn.relu(gcn_conv(x, W1, b1))
    h = jax.nn.relu(gcn_conv(h, W2, b2))
    h = jax.nn.relu(gcn_conv(h, W3, b3))

    sums = jax.ops.segment_sum(h, batch, num_segments=B_GRAPHS)
    counts = jax.ops.segment_sum(jnp.ones(n, dtype=h.dtype), batch, num_segments=B_GRAPHS)
    h_state = sums / jnp.maximum(counts, 1.0)[:, None]

    hn = _l2norm(h_state)
    en = _l2norm(block_embeddings)
    temp = jnp.maximum(temperature, 1e-4)
    block_logits = (hn @ en.T) / temp

    selected = jnp.take(block_embeddings, block_indices_for_reaction, axis=0)
    rxn_in = jnp.concatenate([h_state, selected], axis=1)
    rxn_logits = jax.nn.relu(rxn_in @ Wr1 + br1) @ Wr2 + br2
    return (block_logits, rxn_logits)

if __name__ == "__main__":
    import jax
    _d = setup_inputs()
    print(jax.jit(kernel)(*tuple(_d.values())))

</pallas_src>

<mosaic_0001>
#map = affine_map<(d0, d1) -> (0, 0)>
#map1 = affine_map<(d0, d1) -> (0, 0, 0)>
module attributes {stable_mosaic.version = 14 : i64} {
  func.func @_pool_body(%arg0: i32, %arg1: i32, %arg2: memref<12288x128xf32, #tpu.memory_space<hbm>>, %arg3: memref<32x3x128xi32, #tpu.memory_space<hbm>>, %arg4: memref<2x128xi32, #tpu.memory_space<hbm>>, %arg5: memref<100000x128xf32, #tpu.memory_space<hbm>>, %arg6: memref<2x264x128xf32, #tpu.memory_space<hbm>>, %arg7: memref<2x264x16xf32, #tpu.memory_space<hbm>>, %arg8: memref<256x128xf32, #tpu.memory_space<hbm>>, %arg9: memref<3x128xi32, #tpu.memory_space<vmem>>, %arg10: memref<384x128xf32, #tpu.memory_space<vmem>>, %arg11: memref<128x128xf32, #tpu.memory_space<vmem>>, %arg12: memref<128x16xf32, #tpu.memory_space<vmem>>, %arg13: memref<128x16xf32, #tpu.memory_space<vmem>>, %arg14: memref<1x128xi32, #tpu.memory_space<vmem>>, %arg15: memref<264x128xf32, #tpu.memory_space<vmem_shared>>, %arg16: memref<264x16xf32, #tpu.memory_space<vmem_shared>>, %arg17: memref<!tpu.dma_semaphore, #tpu.memory_space<semaphore_mem>>) attributes {dimension_semantics = [#tpu.dimension_semantics<core_parallel>, #tpu.dimension_semantics<subcore_parallel>], iteration_bounds = array<i64: 2, 16>, scalar_prefetch = 0 : i64, scratch_operands = 9 : i64, tpu.core_type = #tpu.core_type<sc_vector_subcore>, window_params = [{transform_indices = #map}, {transform_indices = #map1}, {transform_indices = #map}, {transform_indices = #map}, {transform_indices = #map1}, {transform_indices = #map1}, {transform_indices = #map}]} {
    %mul3A = arith.constant 2 : i32
    %mul3A_0 = arith.muli %arg1, %mul3A : i32
    %add3A = arith.addi %mul3A_0, %arg0 : i32
    %scan3A = arith.constant 0 : i32
    %scan3A_1 = arith.constant 0 : i32
    %scan3A_2 = arith.constant 128 : i32
    %scan3A_3 = arith.addi %scan3A_1, %scan3A_2 : i32
    %scan3A_4 = arith.constant 1 : i32
    scf.for %scan3A_40 = %scan3A_1 to %scan3A_3 step %scan3A_4  : i32 {
      %broadcast_in_dim3A = arith.constant 1.000000e+00 : f32
      %broadcast_in_dim3A_41 = vector.broadcast %broadcast_in_dim3A : f32 to vector<16xf32>
      %swap3A = arith.index_cast %scan3A_40 : i32 to index
      %swap3A_42 = arith.constant 0 : index
      %swap3A_43 = tpu.vector_load %arg12[%swap3A, %swap3A_42] {strides = array<i32>} : memref<128x16xf32, #tpu.memory_space<vmem>>, vector<1x16xf32>,
      %swap3A_44 = vector.shape_cast %swap3A_43 : vector<1x16xf32> to vector<16xf32>
      %swap3A_45 = vector.shape_cast %broadcast_in_dim3A_41 : vector<16xf32> to vector<1x16xf32>
      tpu.vector_store %arg12[%swap3A, %swap3A_42], %swap3A_45 {strides = array<i32>} : memref<128x16xf32, #tpu.memory_space<vmem>>, vector<1x16xf32>,
    }
    %scan3A_5 = arith.constant 128 : i32
    %scan3A_6 = arith.constant 0 : i32
    %scan3A_7 = arith.constant 0 : i32
    %scan3A_8 = arith.constant 128 : i32
    %scan3A_9 = arith.addi %scan3A_7, %scan3A_8 : i32
    %scan3A_10 = arith.constant 1 : i32
    scf.for %scan3A_40 = %scan3A_7 to %scan3A_9 step %scan3A_10  : i32 {
      %broadcast_in_dim3A = arith.constant 0.000000e+00 : f32
      %broadcast_in_dim3A_41 = vector.broadcast %broadcast_in_dim3A : f32 to vector<16xf32>
      %swap3A = arith.index_cast %scan3A_40 : i32 to index
      %swap3A_42 = arith.constant 0 : index
      %swap3A_43 = tpu.vector_load %arg13[%swap3A, %swap3A_42] {strides = array<i32>} : memref<128x16xf32, #tpu.memory_space<vmem>>, vector<1x16xf32>,
      %swap3A_44 = vector.shape_cast %swap3A_43 : vector<1x16xf32> to vector<16xf32>
      %swap3A_45 = vector.shape_cast %broadcast_in_dim3A_41 : vector<16xf32> to vector<1x16xf32>
      tpu.vector_store %arg13[%swap3A, %swap3A_42], %swap3A_45 {strides = array<i32>} : memref<128x16xf32, #tpu.memory_space<vmem>>, vector<1x16xf32>,
    }
    %scan3A_11 = arith.constant 128 : i32
    %scan3A_12 = arith.constant 0 : i32
    %scan3A_13 = arith.constant 0 : i32
    %scan3A_14 = arith.constant 128 : i32
    %scan3A_15 = arith.addi %scan3A_13, %scan3A_14 : i32
    %scan3A_16 = arith.constant 1 : i32
    scf.for %scan3A_40 = %scan3A_13 to %scan3A_15 step %scan3A_16  : i32 {
      %broadcast_in_dim3A = arith.constant 0.000000e+00 : f32
      %broadcast_in_dim3A_41 = vector.broadcast %broadcast_in_dim3A : f32 to vector<16xf32>
      %swap3A = arith.index_cast %scan3A_40 : i32 to index
      %swap3A_42 = arith.constant 0 : index
      %swap3A_43 = tpu.vector_load %arg11[%swap3A, %swap3A_42] {strides = array<i32>} : memref<128x128xf32, #tpu.memory_space<vmem>>, vector<1x16xf32>,
      %swap3A_44 = vector.shape_cast %swap3A_43 : vector<1x16xf32> to vector<16xf32>
      %swap3A_45 = vector.shape_cast %broadcast_in_dim3A_41 : vector<16xf32> to vector<1x16xf32>
      tpu.vector_store %arg11[%swap3A, %swap3A_42], %swap3A_45 {strides = array<i32>} : memref<128x128xf32, #tpu.memory_space<vmem>>, vector<1x16xf32>,
      %broadcast_in_dim3A_46 = arith.constant 0.000000e+00 : f32
      %broadcast_in_dim3A_47 = vector.broadcast %broadcast_in_dim3A_46 : f32 to vector<16xf32>
      %swap3A_48 = arith.index_cast %scan3A_40 : i32 to index
      %swap3A_49 = arith.constant 16 : index
      %swap3A_50 = tpu.vector_load %arg11[%swap3A_48, %swap3A_49] {strides = array<i32>} : memref<128x128xf32, #tpu.memory_space<vmem>>, vector<1x16xf32>,
      %swap3A_51 = vector.shape_cast %swap3A_50 : vector<1x16xf32> to vector<16xf32>
      %swap3A_52 = vector.shape_cast %broadcast_in_dim3A_47 : vector<16xf32> to vector<1x16xf32>
      tpu.vector_store %arg11[%swap3A_48, %swap3A_49], %swap3A_52 {strides = array<i32>} : memref<128x128xf32, #tpu.memory_space<vmem>>, vector<1x16xf32>,
      %broadcast_in_dim3A_53 = arith.constant 0.000000e+00 : f32
      %broadcast_in_dim3A_54 = vector.broadcast %broadcast_in_dim3A_53 : f32 to vector<16xf32>
      %swap3A_55 = arith.index_cast %scan3A_40 : i32 to index
      %swap3A_56 = arith.constant 32 : index
      %swap3A_57 = tpu.vector_load %arg11[%swap3A_55, %swap3A_56] {strides = array<i32>} : memref<128x128xf32, #tpu.memory_space<vmem>>, vector<1x16xf32>,
      %swap3A_58 = vector.shape_cast %swap3A_57 : vector<1x16xf32> to vector<16xf32>
      %swap3A_59 = vector.shape_cast %broadcast_in_dim3A_54 : vector<16xf32> to vector<1x16xf32>
      tpu.vector_store %arg11[%swap3A_55, %swap3A_56], %swap3A_59 {strides = array<i32>} : memref<128x128xf32, #tpu.memory_space<vmem>>, vector<1x16xf32>,
      %broadcast_in_dim3A_60 = arith.constant 0.000000e+00 : f32
      %broadcast_in_dim3A_61 = vector.broadcast %broadcast_in_dim3A_60 : f32 to vector<16xf32>
      %swap3A_62 = arith.index_cast %scan3A_40 : i32 to index
      %swap3A_63 = arith.constant 48 : index
      %swap3A_64 = tpu.vector_load %arg11[%swap3A_62, %swap3A_63] {strides = array<i32>} : memref<128x128xf32, #tpu.memory_space<vmem>>, vector<1x16xf32>,
      %swap3A_65 = vector.shape_cast %swap3A_64 : vector<1x16xf32> to vector<16xf32>
      %swap3A_66 = vector.shape_cast %broadcast_in_dim3A_61 : vector<16xf32> to vector<1x16xf32>
      tpu.vector_store %arg11[%swap3A_62, %swap3A_63], %swap3A_66 {strides = array<i32>} : memref<128x128xf32, #tpu.memory_space<vmem>>, vector<1x16xf32>,
      %broadcast_in_dim3A_67 = arith.constant 0.000000e+00 : f32
      %broadcast_in_dim3A_68 = vector.broadcast %broadcast_in_dim3A_67 : f32 to vector<16xf32>
      %swap3A_69 = arith.index_cast %scan3A_40 : i32 to index
      %swap3A_70 = arith.constant 64 : index
      %swap3A_71 = tpu.vector_load %arg11[%swap3A_69, %swap3A_70] {strides = array<i32>} : memref<128x128xf32, #tpu.memory_space<vmem>>, vector<1x16xf32>,
      %swap3A_72 = vector.shape_cast %swap3A_71 : vector<1x16xf32> to vector<16xf32>
      %swap3A_73 = vector.shape_cast %broadcast_in_dim3A_68 : vector<16xf32> to vector<1x16xf32>
      tpu.vector_store %arg11[%swap3A_69, %swap3A_70], %swap3A_73 {strides = array<i32>} : memref<128x128xf32, #tpu.memory_space<vmem>>, vector<1x16xf32>,
      %broadcast_in_dim3A_74 = arith.constant 0.000000e+00 : f32
      %broadcast_in_dim3A_75 = vector.broadcast %broadcast_in_dim3A_74 : f32 to vector<16xf32>
      %swap3A_76 = arith.index_cast %scan3A_40 : i32 to index
      %swap3A_77 = arith.constant 80 : index
      %swap3A_78 = tpu.vector_load %arg11[%swap3A_76, %swap3A_77] {strides = array<i32>} : memref<128x128xf32, #tpu.memory_space<vmem>>, vector<1x16xf32>,
      %swap3A_79 = vector.shape_cast %swap3A_78 : vector<1x16xf32> to vector<16xf32>
      %swap3A_80 = vector.shape_cast %broadcast_in_dim3A_75 : vector<16xf32> to vector<1x16xf32>
      tpu.vector_store %arg11[%swap3A_76, %swap3A_77], %swap3A_80 {strides = array<i32>} : memref<128x128xf32, #tpu.memory_space<vmem>>, vector<1x16xf32>,
      %broadcast_in_dim3A_81 = arith.constant 0.000000e+00 : f32
      %broadcast_in_dim3A_82 = vector.broadcast %broadcast_in_dim3A_81 : f32 to vector<16xf32>
      %swap3A_83 = arith.index_cast %scan3A_40 : i32 to index
      %swap3A_84 = arith.constant 96 : index
      %swap3A_85 = tpu.vector_load %arg11[%swap3A_83, %swap3A_84] {strides = array<i32>} : memref<128x128xf32, #tpu.memory_space<vmem>>, vector<1x16xf32>,
      %swap3A_86 = vector.shape_cast %swap3A_85 : vector<1x16xf32> to vector<16xf32>
      %swap3A_87 = vector.shape_cast %broadcast_in_dim3A_82 : vector<16xf32> to vector<1x16xf32>
      tpu.vector_store %arg11[%swap3A_83, %swap3A_84], %swap3A_87 {strides = array<i32>} : memref<128x128xf32, #tpu.memory_space<vmem>>, vector<1x16xf32>,
      %broadcast_in_dim3A_88 = arith.constant 0.000000e+00 : f32
      %broadcast_in_dim3A_89 = vector.broadcast %broadcast_in_dim3A_88 : f32 to vector<16xf32>
      %swap3A_90 = arith.index_cast %scan3A_40 : i32 to index
      %swap3A_91 = arith.constant 112 : index
      %swap3A_92 = tpu.vector_load %arg11[%swap3A_90, %swap3A_91] {strides = array<i32>} : memref<128x128xf32, #tpu.memory_space<vmem>>, vector<1x16xf32>,
      %swap3A_93 = vector.shape_cast %swap3A_92 : vector<1x16xf32> to vector<16xf32>
      %swap3A_94 = vector.shape_cast %broadcast_in_dim3A_89 : vector<16xf32> to vector<1x16xf32>
      tpu.vector_store %arg11[%swap3A_90, %swap3A_91], %swap3A_94 {strides = array<i32>} : memref<128x128xf32, #tpu.memory_space<vmem>>, vector<1x16xf32>,
    }
    %scan3A_17 = arith.constant 128 : i32
    %eq3A = arith.constant 0 : i32
    %eq3A_18 = arith.cmpi eq, %arg1, %eq3A : i32
    %convert_element_type3A = arith.extui %eq3A_18 : i1 to i32
    %cond3A = arith.constant 0 : i32
    %cond3A_19 = arith.cmpi ne, %convert_element_type3A, %cond3A : i32
    scf.if %cond3A_19 {
      "tpu.region"() ({
        %run_scoped3A_40 = tpu.sem_alloc : memref<!tpu.dma_semaphore, #tpu.memory_space<semaphore_mem>>
        %dma_start3A = arith.constant 0 : i32
        %dma_start3A_41 = arith.constant 0 : i32
        %dma_start3A_42 = tpu.memref_slice %arg11[%dma_start3A, %dma_start3A_41] : memref<128x128xf32, #tpu.memory_space<vmem>> -> memref<128x128xf32, #tpu.memory_space<vmem>>
        %dma_start3A_43 = arith.constant 0 : i32
        %dma_start3A_44 = arith.constant 0 : i32
        %dma_start3A_45 = tpu.memref_slice %arg15[%dma_start3A_43, %dma_start3A_44] : memref<264x128xf32, #tpu.memory_space<vmem_shared>> -> memref<128x128xf32, #tpu.memory_space<vmem_shared>>
        %dma_start3A_46 = arith.constant 0 : i32
        %dma_start3A_47 = arith.constant 0 : i32
        %dma_start3A_48 = tpu.memref_slice %arg15[%dma_start3A_46, %dma_start3A_47] : memref<264x128xf32, #tpu.memory_space<vmem_shared>> -> memref<128x128xf32, #tpu.memory_space<vmem_shared>>
        %dma_start3A_49 = arith.constant 0 : i32
        %dma_start3A_50 = arith.constant 0 : i32
        %dma_start3A_51 = tpu.memref_slice %arg11[%dma_start3A_49, %dma_start3A_50] : memref<128x128xf32, #tpu.memory_space<vmem>> -> memref<128x128xf32, #tpu.memory_space<vmem>>
        tpu.enqueue_dma source(%dma_start3A_51 : memref<128x128xf32, #tpu.memory_space<vmem>>) target(%dma_start3A_48 : memref<128x128xf32, #tpu.memory_space<vmem_shared>>) target_semaphore(%run_scoped3A_40 : memref<!tpu.dma_semaphore, #tpu.memory_space<semaphore_mem>>)
        %dma_wait3A = arith.constant 0 : i32
        %dma_wait3A_52 = arith.constant 0 : i32
        %dma_wait3A_53 = tpu.memref_slice %arg11[%dma_wait3A, %dma_wait3A_52] : memref<128x128xf32, #tpu.memory_space<vmem>> -> memref<128x128xf32, #tpu.memory_space<vmem>>
        %dma_wait3A_54 = arith.constant 0 : i32
        %dma_wait3A_55 = arith.constant 0 : i32
        %dma_wait3A_56 = tpu.memref_slice %arg15[%dma_wait3A_54, %dma_wait3A_55] : memref<264x128xf32, #tpu.memory_space<vmem_shared>> -> memref<128x128xf32, #tpu.memory_space<vmem_shared>>
        %dma_wait3A_57 = arith.constant 0 : i32
        %dma_wait3A_58 = arith.constant 0 : i32
        %dma_wait3A_59 = tpu.memref_slice %arg15[%dma_wait3A_57, %dma_wait3A_58] : memref<264x128xf32, #tpu.memory_space<vmem_shared>> -> memref<128x128xf32, #tpu.memory_space<vmem_shared>>
        %dma_wait3A_60 = arith.constant 0 : i32
        %dma_wait3A_61 = arith.constant 0 : i32
        %dma_wait3A_62 = tpu.memref_slice %arg11[%dma_wait3A_60, %dma_wait3A_61] : memref<128x128xf32, #tpu.memory_space<vmem>> -> memref<128x128xf32, #tpu.memory_space<vmem>>
        tpu.wait_dma2 semaphore(%run_scoped3A_40 : memref<!tpu.dma_semaphore, #tpu.memory_space<semaphore_mem>>) src(%dma_wait3A_62 : memref<128x128xf32, #tpu.memory_space<vmem>>) dst(%dma_wait3A_59 : memref<128x128xf32, #tpu.memory_space<vmem_shared>>)
        tpu.yield
      }) : () -> ()
      "tpu.region"() ({
        %run_scoped3A_40 = tpu.sem_alloc : memref<!tpu.dma_semaphore, #tpu.memory_space<semaphore_mem>>
        %dma_start3A = arith.constant 0 : i32
        %dma_start3A_41 = arith.constant 0 : i32
        %dma_start3A_42 = tpu.memref_slice %arg13[%dma_start3A, %dma_start3A_41] : memref<128x16xf32, #tpu.memory_space<vmem>> -> memref<128x16xf32, #tpu.memory_space<vmem>>
        %dma_start3A_43 = arith.constant 0 : i32
        %dma_start3A_44 = arith.constant 0 : i32
        %dma_start3A_45 = tpu.memref_slice %arg16[%dma_start3A_43, %dma_start3A_44] : memref<264x16xf32, #tpu.memory_space<vmem_shared>> -> memref<128x16xf32, #tpu.memory_space<vmem_shared>>
        %dma_start3A_46 = arith.constant 0 : i32
        %dma_start3A_47 = arith.constant 0 : i32
        %dma_start3A_48 = tpu.memref_slice %arg16[%dma_start3A_46, %dma_start3A_47] : memref<264x16xf32, #tpu.memory_space<vmem_shared>> -> memref<128x16xf32, #tpu.memory_space<vmem_shared>>
        %dma_start3A_49 = arith.constant 0 : i32
        %dma_start3A_50 = arith.constant 0 : i32
        %dma_start3A_51 = tpu.memref_slice %arg13[%dma_start3A_49, %dma_start3A_50] : memref<128x16xf32, #tpu.memory_space<vmem>> -> memref<128x16xf32, #tpu.memory_space<vmem>>
        tpu.enqueue_dma source(%dma_start3A_51 : memref<128x16xf32, #tpu.memory_space<vmem>>) target(%dma_start3A_48 : memref<128x16xf32, #tpu.memory_space<vmem_shared>>) target_semaphore(%run_scoped3A_40 : memref<!tpu.dma_semaphore, #tpu.memory_space<semaphore_mem>>)
        %dma_wait3A = arith.constant 0 : i32
        %dma_wait3A_52 = arith.constant 0 : i32
        %dma_wait3A_53 = tpu.memref_slice %arg13[%dma_wait3A, %dma_wait3A_52] : memref<128x16xf32, #tpu.memory_space<vmem>> -> memref<128x16xf32, #tpu.memory_space<vmem>>
        %dma_wait3A_54 = arith.constant 0 : i32
        %dma_wait3A_55 = arith.constant 0 : i32
        %dma_wait3A_56 = tpu.memref_slice %arg16[%dma_wait3A_54, %dma_wait3A_55] : memref<264x16xf32, #tpu.memory_space<vmem_shared>> -> memref<128x16xf32, #tpu.memory_space<vmem_shared>>
        %dma_wait3A_57 = arith.constant 0 : i32
        %dma_wait3A_58 = arith.constant 0 : i32
        %dma_wait3A_59 = tpu.memref_slice %arg16[%dma_wait3A_57, %dma_wait3A_58] : memref<264x16xf32, #tpu.memory_space<vmem_shared>> -> memref<128x16xf32, #tpu.memory_space<vmem_shared>>
        %dma_wait3A_60 = arith.constant 0 : i32
        %dma_wait3A_61 = arith.constant 0 : i32
        %dma_wait3A_62 = tpu.memref_slice %arg13[%dma_wait3A_60, %dma_wait3A_61] : memref<128x16xf32, #tpu.memory_space<vmem>> -> memref<128x16xf32, #tpu.memory_space<vmem>>
        tpu.wait_dma2 semaphore(%run_scoped3A_40 : memref<!tpu.dma_semaphore, #tpu.memory_space<semaphore_mem>>) src(%dma_wait3A_62 : memref<128x16xf32, #tpu.memory_space<vmem>>) dst(%dma_wait3A_59 : memref<128x16xf32, #tpu.memory_space<vmem_shared>>)
        tpu.yield
      }) : () -> ()
      "tpu.region"() ({
        %run_scoped3A_40 = tpu.sem_alloc : memref<!tpu.dma_semaphore, #tpu.memory_space<semaphore_mem>>
        %dma_start3A = arith.constant 0 : i32
        %dma_start3A_41 = arith.constant 0 : i32
        %dma_start3A_42 = tpu.memref_slice %arg11[%dma_start3A, %dma_start3A_41] : memref<128x128xf32, #tpu.memory_space<vmem>> -> memref<128x128xf32, #tpu.memory_space<vmem>>
        %dma_start3A_43 = arith.constant 128 : i32
        %dma_start3A_44 = arith.constant 0 : i32
        %dma_start3A_45 = tpu.memref_slice %arg15[%dma_start3A_43, %dma_start3A_44] : memref<264x128xf32, #tpu.memory_space<vmem_shared>> -> memref<128x128xf32, #tpu.memory_space<vmem_shared>>
        %dma_start3A_46 = arith.constant 128 : i32
        %dma_start3A_47 = arith.constant 0 : i32
        %dma_start3A_48 = tpu.memref_slice %arg15[%dma_start3A_46, %dma_start3A_47] : memref<264x128xf32, #tpu.memory_space<vmem_shared>> -> memref<128x128xf32, #tpu.memory_space<vmem_shared>>
        %dma_start3A_49 = arith.constant 0 : i32
        %dma_start3A_50 = arith.constant 0 : i32
        %dma_start3A_51 = tpu.memref_slice %arg11[%dma_start3A_49, %dma_start3A_50] : memref<128x128xf32, #tpu.memory_space<vmem>> -> memref<128x128xf32, #tpu.memory_space<vmem>>
        tpu.enqueue_dma source(%dma_start3A_51 : memref<128x128xf32, #tpu.memory_space<vmem>>) target(%dma_start3A_48 : memref<128x128xf32, #tpu.memory_space<vmem_shared>>) target_semaphore(%run_scoped3A_40 : memref<!tpu.dma_semaphore, #tpu.memory_space<semaphore_mem>>)
        %dma_wait3A = arith.constant 0 : i32
        %dma_wait3A_52 = arith.constant 0 : i32
        %dma_wait3A_53 = tpu.memref_slice %arg11[%dma_wait3A, %dma_wait3A_52] : memref<128x128xf32, #tpu.memory_space<vmem>> -> memref<128x128xf32, #tpu.memory_space<vmem>>
        %dma_wait3A_54 = arith.constant 128 : i32
        %dma_wait3A_55 = arith.constant 0 : i32
        %dma_wait3A_56 = tpu.memref_slice %arg15[%dma_wait3A_54, %dma_wait3A_55] : memref<264x128xf32, #tpu.memory_space<vmem_shared>> -> memref<128x128xf32, #tpu.memory_space<vmem_shared>>
        %dma_wait3A_57 = arith.constant 128 : i32
        %dma_wait3A_58 = arith.constant 0 : i32
        %dma_wait3A_59 = tpu.memref_slice %arg15[%dma_wait3A_57, %dma_wait3A_58] : memref<264x128xf32, #tpu.memory_space<vmem_shared>> -> memref<128x128xf32, #tpu.memory_space<vmem_shared>>
        %dma_wait3A_60 = arith.constant 0 : i32
        %dma_wait3A_61 = arith.constant 0 : i32
        %dma_wait3A_62 = tpu.memref_slice %arg11[%dma_wait3A_60, %dma_wait3A_61] : memref<128x128xf32, #tpu.memory_space<vmem>> -> memref<128x128xf32, #tpu.memory_space<vmem>>
        tpu.wait_dma2 semaphore(%run_scoped3A_40 : memref<!tpu.dma_semaphore, #tpu.memory_space<semaphore_mem>>) src(%dma_wait3A_62 : memref<128x128xf32, #tpu.memory_space<vmem>>) dst(%dma_wait3A_59 : memref<128x128xf32, #tpu.memory_space<vmem_shared>>)
        tpu.yield
      }) : () -> ()
      "tpu.region"() ({
        %run_scoped3A_40 = tpu.sem_alloc : memref<!tpu.dma_semaphore, #tpu.memory_space<semaphore_mem>>
        %dma_start3A = arith.constant 0 : i32
        %dma_start3A_41 = arith.constant 0 : i32
        %dma_start3A_42 = tpu.memref_slice %arg13[%dma_start3A, %dma_start3A_41] : memref<128x16xf32, #tpu.memory_space<vmem>> -> memref<128x16xf32, #tpu.memory_space<vmem>>
        %dma_start3A_43 = arith.constant 128 : i32
        %dma_start3A_44 = arith.constant 0 : i32
        %dma_start3A_45 = tpu.memref_slice %arg16[%dma_start3A_43, %dma_start3A_44] : memref<264x16xf32, #tpu.memory_space<vmem_shared>> -> memref<128x16xf32, #tpu.memory_space<vmem_shared>>
        %dma_start3A_46 = arith.constant 128 : i32
        %dma_start3A_47 = arith.constant 0 : i32
        %dma_start3A_48 = tpu.memref_slice %arg16[%dma_start3A_46, %dma_start3A_47] : memref<264x16xf32, #tpu.memory_space<vmem_shared>> -> memref<128x16xf32, #tpu.memory_space<vmem_shared>>
        %dma_start3A_49 = arith.constant 0 : i32
        %dma_start3A_50 = arith.constant 0 : i32
        %dma_start3A_51 = tpu.memref_slice %arg13[%dma_start3A_49, %dma_start3A_50] : memref<128x16xf32, #tpu.memory_space<vmem>> -> memref<128x16xf32, #tpu.memory_space<vmem>>
        tpu.enqueue_dma source(%dma_start3A_51 : memref<128x16xf32, #tpu.memory_space<vmem>>) target(%dma_start3A_48 : memref<128x16xf32, #tpu.memory_space<vmem_shared>>) target_semaphore(%run_scoped3A_40 : memref<!tpu.dma_semaphore, #tpu.memory_space<semaphore_mem>>)
        %dma_wait3A = arith.constant 0 : i32
        %dma_wait3A_52 = arith.constant 0 : i32
        %dma_wait3A_53 = tpu.memref_slice %arg13[%dma_wait3A, %dma_wait3A_52] : memref<128x16xf32, #tpu.memory_space<vmem>> -> memref<128x16xf32, #tpu.memory_space<vmem>>
        %dma_wait3A_54 = arith.constant 128 : i32
        %dma_wait3A_55 = arith.constant 0 : i32
        %dma_wait3A_56 = tpu.memref_slice %arg16[%dma_wait3A_54, %dma_wait3A_55] : memref<264x16xf32, #tpu.memory_space<vmem_shared>> -> memref<128x16xf32, #tpu.memory_space<vmem_shared>>
        %dma_wait3A_57 = arith.constant 128 : i32
        %dma_wait3A_58 = arith.constant 0 : i32
        %dma_wait3A_59 = tpu.memref_slice %arg16[%dma_wait3A_57, %dma_wait3A_58] : memref<264x16xf32, #tpu.memory_space<vmem_shared>> -> memref<128x16xf32, #tpu.memory_space<vmem_shared>>
        %dma_wait3A_60 = arith.constant 0 : i32
        %dma_wait3A_61 = arith.constant 0 : i32
        %dma_wait3A_62 = tpu.memref_slice %arg13[%dma_wait3A_60, %dma_wait3A_61] : memref<128x16xf32, #tpu.memory_space<vmem>> -> memref<128x16xf32, #tpu.memory_space<vmem>>
        tpu.wait_dma2 semaphore(%run_scoped3A_40 : memref<!tpu.dma_semaphore, #tpu.memory_space<semaphore_mem>>) src(%dma_wait3A_62 : memref<128x16xf32, #tpu.memory_space<vmem>>) dst(%dma_wait3A_59 : memref<128x16xf32, #tpu.memory_space<vmem_shared>>)
        tpu.yield
      }) : () -> ()
      "tpu.region"() ({
        %run_scoped3A_40 = tpu.sem_alloc : memref<!tpu.dma_semaphore, #tpu.memory_space<semaphore_mem>>
        %dma_start3A = arith.constant 0 : i32
        %dma_start3A_41 = arith.constant 0 : i32
        %dma_start3A_42 = tpu.memref_slice %arg11[%dma_start3A, %dma_start3A_41] : memref<128x128xf32, #tpu.memory_space<vmem>> -> memref<8x128xf32, #tpu.memory_space<vmem>>
        %dma_start3A_43 = arith.constant 256 : i32
        %dma_start3A_44 = arith.constant 0 : i32
        %dma_start3A_45 = tpu.memref_slice %arg15[%dma_start3A_43, %dma_start3A_44] : memref<264x128xf32, #tpu.memory_space<vmem_shared>> -> memref<8x128xf32, #tpu.memory_space<vmem_shared>>
        %dma_start3A_46 = arith.constant 256 : i32
        %dma_start3A_47 = arith.constant 0 : i32
        %dma_start3A_48 = tpu.memref_slice %arg15[%dma_start3A_46, %dma_start3A_47] : memref<264x128xf32, #tpu.memory_space<vmem_shared>> -> memref<8x128xf32, #tpu.memory_space<vmem_shared>>
        %dma_start3A_49 = arith.constant 0 : i32
        %dma_start3A_50 = arith.constant 0 : i32
        %dma_start3A_51 = tpu.memref_slice %arg11[%dma_start3A_49, %dma_start3A_50] : memref<128x128xf32, #tpu.memory_space<vmem>> -> memref<8x128xf32, #tpu.memory_space<vmem>>
        tpu.enqueue_dma source(%dma_start3A_51 : memref<8x128xf32, #tpu.memory_space<vmem>>) target(%dma_start3A_48 : memref<8x128xf32, #tpu.memory_space<vmem_shared>>) target_semaphore(%run_scoped3A_40 : memref<!tpu.dma_semaphore, #tpu.memory_space<semaphore_mem>>)
        %dma_wait3A = arith.constant 0 : i32
        %dma_wait3A_52 = arith.constant 0 : i32
        %dma_wait3A_53 = tpu.memref_slice %arg11[%dma_wait3A, %dma_wait3A_52] : memref<128x128xf32, #tpu.memory_space<vmem>> -> memref<8x128xf32, #tpu.memory_space<vmem>>
        %dma_wait3A_54 = arith.constant 256 : i32
        %dma_wait3A_55 = arith.constant 0 : i32
        %dma_wait3A_56 = tpu.memref_slice %arg15[%dma_wait3A_54, %dma_wait3A_55] : memref<264x128xf32, #tpu.memory_space<vmem_shared>> -> memref<8x128xf32, #tpu.memory_space<vmem_shared>>
        %dma_wait3A_57 = arith.constant 256 : i32
        %dma_wait3A_58 = arith.constant 0 : i32
        %dma_wait3A_59 = tpu.memref_slice %arg15[%dma_wait3A_57, %dma_wait3A_58] : memref<264x128xf32, #tpu.memory_space<vmem_shared>> -> memref<8x128xf32, #tpu.memory_space<vmem_shared>>
        %dma_wait3A_60 = arith.constant 0 : i32
        %dma_wait3A_61 = arith.constant 0 : i32
        %dma_wait3A_62 = tpu.memref_slice %arg11[%dma_wait3A_60, %dma_wait3A_61] : memref<128x128xf32, #tpu.memory_space<vmem>> -> memref<8x128xf32, #tpu.memory_space<vmem>>
        tpu.wait_dma2 semaphore(%run_scoped3A_40 : memref<!tpu.dma_semaphore, #tpu.memory_space<semaphore_mem>>) src(%dma_wait3A_62 : memref<8x128xf32, #tpu.memory_space<vmem>>) dst(%dma_wait3A_59 : memref<8x128xf32, #tpu.memory_space<vmem_shared>>)
        tpu.yield
      }) : () -> ()
      "tpu.region"() ({
        %run_scoped3A_40 = tpu.sem_alloc : memref<!tpu.dma_semaphore, #tpu.memory_space<semaphore_mem>>
        %dma_start3A = arith.constant 0 : i32
        %dma_start3A_41 = arith.constant 0 : i32
        %dma_start3A_42 = tpu.memref_slice %arg13[%dma_start3A, %dma_start3A_41] : memref<128x16xf32, #tpu.memory_space<vmem>> -> memref<8x16xf32, #tpu.memory_space<vmem>>
        %dma_start3A_43 = arith.constant 256 : i32
        %dma_start3A_44 = arith.constant 0 : i32
        %dma_start3A_45 = tpu.memref_slice %arg16[%dma_start3A_43, %dma_start3A_44] : memref<264x16xf32, #tpu.memory_space<vmem_shared>> -> memref<8x16xf32, #tpu.memory_space<vmem_shared>>
        %dma_start3A_46 = arith.constant 256 : i32
        %dma_start3A_47 = arith.constant 0 : i32
        %dma_start3A_48 = tpu.memref_slice %arg16[%dma_start3A_46, %dma_start3A_47] : memref<264x16xf32, #tpu.memory_space<vmem_shared>> -> memref<8x16xf32, #tpu.memory_space<vmem_shared>>
        %dma_start3A_49 = arith.constant 0 : i32
        %dma_start3A_50 = arith.constant 0 : i32
        %dma_start3A_51 = tpu.memref_slice %arg13[%dma_start3A_49, %dma_start3A_50] : memref<128x16xf32, #tpu.memory_space<vmem>> -> memref<8x16xf32, #tpu.memory_space<vmem>>
        tpu.enqueue_dma source(%dma_start3A_51 : memref<8x16xf32, #tpu.memory_space<vmem>>) target(%dma_start3A_48 : memref<8x16xf32, #tpu.memory_space<vmem_shared>>) target_semaphore(%run_scoped3A_40 : memref<!tpu.dma_semaphore, #tpu.memory_space<semaphore_mem>>)
        %dma_wait3A = arith.constant 0 : i32
        %dma_wait3A_52 = arith.constant 0 : i32
        %dma_wait3A_53 = tpu.memref_slice %arg13[%dma_wait3A, %dma_wait3A_52] : memref<128x16xf32, #tpu.memory_space<vmem>> -> memref<8x16xf32, #tpu.memory_space<vmem>>
        %dma_wait3A_54 = arith.constant 256 : i32
        %dma_wait3A_55 = arith.constant 0 : i32
        %dma_wait3A_56 = tpu.memref_slice %arg16[%dma_wait3A_54, %dma_wait3A_55] : memref<264x16xf32, #tpu.memory_space<vmem_shared>> -> memref<8x16xf32, #tpu.memory_space<vmem_shared>>
        %dma_wait3A_57 = arith.constant 256 : i32
        %dma_wait3A_58 = arith.constant 0 : i32
        %dma_wait3A_59 = tpu.memref_slice %arg16[%dma_wait3A_57, %dma_wait3A_58] : memref<264x16xf32, #tpu.memory_space<vmem_shared>> -> memref<8x16xf32, #tpu.memory_space<vmem_shared>>
        %dma_wait3A_60 = arith.constant 0 : i32
        %dma_wait3A_61 = arith.constant 0 : i32
        %dma_wait3A_62 = tpu.memref_slice %arg13[%dma_wait3A_60, %dma_wait3A_61] : memref<128x16xf32, #tpu.memory_space<vmem>> -> memref<8x16xf32, #tpu.memory_space<vmem>>
        tpu.wait_dma2 semaphore(%run_scoped3A_40 : memref<!tpu.dma_semaphore, #tpu.memory_space<semaphore_mem>>) src(%dma_wait3A_62 : memref<8x16xf32, #tpu.memory_space<vmem>>) dst(%dma_wait3A_59 : memref<8x16xf32, #tpu.memory_space<vmem_shared>>)
        tpu.yield
      }) : () -> ()
    } else {
    }
    %barrier3A = arith.constant 0 : index
    tpu.barrier barrier_id(%barrier3A)
    %mul3A_20 = arith.constant 3 : i32
    %mul3A_21 = arith.muli %add3A, %mul3A_20 : i32
    %mul3A_22 = arith.constant 128 : i32
    %mul3A_23 = arith.muli %mul3A_21, %mul3A_22 : i32
    "tpu.region"() ({
      %run_scoped3A_40 = tpu.sem_alloc : memref<!tpu.dma_semaphore, #tpu.memory_space<semaphore_mem>>
      %dma_start3A = arith.constant 0 : i32
      %dma_start3A_41 = tpu.memref_slice %arg2[%mul3A_23, %dma_start3A] : memref<12288x128xf32, #tpu.memory_space<hbm>> -> memref<384x128xf32, #tpu.memory_space<hbm>>
      %dma_start3A_42 = arith.constant 0 : i32
      %dma_start3A_43 = tpu.memref_slice %arg2[%mul3A_23, %dma_start3A_42] : memref<12288x128xf32, #tpu.memory_space<hbm>> -> memref<384x128xf32, #tpu.memory_space<hbm>>
      tpu.enqueue_dma source(%dma_start3A_43 : memref<384x128xf32, #tpu.memory_space<hbm>>) target(%arg10 : memref<384x128xf32, #tpu.memory_space<vmem>>) target_semaphore(%run_scoped3A_40 : memref<!tpu.dma_semaphore, #tpu.memory_space<semaphore_mem>>)
      %dma_wait3A = arith.constant 0 : i32
      %dma_wait3A_44 = tpu.memref_slice %arg2[%mul3A_23, %dma_wait3A] : memref<12288x128xf32, #tpu.memory_space<hbm>> -> memref<384x128xf32, #tpu.memory_space<hbm>>
      %dma_wait3A_45 = arith.constant 0 : i32
      %dma_wait3A_46 = tpu.memref_slice %arg2[%mul3A_23, %dma_wait3A_45] : memref<12288x128xf32, #tpu.memory_space<hbm>> -> memref<384x128xf32, #tpu.memory_space<hbm>>
      tpu.wait_dma2 semaphore(%run_scoped3A_40 : memref<!tpu.dma_semaphore, #tpu.memory_space<semaphore_mem>>) src(%dma_wait3A_46 : memref<384x128xf32, #tpu.memory_space<hbm>>) dst(%arg10 : memref<384x128xf32, #tpu.memory_space<vmem>>)
      tpu.yield
    }) : () -> ()
    "tpu.region"() ({
      %run_scoped3A_40 = tpu.sem_alloc : memref<!tpu.dma_semaphore, #tpu.memory_space<semaphore_mem>>
      %dma_start3A = arith.constant 0 : i32
      %dma_start3A_41 = arith.constant 0 : i32
      %dma_start3A_42 = tpu.memref_slice %arg3[%add3A, %dma_start3A, %dma_start3A_41] : memref<32x3x128xi32, #tpu.memory_space<hbm>> -> memref<1x3x128xi32, #tpu.memory_space<hbm>>
      %dma_start3A_43 = tpu.memref_squeeze %dma_start3A_42 : memref<1x3x128xi32, #tpu.memory_space<hbm>> -> memref<3x128xi32, #tpu.memory_space<hbm>>
      %dma_start3A_44 = arith.constant 0 : i32
      %dma_start3A_45 = arith.constant 0 : i32
      %dma_start3A_46 = tpu.memref_slice %arg3[%add3A, %dma_start3A_44, %dma_start3A_45] : memref<32x3x128xi32, #tpu.memory_space<hbm>> -> memref<1x3x128xi32, #tpu.memory_space<hbm>>
      %dma_start3A_47 = tpu.memref_squeeze %dma_start3A_46 : memref<1x3x128xi32, #tpu.memory_space<hbm>> -> memref<3x128xi32, #tpu.memory_space<hbm>>
      tpu.enqueue_dma source(%dma_start3A_47 : memref<3x128xi32, #tpu.memory_space<hbm>>) target(%arg9 : memref<3x128xi32, #tpu.memory_space<vmem>>) target_semaphore(%run_scoped3A_40 : memref<!tpu.dma_semaphore, #tpu.memory_space<semaphore_mem>>)
      %dma_wait3A = arith.constant 0 : i32
      %dma_wait3A_48 = arith.constant 0 : i32
      %dma_wait3A_49 = tpu.memref_slice %arg3[%add3A, %dma_wait3A, %dma_wait3A_48] : memref<32x3x128xi32, #tpu.memory_space<hbm>> -> memref<1x3x128xi32, #tpu.memory_space<hbm>>
      %dma_wait3A_50 = tpu.memref_squeeze %dma_wait3A_49 : memref<1x3x128xi32, #tpu.memory_space<hbm>> -> memref<3x128xi32, #tpu.memory_space<hbm>>
      %dma_wait3A_51 = arith.constant 0 : i32
      %dma_wait3A_52 = arith.constant 0 : i32
      %dma_wait3A_53 = tpu.memref_slice %arg3[%add3A, %dma_wait3A_51, %dma_wait3A_52] : memref<32x3x128xi32, #tpu.memory_space<hbm>> -> memref<1x3x128xi32, #tpu.memory_space<hbm>>
      %dma_wait3A_54 = tpu.memref_squeeze %dma_wait3A_53 : memref<1x3x128xi32, #tpu.memory_space<hbm>> -> memref<3x128xi32, #tpu.memory_space<hbm>>
      tpu.wait_dma2 semaphore(%run_scoped3A_40 : memref<!tpu.dma_semaphore, #tpu.memory_space<semaphore_mem>>) src(%dma_wait3A_54 : memref<3x128xi32, #tpu.memory_space<hbm>>) dst(%arg9 : memref<3x128xi32, #tpu.memory_space<vmem>>)
      tpu.yield
    }) : () -> ()
    %run_scoped3A = arith.constant 0 : i32
    "tpu.region"() ({
      %run_scoped3A_40 = tpu.sem_alloc : memref<!tpu.dma_semaphore, #tpu.memory_space<semaphore_mem>>
      %dma_start3A = arith.constant 0 : i32
      %dma_start3A_41 = arith.constant 0 : i32
      %dma_start3A_42 = tpu.memref_slice %arg10[%dma_start3A, %dma_start3A_41] : memref<384x128xf32, #tpu.memory_space<vmem>> -> memref<128x128xf32, #tpu.memory_space<vmem>>
      %dma_start3A_43 = arith.constant 0 : i32
      %dma_start3A_44 = tpu.memref_slice %arg9[%run_scoped3A, %dma_start3A_43] : memref<3x128xi32, #tpu.memory_space<vmem>> -> memref<1x128xi32, #tpu.memory_space<vmem>>
      %dma_start3A_45 = tpu.memref_squeeze %dma_start3A_44 : memref<1x128xi32, #tpu.memory_space<vmem>> -> memref<128xi32, #tpu.memory_space<vmem>>
      %dma_start3A_46 = arith.constant 0 : i32
      %dma_start3A_47 = arith.constant 0 : i32
      %dma_start3A_48 = tpu.memref_slice %arg15[%dma_start3A_46, %dma_start3A_47] : memref<264x128xf32, #tpu.memory_space<vmem_shared>> -> memref<264x128xf32, #tpu.memory_space<vmem_shared>>
      tpu.enqueue_indirect_dma source(%dma_start3A_42 : memref<128x128xf32, #tpu.memory_space<vmem>>) target(%dma_start3A_48 : memref<264x128xf32, #tpu.memory_space<vmem_shared>>) offsets(%dma_start3A_45 : memref<128xi32, #tpu.memory_space<vmem>>) semaphore(%run_scoped3A_40 : memref<!tpu.dma_semaphore, #tpu.memory_space<semaphore_mem>>) {add = true}
      %dma_wait3A = arith.constant 0 : i32
      %dma_wait3A_49 = arith.constant 0 : i32
      %dma_wait3A_50 = tpu.memref_slice %arg10[%dma_wait3A, %dma_wait3A_49] : memref<384x128xf32, #tpu.memory_space<vmem>> -> memref<128x128xf32, #tpu.memory_space<vmem>>
      %dma_wait3A_51 = arith.constant 0 : i32
      %dma_wait3A_52 = tpu.memref_slice %arg9[%run_scoped3A, %dma_wait3A_51] : memref<3x128xi32, #tpu.memory_space<vmem>> -> memref<1x128xi32, #tpu.memory_space<vmem>>
      %dma_wait3A_53 = tpu.memref_squeeze %dma_wait3A_52 : memref<1x128xi32, #tpu.memory_space<vmem>> -> memref<128xi32, #tpu.memory_space<vmem>>
      %dma_wait3A_54 = arith.constant 0 : i32
      %dma_wait3A_55 = arith.constant 0 : i32
      %dma_wait3A_56 = tpu.memref_slice %arg15[%dma_wait3A_54, %dma_wait3A_55] : memref<264x128xf32, #tpu.memory_space<vmem_shared>> -> memref<264x128xf32, #tpu.memory_space<vmem_shared>>
      tpu.wait_indirect_dma semaphore(%run_scoped3A_40 : memref<!tpu.dma_semaphore, #tpu.memory_space<semaphore_mem>>) src(%dma_wait3A_50 : memref<128x128xf32, #tpu.memory_space<vmem>>) dst(%dma_wait3A_56 : memref<264x128xf32, #tpu.memory_space<vmem_shared>>)
      tpu.yield
    }) : () -> ()
    %run_scoped3A_24 = arith.constant 0 : i32
    "tpu.region"() ({
      %run_scoped3A_40 = tpu.sem_alloc : memref<!tpu.dma_semaphore, #tpu.memory_space<semaphore_mem>>
      %dma_start3A = arith.constant 0 : i32
      %dma_start3A_41 = tpu.memref_slice %arg9[%run_scoped3A_24, %dma_start3A] : memref<3x128xi32, #tpu.memory_space<vmem>> -> memref<1x128xi32, #tpu.memory_space<vmem>>
      %dma_start3A_42 = tpu.memref_squeeze %dma_start3A_41 : memref<1x128xi32, #tpu.memory_space<vmem>> -> memref<128xi32, #tpu.memory_space<vmem>>
      %dma_start3A_43 = arith.constant 0 : i32
      %dma_start3A_44 = arith.constant 0 : i32
      %dma_start3A_45 = tpu.memref_slice %arg16[%dma_start3A_43, %dma_start3A_44] : memref<264x16xf32, #tpu.memory_space<vmem_shared>> -> memref<264x16xf32, #tpu.memory_space<vmem_shared>>
      tpu.enqueue_indirect_dma source(%arg12 : memref<128x16xf32, #tpu.memory_space<vmem>>) target(%dma_start3A_45 : memref<264x16xf32, #tpu.memory_space<vmem_shared>>) offsets(%dma_start3A_42 : memref<128xi32, #tpu.memory_space<vmem>>) semaphore(%run_scoped3A_40 : memref<!tpu.dma_semaphore, #tpu.memory_space<semaphore_mem>>) {add = true}
      %dma_wait3A = arith.constant 0 : i32
      %dma_wait3A_46 = tpu.memref_slice %arg9[%run_scoped3A_24, %dma_wait3A] : memref<3x128xi32, #tpu.memory_space<vmem>> -> memref<1x128xi32, #tpu.memory_space<vmem>>
      %dma_wait3A_47 = tpu.memref_squeeze %dma_wait3A_46 : memref<1x128xi32, #tpu.memory_space<vmem>> -> memref<128xi32, #tpu.memory_space<vmem>>
      %dma_wait3A_48 = arith.constant 0 : i32
      %dma_wait3A_49 = arith.constant 0 : i32
      %dma_wait3A_50 = tpu.memref_slice %arg16[%dma_wait3A_48, %dma_wait3A_49] : memref<264x16xf32, #tpu.memory_space<vmem_shared>> -> memref<264x16xf32, #tpu.memory_space<vmem_shared>>
      tpu.wait_indirect_dma semaphore(%run_scoped3A_40 : memref<!tpu.dma_semaphore, #tpu.memory_space<semaphore_mem>>) src(%arg12 : memref<128x16xf32, #tpu.memory_space<vmem>>) dst(%dma_wait3A_50 : memref<264x16xf32, #tpu.memory_space<vmem_shared>>)
      tpu.yield
    }) : () -> ()
    %run_scoped3A_25 = arith.constant 1 : i32
    "tpu.region"() ({
      %run_scoped3A_40 = tpu.sem_alloc : memref<!tpu.dma_semaphore, #tpu.memory_space<semaphore_mem>>
      %dma_start3A = arith.constant 128 : i32
      %dma_start3A_41 = arith.constant 0 : i32
      %dma_start3A_42 = tpu.memref_slice %arg10[%dma_start3A, %dma_start3A_41] : memref<384x128xf32, #tpu.memory_space<vmem>> -> memref<128x128xf32, #tpu.memory_space<vmem>>
      %dma_start3A_43 = arith.constant 0 : i32
      %dma_start3A_44 = tpu.memref_slice %arg9[%run_scoped3A_25, %dma_start3A_43] : memref<3x128xi32, #tpu.memory_space<vmem>> -> memref<1x128xi32, #tpu.memory_space<vmem>>
      %dma_start3A_45 = tpu.memref_squeeze %dma_start3A_44 : memref<1x128xi32, #tpu.memory_space<vmem>> -> memref<128xi32, #tpu.memory_space<vmem>>
      %dma_start3A_46 = arith.constant 0 : i32
      %dma_start3A_47 = arith.constant 0 : i32
      %dma_start3A_48 = tpu.memref_slice %arg15[%dma_start3A_46, %dma_start3A_47] : memref<264x128xf32, #tpu.memory_space<vmem_shared>> -> memref<264x128xf32, #tpu.memory_space<vmem_shared>>
      tpu.enqueue_indirect_dma source(%dma_start3A_42 : memref<128x128xf32, #tpu.memory_space<vmem>>) target(%dma_start3A_48 : memref<264x128xf32, #tpu.memory_space<vmem_shared>>) offsets(%dma_start3A_45 : memref<128xi32, #tpu.memory_space<vmem>>) semaphore(%run_scoped3A_40 : memref<!tpu.dma_semaphore, #tpu.memory_space<semaphore_mem>>) {add = true}
      %dma_wait3A = arith.constant 128 : i32
      %dma_wait3A_49 = arith.constant 0 : i32
      %dma_wait3A_50 = tpu.memref_slice %arg10[%dma_wait3A, %dma_wait3A_49] : memref<384x128xf32, #tpu.memory_space<vmem>> -> memref<128x128xf32, #tpu.memory_space<vmem>>
      %dma_wait3A_51 = arith.constant 0 : i32
      %dma_wait3A_52 = tpu.memref_slice %arg9[%run_scoped3A_25, %dma_wait3A_51] : memref<3x128xi32, #tpu.memory_space<vmem>> -> memref<1x128xi32, #tpu.memory_space<vmem>>
      %dma_wait3A_53 = tpu.memref_squeeze %dma_wait3A_52 : memref<1x128xi32, #tpu.memory_space<vmem>> -> memref<128xi32, #tpu.memory_space<vmem>>
      %dma_wait3A_54 = arith.constant 0 : i32
      %dma_wait3A_55 = arith.constant 0 : i32
      %dma_wait3A_56 = tpu.memref_slice %arg15[%dma_wait3A_54, %dma_wait3A_55] : memref<264x128xf32, #tpu.memory_space<vmem_shared>> -> memref<264x128xf32, #tpu.memory_space<vmem_shared>>
      tpu.wait_indirect_dma semaphore(%run_scoped3A_40 : memref<!tpu.dma_semaphore, #tpu.memory_space<semaphore_mem>>) src(%dma_wait3A_50 : memref<128x128xf32, #tpu.memory_space<vmem>>) dst(%dma_wait3A_56 : memref<264x128xf32, #tpu.memory_space<vmem_shared>>)
      tpu.yield
    }) : () -> ()
    %run_scoped3A_26 = arith.constant 1 : i32
    "tpu.region"() ({
      %run_scoped3A_40 = tpu.sem_alloc : memref<!tpu.dma_semaphore, #tpu.memory_space<semaphore_mem>>
      %dma_start3A = arith.constant 0 : i32
      %dma_start3A_41 = tpu.memref_slice %arg9[%run_scoped3A_26, %dma_start3A] : memref<3x128xi32, #tpu.memory_space<vmem>> -> memref<1x128xi32, #tpu.memory_space<vmem>>
      %dma_start3A_42 = tpu.memref_squeeze %dma_start3A_41 : memref<1x128xi32, #tpu.memory_space<vmem>> -> memref<128xi32, #tpu.memory_space<vmem>>
      %dma_start3A_43 = arith.constant 0 : i32
      %dma_start3A_44 = arith.constant 0 : i32
      %dma_start3A_45 = tpu.memref_slice %arg16[%dma_start3A_43, %dma_start3A_44] : memref<264x16xf32, #tpu.memory_space<vmem_shared>> -> memref<264x16xf32, #tpu.memory_space<vmem_shared>>
      tpu.enqueue_indirect_dma source(%arg12 : memref<128x16xf32, #tpu.memory_space<vmem>>) target(%dma_start3A_45 : memref<264x16xf32, #tpu.memory_space<vmem_shared>>) offsets(%dma_start3A_42 : memref<128xi32, #tpu.memory_space<vmem>>) semaphore(%run_scoped3A_40 : memref<!tpu.dma_semaphore, #tpu.memory_space<semaphore_mem>>) {add = true}
      %dma_wait3A = arith.constant 0 : i32
      %dma_wait3A_46 = tpu.memref_slice %arg9[%run_scoped3A_26, %dma_wait3A] : memref<3x128xi32, #tpu.memory_space<vmem>> -> memref<1x128xi32, #tpu.memory_space<vmem>>
      %dma_wait3A_47 = tpu.memref_squeeze %dma_wait3A_46 : memref<1x128xi32, #tpu.memory_space<vmem>> -> memref<128xi32, #tpu.memory_space<vmem>>
      %dma_wait3A_48 = arith.constant 0 : i32
      %dma_wait3A_49 = arith.constant 0 : i32
      %dma_wait3A_50 = tpu.memref_slice %arg16[%dma_wait3A_48, %dma_wait3A_49] : memref<264x16xf32, #tpu.memory_space<vmem_shared>> -> memref<264x16xf32, #tpu.memory_space<vmem_shared>>
      tpu.wait_indirect_dma semaphore(%run_scoped3A_40 : memref<!tpu.dma_semaphore, #tpu.memory_space<semaphore_mem>>) src(%arg12 : memref<128x16xf32, #tpu.memory_space<vmem>>) dst(%dma_wait3A_50 : memref<264x16xf32, #tpu.memory_space<vmem_shared>>)
      tpu.yield
    }) : () -> ()
    %run_scoped3A_27 = arith.constant 2 : i32
    "tpu.region"() ({
      %run_scoped3A_40 = tpu.sem_alloc : memref<!tpu.dma_semaphore, #tpu.memory_space<semaphore_mem>>
      %dma_start3A = arith.constant 256 : i32
      %dma_start3A_41 = arith.constant 0 : i32
      %dma_start3A_42 = tpu.memref_slice %arg10[%dma_start3A, %dma_start3A_41] : memref<384x128xf32, #tpu.memory_space<vmem>> -> memref<128x128xf32, #tpu.memory_space<vmem>>
      %dma_start3A_43 = arith.constant 0 : i32
      %dma_start3A_44 = tpu.memref_slice %arg9[%run_scoped3A_27, %dma_start3A_43] : memref<3x128xi32, #tpu.memory_space<vmem>> -> memref<1x128xi32, #tpu.memory_space<vmem>>
      %dma_start3A_45 = tpu.memref_squeeze %dma_start3A_44 : memref<1x128xi32, #tpu.memory_space<vmem>> -> memref<128xi32, #tpu.memory_space<vmem>>
      %dma_start3A_46 = arith.constant 0 : i32
      %dma_start3A_47 = arith.constant 0 : i32
      %dma_start3A_48 = tpu.memref_slice %arg15[%dma_start3A_46, %dma_start3A_47] : memref<264x128xf32, #tpu.memory_space<vmem_shared>> -> memref<264x128xf32, #tpu.memory_space<vmem_shared>>
      tpu.enqueue_indirect_dma source(%dma_start3A_42 : memref<128x128xf32, #tpu.memory_space<vmem>>) target(%dma_start3A_48 : memref<264x128xf32, #tpu.memory_space<vmem_shared>>) offsets(%dma_start3A_45 : memref<128xi32, #tpu.memory_space<vmem>>) semaphore(%run_scoped3A_40 : memref<!tpu.dma_semaphore, #tpu.memory_space<semaphore_mem>>) {add = true}
      %dma_wait3A = arith.constant 256 : i32
      %dma_wait3A_49 = arith.constant 0 : i32
      %dma_wait3A_50 = tpu.memref_slice %arg10[%dma_wait3A, %dma_wait3A_49] : memref<384x128xf32, #tpu.memory_space<vmem>> -> memref<128x128xf32, #tpu.memory_space<vmem>>
      %dma_wait3A_51 = arith.constant 0 : i32
      %dma_wait3A_52 = tpu.memref_slice %arg9[%run_scoped3A_27, %dma_wait3A_51] : memref<3x128xi32, #tpu.memory_space<vmem>> -> memref<1x128xi32, #tpu.memory_space<vmem>>
      %dma_wait3A_53 = tpu.memref_squeeze %dma_wait3A_52 : memref<1x128xi32, #tpu.memory_space<vmem>> -> memref<128xi32, #tpu.memory_space<vmem>>
      %dma_wait3A_54 = arith.constant 0 : i32
      %dma_wait3A_55 = arith.constant 0 : i32
      %dma_wait3A_56 = tpu.memref_slice %arg15[%dma_wait3A_54, %dma_wait3A_55] : memref<264x128xf32, #tpu.memory_space<vmem_shared>> -> memref<264x128xf32, #tpu.memory_space<vmem_shared>>
      tpu.wait_indirect_dma semaphore(%run_scoped3A_40 : memref<!tpu.dma_semaphore, #tpu.memory_space<semaphore_mem>>) src(%dma_wait3A_50 : memref<128x128xf32, #tpu.memory_space<vmem>>) dst(%dma_wait3A_56 : memref<264x128xf32, #tpu.memory_space<vmem_shared>>)
      tpu.yield
    }) : () -> ()
    %run_scoped3A_28 = arith.constant 2 : i32
    "tpu.region"() ({
      %run_scoped3A_40 = tpu.sem_alloc : memref<!tpu.dma_semaphore, #tpu.memory_space<semaphore_mem>>
      %dma_start3A = arith.constant 0 : i32
      %dma_start3A_41 = tpu.memref_slice %arg9[%run_scoped3A_28, %dma_start3A] : memref<3x128xi32, #tpu.memory_space<vmem>> -> memref<1x128xi32, #tpu.memory_space<vmem>>
      %dma_start3A_42 = tpu.memref_squeeze %dma_start3A_41 : memref<1x128xi32, #tpu.memory_space<vmem>> -> memref<128xi32, #tpu.memory_space<vmem>>
      %dma_start3A_43 = arith.constant 0 : i32
      %dma_start3A_44 = arith.constant 0 : i32
      %dma_start3A_45 = tpu.memref_slice %arg16[%dma_start3A_43, %dma_start3A_44] : memref<264x16xf32, #tpu.memory_space<vmem_shared>> -> memref<264x16xf32, #tpu.memory_space<vmem_shared>>
      tpu.enqueue_indirect_dma source(%arg12 : memref<128x16xf32, #tpu.memory_space<vmem>>) target(%dma_start3A_45 : memref<264x16xf32, #tpu.memory_space<vmem_shared>>) offsets(%dma_start3A_42 : memref<128xi32, #tpu.memory_space<vmem>>) semaphore(%run_scoped3A_40 : memref<!tpu.dma_semaphore, #tpu.memory_space<semaphore_mem>>) {add = true}
      %dma_wait3A = arith.constant 0 : i32
      %dma_wait3A_46 = tpu.memref_slice %arg9[%run_scoped3A_28, %dma_wait3A] : memref<3x128xi32, #tpu.memory_space<vmem>> -> memref<1x128xi32, #tpu.memory_space<vmem>>
      %dma_wait3A_47 = tpu.memref_squeeze %dma_wait3A_46 : memref<1x128xi32, #tpu.memory_space<vmem>> -> memref<128xi32, #tpu.memory_space<vmem>>
      %dma_wait3A_48 = arith.constant 0 : i32
      %dma_wait3A_49 = arith.constant 0 : i32
      %dma_wait3A_50 = tpu.memref_slice %arg16[%dma_wait3A_48, %dma_wait3A_49] : memref<264x16xf32, #tpu.memory_space<vmem_shared>> -> memref<264x16xf32, #tpu.memory_space<vmem_shared>>
      tpu.wait_indirect_dma semaphore(%run_scoped3A_40 : memref<!tpu.dma_semaphore, #tpu.memory_space<semaphore_mem>>) src(%arg12 : memref<128x16xf32, #tpu.memory_space<vmem>>) dst(%dma_wait3A_50 : memref<264x16xf32, #tpu.memory_space<vmem_shared>>)
      tpu.yield
    }) : () -> ()
    %barrier3A_29 = arith.constant 0 : index
    tpu.barrier barrier_id(%barrier3A_29)
    %eq3A_30 = arith.constant 0 : i32
    %eq3A_31 = arith.cmpi eq, %arg1, %eq3A_30 : i32
    %convert_element_type3A_32 = arith.extui %eq3A_31 : i1 to i32
    %cond3A_33 = arith.constant 0 : i32
    %cond3A_34 = arith.cmpi ne, %convert_element_type3A_32, %cond3A_33 : i32
    scf.if %cond3A_34 {
      "tpu.region"() ({
        %run_scoped3A_40 = tpu.sem_alloc : memref<!tpu.dma_semaphore, #tpu.memory_space<semaphore_mem>>
        %dma_start3A = arith.constant 0 : i32
        %dma_start3A_41 = arith.constant 0 : i32
        %dma_start3A_42 = tpu.memref_slice %arg6[%arg0, %dma_start3A, %dma_start3A_41] : memref<2x264x128xf32, #tpu.memory_space<hbm>> -> memref<1x264x128xf32, #tpu.memory_space<hbm>>
        %dma_start3A_43 = tpu.memref_squeeze %dma_start3A_42 : memref<1x264x128xf32, #tpu.memory_space<hbm>> -> memref<264x128xf32, #tpu.memory_space<hbm>>
        tpu.enqueue_dma source(%arg15 : memref<264x128xf32, #tpu.memory_space<vmem_shared>>) target(%dma_start3A_43 : memref<264x128xf32, #tpu.memory_space<hbm>>) target_semaphore(%run_scoped3A_40 : memref<!tpu.dma_semaphore, #tpu.memory_space<semaphore_mem>>)
        %dma_wait3A = arith.constant 0 : i32
        %dma_wait3A_44 = arith.constant 0 : i32
        %dma_wait3A_45 = tpu.memref_slice %arg6[%arg0, %dma_wait3A, %dma_wait3A_44] : memref<2x264x128xf32, #tpu.memory_space<hbm>> -> memref<1x264x128xf32, #tpu.memory_space<hbm>>
        %dma_wait3A_46 = tpu.memref_squeeze %dma_wait3A_45 : memref<1x264x128xf32, #tpu.memory_space<hbm>> -> memref<264x128xf32, #tpu.memory_space<hbm>>
        tpu.wait_dma2 semaphore(%run_scoped3A_40 : memref<!tpu.dma_semaphore, #tpu.memory_space<semaphore_mem>>) src(%arg15 : memref<264x128xf32, #tpu.memory_space<vmem_shared>>) dst(%dma_wait3A_46 : memref<264x128xf32, #tpu.memory_space<hbm>>)
        tpu.yield
      }) : () -> ()
      "tpu.region"() ({
        %run_scoped3A_40 = tpu.sem_alloc : memref<!tpu.dma_semaphore, #tpu.memory_space<semaphore_mem>>
        %dma_start3A = arith.constant 0 : i32
        %dma_start3A_41 = arith.constant 0 : i32
        %dma_start3A_42 = tpu.memref_slice %arg7[%arg0, %dma_start3A, %dma_start3A_41] : memref<2x264x16xf32, #tpu.memory_space<hbm>> -> memref<1x264x16xf32, #tpu.memory_space<hbm>>
        %dma_start3A_43 = tpu.memref_squeeze %dma_start3A_42 : memref<1x264x16xf32, #tpu.memory_space<hbm>> -> memref<264x16xf32, #tpu.memory_space<hbm>>
        tpu.enqueue_dma source(%arg16 : memref<264x16xf32, #tpu.memory_space<vmem_shared>>) target(%dma_start3A_43 : memref<264x16xf32, #tpu.memory_space<hbm>>) target_semaphore(%run_scoped3A_40 : memref<!tpu.dma_semaphore, #tpu.memory_space<semaphore_mem>>)
        %dma_wait3A = arith.constant 0 : i32
        %dma_wait3A_44 = arith.constant 0 : i32
        %dma_wait3A_45 = tpu.memref_slice %arg7[%arg0, %dma_wait3A, %dma_wait3A_44] : memref<2x264x16xf32, #tpu.memory_space<hbm>> -> memref<1x264x16xf32, #tpu.memory_space<hbm>>
        %dma_wait3A_46 = tpu.memref_squeeze %dma_wait3A_45 : memref<1x264x16xf32, #tpu.memory_space<hbm>> -> memref<264x16xf32, #tpu.memory_space<hbm>>
        tpu.wait_dma2 semaphore(%run_scoped3A_40 : memref<!tpu.dma_semaphore, #tpu.memory_space<semaphore_mem>>) src(%arg16 : memref<264x16xf32, #tpu.memory_space<vmem_shared>>) dst(%dma_wait3A_46 : memref<264x16xf32, #tpu.memory_space<hbm>>)
        tpu.yield
      }) : () -> ()
    } else {
    }
    %eq3A_35 = arith.constant 1 : i32
    %eq3A_36 = arith.cmpi eq, %arg1, %eq3A_35 : i32
    %convert_element_type3A_37 = arith.extui %eq3A_36 : i1 to i32
    %cond3A_38 = arith.constant 0 : i32
    %cond3A_39 = arith.cmpi ne, %convert_element_type3A_37, %cond3A_38 : i32
    scf.if %cond3A_39 {
      "tpu.region"() ({
        %run_scoped3A_54 = tpu.sem_alloc : memref<!tpu.dma_semaphore, #tpu.memory_space<semaphore_mem>>
        %dma_start3A_55 = arith.constant 0 : i32
        %dma_start3A_56 = tpu.memref_slice %arg4[%arg0, %dma_start3A_55] : memref<2x128xi32, #tpu.memory_space<hbm>> -> memref<1x128xi32, #tpu.memory_space<hbm>>
        %dma_start3A_57 = arith.constant 0 : i32
        %dma_start3A_58 = tpu.memref_slice %arg4[%arg0, %dma_start3A_57] : memref<2x128xi32, #tpu.memory_space<hbm>> -> memref<1x128xi32, #tpu.memory_space<hbm>>
        tpu.enqueue_dma source(%dma_start3A_58 : memref<1x128xi32, #tpu.memory_space<hbm>>) target(%arg14 : memref<1x128xi32, #tpu.memory_space<vmem>>) target_semaphore(%run_scoped3A_54 : memref<!tpu.dma_semaphore, #tpu.memory_space<semaphore_mem>>)
        %dma_wait3A_59 = arith.constant 0 : i32
        %dma_wait3A_60 = tpu.memref_slice %arg4[%arg0, %dma_wait3A_59] : memref<2x128xi32, #tpu.memory_space<hbm>> -> memref<1x128xi32, #tpu.memory_space<hbm>>
        %dma_wait3A_61 = arith.constant 0 : i32
        %dma_wait3A_62 = tpu.memref_slice %arg4[%arg0, %dma_wait3A_61] : memref<2x128xi32, #tpu.memory_space<hbm>> -> memref<1x128xi32, #tpu.memory_space<hbm>>
        tpu.wait_dma2 semaphore(%run_scoped3A_54 : memref<!tpu.dma_semaphore, #tpu.memory_space<semaphore_mem>>) src(%dma_wait3A_62 : memref<1x128xi32, #tpu.memory_space<hbm>>) dst(%arg14 : memref<1x128xi32, #tpu.memory_space<vmem>>)
        tpu.yield
      }) : () -> ()
      %dma_start3A = arith.constant 0 : i32
      %dma_start3A_40 = arith.constant 0 : i32
      %dma_start3A_41 = tpu.memref_slice %arg14[%dma_start3A, %dma_start3A_40] : memref<1x128xi32, #tpu.memory_space<vmem>> -> memref<1x128xi32, #tpu.memory_space<vmem>>
      %dma_start3A_42 = tpu.memref_squeeze %dma_start3A_41 : memref<1x128xi32, #tpu.memory_space<vmem>> -> memref<128xi32, #tpu.memory_space<vmem>>
      %dma_start3A_43 = arith.constant 0 : i32
      %dma_start3A_44 = arith.constant 0 : i32
      %dma_start3A_45 = tpu.memref_slice %arg5[%dma_start3A_43, %dma_start3A_44] : memref<100000x128xf32, #tpu.memory_space<hbm>> -> memref<100000x128xf32, #tpu.memory_space<hbm>>
      tpu.enqueue_indirect_dma source(%dma_start3A_45 : memref<100000x128xf32, #tpu.memory_space<hbm>>) target(%arg11 : memref<128x128xf32, #tpu.memory_space<vmem>>) offsets(%dma_start3A_42 : memref<128xi32, #tpu.memory_space<vmem>>) semaphore(%arg17 : memref<!tpu.dma_semaphore, #tpu.memory_space<semaphore_mem>>)
      %dma_wait3A = arith.constant 0 : i32
      %dma_wait3A_46 = arith.constant 0 : i32
      %dma_wait3A_47 = tpu.memref_slice %arg14[%dma_wait3A, %dma_wait3A_46] : memref<1x128xi32, #tpu.memory_space<vmem>> -> memref<1x128xi32, #tpu.memory_space<vmem>>
      %dma_wait3A_48 = tpu.memref_squeeze %dma_wait3A_47 : memref<1x128xi32, #tpu.memory_space<vmem>> -> memref<128xi32, #tpu.memory_space<vmem>>
      %dma_wait3A_49 = arith.constant 0 : i32
      %dma_wait3A_50 = arith.constant 0 : i32
      %dma_wait3A_51 = tpu.memref_slice %arg5[%dma_wait3A_49, %dma_wait3A_50] : memref<100000x128xf32, #tpu.memory_space<hbm>> -> memref<100000x128xf32, #tpu.memory_space<hbm>>
      tpu.wait_indirect_dma semaphore(%arg17 : memref<!tpu.dma_semaphore, #tpu.memory_space<semaphore_mem>>) src(%dma_wait3A_51 : memref<100000x128xf32, #tpu.memory_space<hbm>>) dst(%arg11 : memref<128x128xf32, #tpu.memory_space<vmem>>)
      %mul3A_52 = arith.constant 128 : i32
      %mul3A_53 = arith.muli %arg0, %mul3A_52 : i32
      "tpu.region"() ({
        %run_scoped3A_54 = tpu.sem_alloc : memref<!tpu.dma_semaphore, #tpu.memory_space<semaphore_mem>>
        %dma_start3A_55 = arith.constant 0 : i32
        %dma_start3A_56 = tpu.memref_slice %arg8[%mul3A_53, %dma_start3A_55] : memref<256x128xf32, #tpu.memory_space<hbm>> -> memref<128x128xf32, #tpu.memory_space<hbm>>
        %dma_start3A_57 = arith.constant 0 : i32
        %dma_start3A_58 = tpu.memref_slice %arg8[%mul3A_53, %dma_start3A_57] : memref<256x128xf32, #tpu.memory_space<hbm>> -> memref<128x128xf32, #tpu.memory_space<hbm>>
        tpu.enqueue_dma source(%arg11 : memref<128x128xf32, #tpu.memory_space<vmem>>) target(%dma_start3A_58 : memref<128x128xf32, #tpu.memory_space<hbm>>) target_semaphore(%run_scoped3A_54 : memref<!tpu.dma_semaphore, #tpu.memory_space<semaphore_mem>>)
        %dma_wait3A_59 = arith.constant 0 : i32
        %dma_wait3A_60 = tpu.memref_slice %arg8[%mul3A_53, %dma_wait3A_59] : memref<256x128xf32, #tpu.memory_space<hbm>> -> memref<128x128xf32, #tpu.memory_space<hbm>>
        %dma_wait3A_61 = arith.constant 0 : i32
        %dma_wait3A_62 = tpu.memref_slice %arg8[%mul3A_53, %dma_wait3A_61] : memref<256x128xf32, #tpu.memory_space<hbm>> -> memref<128x128xf32, #tpu.memory_space<hbm>>
        tpu.wait_dma2 semaphore(%run_scoped3A_54 : memref<!tpu.dma_semaphore, #tpu.memory_space<semaphore_mem>>) src(%arg11 : memref<128x128xf32, #tpu.memory_space<vmem>>) dst(%dma_wait3A_62 : memref<128x128xf32, #tpu.memory_space<hbm>>)
        tpu.yield
      }) : () -> ()
    } else {
    }
    return
  }
}

#map = affine_map<(d0, d1) -> (0, 0, 0)>
module attributes {stable_mosaic.version = 14 : i64} {
  func.func @_deg_body(%arg0: i32, %arg1: i32, %arg2: memref<32x79x128xi32, #tpu.memory_space<hbm>>, %arg3: memref<2x10112x16xf32, #tpu.memory_space<hbm>>, %arg4: memref<79x128xi32, #tpu.memory_space<vmem>>, %arg5: memref<128x16xf32, #tpu.memory_space<vmem>>, %arg6: memref<128x16xf32, #tpu.memory_space<vmem>>, %arg7: memref<10112x16xf32, #tpu.memory_space<vmem_shared>>) attributes {dimension_semantics = [#tpu.dimension_semantics<core_parallel>, #tpu.dimension_semantics<subcore_parallel>], iteration_bounds = array<i64: 2, 16>, scalar_prefetch = 0 : i64, scratch_operands = 4 : i64, tpu.core_type = #tpu.core_type<sc_vector_subcore>, window_params = [{transform_indices = #map}, {transform_indices = #map}]} {
    %mul3A = arith.constant 2 : i32
    %mul3A_0 = arith.muli %arg1, %mul3A : i32
    %add3A = arith.addi %mul3A_0, %arg0 : i32
    %scan3A = arith.constant 0 : i32
    %scan3A_1 = arith.constant 0 : i32
    %scan3A_2 = arith.constant 128 : i32
    %scan3A_3 = arith.addi %scan3A_1, %scan3A_2 : i32
    %scan3A_4 = arith.constant 1 : i32
    scf.for %scan3A_31 = %scan3A_1 to %scan3A_3 step %scan3A_4  : i32 {
      %broadcast_in_dim3A = arith.constant 1.000000e+00 : f32
      %broadcast_in_dim3A_32 = vector.broadcast %broadcast_in_dim3A : f32 to vector<16xf32>
      %swap3A = arith.index_cast %scan3A_31 : i32 to index
      %swap3A_33 = arith.constant 0 : index
      %swap3A_34 = tpu.vector_load %arg5[%swap3A, %swap3A_33] {strides = array<i32>} : memref<128x16xf32, #tpu.memory_space<vmem>>, vector<1x16xf32>,
      %swap3A_35 = vector.shape_cast %swap3A_34 : vector<1x16xf32> to vector<16xf32>
      %swap3A_36 = vector.shape_cast %broadcast_in_dim3A_32 : vector<16xf32> to vector<1x16xf32>
      tpu.vector_store %arg5[%swap3A, %swap3A_33], %swap3A_36 {strides = array<i32>} : memref<128x16xf32, #tpu.memory_space<vmem>>, vector<1x16xf32>,
    }
    %scan3A_5 = arith.constant 128 : i32
    %scan3A_6 = arith.constant 0 : i32
    %scan3A_7 = arith.constant 0 : i32
    %scan3A_8 = arith.constant 128 : i32
    %scan3A_9 = arith.addi %scan3A_7, %scan3A_8 : i32
    %scan3A_10 = arith.constant 1 : i32
    scf.for %scan3A_31 = %scan3A_7 to %scan3A_9 step %scan3A_10  : i32 {
      %broadcast_in_dim3A = arith.constant 0.000000e+00 : f32
      %broadcast_in_dim3A_32 = vector.broadcast %broadcast_in_dim3A : f32 to vector<16xf32>
      %swap3A = arith.index_cast %scan3A_31 : i32 to index
      %swap3A_33 = arith.constant 0 : index
      %swap3A_34 = tpu.vector_load %arg6[%swap3A, %swap3A_33] {strides = array<i32>} : memref<128x16xf32, #tpu.memory_space<vmem>>, vector<1x16xf32>,
      %swap3A_35 = vector.shape_cast %swap3A_34 : vector<1x16xf32> to vector<16xf32>
      %swap3A_36 = vector.shape_cast %broadcast_in_dim3A_32 : vector<16xf32> to vector<1x16xf32>
      tpu.vector_store %arg6[%swap3A, %swap3A_33], %swap3A_36 {strides = array<i32>} : memref<128x16xf32, #tpu.memory_space<vmem>>, vector<1x16xf32>,
    }
    %scan3A_11 = arith.constant 128 : i32
    %mul3A_12 = arith.constant 632 : i32
    %mul3A_13 = arith.muli %arg1, %mul3A_12 : i32
    %add3A_14 = arith.constant 0 : i32
    %add3A_15 = arith.addi %mul3A_13, %add3A_14 : i32
    "tpu.region"() ({
      %run_scoped3A = tpu.sem_alloc : memref<!tpu.dma_semaphore, #tpu.memory_space<semaphore_mem>>
      %dma_start3A = arith.constant 0 : i32
      %dma_start3A_31 = arith.constant 0 : i32
      %dma_start3A_32 = tpu.memref_slice %arg6[%dma_start3A, %dma_start3A_31] : memref<128x16xf32, #tpu.memory_space<vmem>> -> memref<128x16xf32, #tpu.memory_space<vmem>>
      %dma_start3A_33 = arith.constant 0 : i32
      %dma_start3A_34 = tpu.memref_slice %arg7[%add3A_15, %dma_start3A_33] : memref<10112x16xf32, #tpu.memory_space<vmem_shared>> -> memref<128x16xf32, #tpu.memory_space<vmem_shared>>
      %dma_start3A_35 = arith.constant 0 : i32
      %dma_start3A_36 = tpu.memref_slice %arg7[%add3A_15, %dma_start3A_35] : memref<10112x16xf32, #tpu.memory_space<vmem_shared>> -> memref<128x16xf32, #tpu.memory_space<vmem_shared>>
      %dma_start3A_37 = arith.constant 0 : i32
      %dma_start3A_38 = arith.constant 0 : i32
      %dma_start3A_39 = tpu.memref_slice %arg6[%dma_start3A_37, %dma_start3A_38] : memref<128x16xf32, #tpu.memory_space<vmem>> -> memref<128x16xf32, #tpu.memory_space<vmem>>
      tpu.enqueue_dma source(%dma_start3A_39 : memref<128x16xf32, #tpu.memory_space<vmem>>) target(%dma_start3A_36 : memref<128x16xf32, #tpu.memory_space<vmem_shared>>) target_semaphore(%run_scoped3A : memref<!tpu.dma_semaphore, #tpu.memory_space<semaphore_mem>>)
      %dma_wait3A = arith.constant 0 : i32
      %dma_wait3A_40 = arith.constant 0 : i32
      %dma_wait3A_41 = tpu.memref_slice %arg6[%dma_wait3A, %dma_wait3A_40] : memref<128x16xf32, #tpu.memory_space<vmem>> -> memref<128x16xf32, #tpu.memory_space<vmem>>
      %dma_wait3A_42 = arith.constant 0 : i32
      %dma_wait3A_43 = tpu.memref_slice %arg7[%add3A_15, %dma_wait3A_42] : memref<10112x16xf32, #tpu.memory_space<vmem_shared>> -> memref<128x16xf32, #tpu.memory_space<vmem_shared>>
      %dma_wait3A_44 = arith.constant 0 : i32
      %dma_wait3A_45 = tpu.memref_slice %arg7[%add3A_15, %dma_wait3A_44] : memref<10112x16xf32, #tpu.memory_space<vmem_shared>> -> memref<128x16xf32, #tpu.memory_space<vmem_shared>>
      %dma_wait3A_46 = arith.constant 0 : i32
      %dma_wait3A_47 = arith.constant 0 : i32
      %dma_wait3A_48 = tpu.memref_slice %arg6[%dma_wait3A_46, %dma_wait3A_47] : memref<128x16xf32, #tpu.memory_space<vmem>> -> memref<128x16xf32, #tpu.memory_space<vmem>>
      tpu.wait_dma2 semaphore(%run_scoped3A : memref<!tpu.dma_semaphore, #tpu.memory_space<semaphore_mem>>) src(%dma_wait3A_48 : memref<128x16xf32, #tpu.memory_space<vmem>>) dst(%dma_wait3A_45 : memref<128x16xf32, #tpu.memory_space<vmem_shared>>)
      tpu.yield
    }) : () -> ()
    %add3A_16 = arith.constant 128 : i32
    %add3A_17 = arith.addi %mul3A_13, %add3A_16 : i32
    "tpu.region"() ({
      %run_scoped3A = tpu.sem_alloc : memref<!tpu.dma_semaphore, #tpu.memory_space<semaphore_mem>>
      %dma_start3A = arith.constant 0 : i32
      %dma_start3A_31 = arith.constant 0 : i32
      %dma_start3A_32 = tpu.memref_slice %arg6[%dma_start3A, %dma_start3A_31] : memref<128x16xf32, #tpu.memory_space<vmem>> -> memref<128x16xf32, #tpu.memory_space<vmem>>
      %dma_start3A_33 = arith.constant 0 : i32
      %dma_start3A_34 = tpu.memref_slice %arg7[%add3A_17, %dma_start3A_33] : memref<10112x16xf32, #tpu.memory_space<vmem_shared>> -> memref<128x16xf32, #tpu.memory_space<vmem_shared>>
      %dma_start3A_35 = arith.constant 0 : i32
      %dma_start3A_36 = tpu.memref_slice %arg7[%add3A_17, %dma_start3A_35] : memref<10112x16xf32, #tpu.memory_space<vmem_shared>> -> memref<128x16xf32, #tpu.memory_space<vmem_shared>>
      %dma_start3A_37 = arith.constant 0 : i32
      %dma_start3A_38 = arith.constant 0 : i32
      %dma_start3A_39 = tpu.memref_slice %arg6[%dma_start3A_37, %dma_start3A_38] : memref<128x16xf32, #tpu.memory_space<vmem>> -> memref<128x16xf32, #tpu.memory_space<vmem>>
      tpu.enqueue_dma source(%dma_start3A_39 : memref<128x16xf32, #tpu.memory_space<vmem>>) target(%dma_start3A_36 : memref<128x16xf32, #tpu.memory_space<vmem_shared>>) target_semaphore(%run_scoped3A : memref<!tpu.dma_semaphore, #tpu.memory_space<semaphore_mem>>)
      %dma_wait3A = arith.constant 0 : i32
      %dma_wait3A_40 = arith.constant 0 : i32
      %dma_wait3A_41 = tpu.memref_slice %arg6[%dma_wait3A, %dma_wait3A_40] : memref<128x16xf32, #tpu.memory_space<vmem>> -> memref<128x16xf32, #tpu.memory_space<vmem>>
      %dma_wait3A_42 = arith.constant 0 : i32
      %dma_wait3A_43 = tpu.memref_slice %arg7[%add3A_17, %dma_wait3A_42] : memref<10112x16xf32, #tpu.memory_space<vmem_shared>> -> memref<128x16xf32, #tpu.memory_space<vmem_shared>>
      %dma_wait3A_44 = arith.constant 0 : i32
      %dma_wait3A_45 = tpu.memref_slice %arg7[%add3A_17, %dma_wait3A_44] : memref<10112x16xf32, #tpu.memory_space<vmem_shared>> -> memref<128x16xf32, #tpu.memory_space<vmem_shared>>
      %dma_wait3A_46 = arith.constant 0 : i32
      %dma_wait3A_47 = arith.constant 0 : i32
      %dma_wait3A_48 = tpu.memref_slice %arg6[%dma_wait3A_46, %dma_wait3A_47] : memref<128x16xf32, #tpu.memory_space<vmem>> -> memref<128x16xf32, #tpu.memory_space<vmem>>
      tpu.wait_dma2 semaphore(%run_scoped3A : memref<!tpu.dma_semaphore, #tpu.memory_space<semaphore_mem>>) src(%dma_wait3A_48 : memref<128x16xf32, #tpu.memory_space<vmem>>) dst(%dma_wait3A_45 : memref<128x16xf32, #tpu.memory_space<vmem_shared>>)
      tpu.yield
    }) : () -> ()
    %add3A_18 = arith.constant 256 : i32
    %add3A_19 = arith.addi %mul3A_13, %add3A_18 : i32
    "tpu.region"() ({
      %run_scoped3A = tpu.sem_alloc : memref<!tpu.dma_semaphore, #tpu.memory_space<semaphore_mem>>
      %dma_start3A = arith.constant 0 : i32
      %dma_start3A_31 = arith.constant 0 : i32
      %dma_start3A_32 = tpu.memref_slice %arg6[%dma_start3A, %dma_start3A_31] : memref<128x16xf32, #tpu.memory_space<vmem>> -> memref<128x16xf32, #tpu.memory_space<vmem>>
      %dma_start3A_33 = arith.constant 0 : i32
      %dma_start3A_34 = tpu.memref_slice %arg7[%add3A_19, %dma_start3A_33] : memref<10112x16xf32, #tpu.memory_space<vmem_shared>> -> memref<128x16xf32, #tpu.memory_space<vmem_shared>>
      %dma_start3A_35 = arith.constant 0 : i32
      %dma_start3A_36 = tpu.memref_slice %arg7[%add3A_19, %dma_start3A_35] : memref<10112x16xf32, #tpu.memory_space<vmem_shared>> -> memref<128x16xf32, #tpu.memory_space<vmem_shared>>
      %dma_start3A_37 = arith.constant 0 : i32
      %dma_start3A_38 = arith.constant 0 : i32
      %dma_start3A_39 = tpu.memref_slice %arg6[%dma_start3A_37, %dma_start3A_38] : memref<128x16xf32, #tpu.memory_space<vmem>> -> memref<128x16xf32, #tpu.memory_space<vmem>>
      tpu.enqueue_dma source(%dma_start3A_39 : memref<128x16xf32, #tpu.memory_space<vmem>>) target(%dma_start3A_36 : memref<128x16xf32, #tpu.memory_space<vmem_shared>>) target_semaphore(%run_scoped3A : memref<!tpu.dma_semaphore, #tpu.memory_space<semaphore_mem>>)
      %dma_wait3A = arith.constant 0 : i32
      %dma_wait3A_40 = arith.constant 0 : i32
      %dma_wait3A_41 = tpu.memref_slice %arg6[%dma_wait3A, %dma_wait3A_40] : memref<128x16xf32, #tpu.memory_space<vmem>> -> memref<128x16xf32, #tpu.memory_space<vmem>>
      %dma_wait3A_42 = arith.constant 0 : i32
      %dma_wait3A_43 = tpu.memref_slice %arg7[%add3A_19, %dma_wait3A_42] : memref<10112x16xf32, #tpu.memory_space<vmem_shared>> -> memref<128x16xf32, #tpu.memory_space<vmem_shared>>
      %dma_wait3A_44 = arith.constant 0 : i32
      %dma_wait3A_45 = tpu.memref_slice %arg7[%add3A_19, %dma_wait3A_44] : memref<10112x16xf32, #tpu.memory_space<vmem_shared>> -> memref<128x16xf32, #tpu.memory_space<vmem_shared>>
      %dma_wait3A_46 = arith.constant 0 : i32
      %dma_wait3A_47 = arith.constant 0 : i32
      %dma_wait3A_48 = tpu.memref_slice %arg6[%dma_wait3A_46, %dma_wait3A_47] : memref<128x16xf32, #tpu.memory_space<vmem>> -> memref<128x16xf32, #tpu.memory_space<vmem>>
      tpu.wait_dma2 semaphore(%run_scoped3A : memref<!tpu.dma_semaphore, #tpu.memory_space<semaphore_mem>>) src(%dma_wait3A_48 : memref<128x16xf32, #tpu.memory_space<vmem>>) dst(%dma_wait3A_45 : memref<128x16xf32, #tpu.memory_space<vmem_shared>>)
      tpu.yield
    }) : () -> ()
    %add3A_20 = arith.constant 384 : i32
    %add3A_21 = arith.addi %mul3A_13, %add3A_20 : i32
    "tpu.region"() ({
      %run_scoped3A = tpu.sem_alloc : memref<!tpu.dma_semaphore, #tpu.memory_space<semaphore_mem>>
      %dma_start3A = arith.constant 0 : i32
      %dma_start3A_31 = arith.constant 0 : i32
      %dma_start3A_32 = tpu.memref_slice %arg6[%dma_start3A, %dma_start3A_31] : memref<128x16xf32, #tpu.memory_space<vmem>> -> memref<128x16xf32, #tpu.memory_space<vmem>>
      %dma_start3A_33 = arith.constant 0 : i32
      %dma_start3A_34 = tpu.memref_slice %arg7[%add3A_21, %dma_start3A_33] : memref<10112x16xf32, #tpu.memory_space<vmem_shared>> -> memref<128x16xf32, #tpu.memory_space<vmem_shared>>
      %dma_start3A_35 = arith.constant 0 : i32
      %dma_start3A_36 = tpu.memref_slice %arg7[%add3A_21, %dma_start3A_35] : memref<10112x16xf32, #tpu.memory_space<vmem_shared>> -> memref<128x16xf32, #tpu.memory_space<vmem_shared>>
      %dma_start3A_37 = arith.constant 0 : i32
      %dma_start3A_38 = arith.constant 0 : i32
      %dma_start3A_39 = tpu.memref_slice %arg6[%dma_start3A_37, %dma_start3A_38] : memref<128x16xf32, #tpu.memory_space<vmem>> -> memref<128x16xf32, #tpu.memory_space<vmem>>
      tpu.enqueue_dma source(%dma_start3A_39 : memref<128x16xf32, #tpu.memory_space<vmem>>) target(%dma_start3A_36 : memref<128x16xf32, #tpu.memory_space<vmem_shared>>) target_semaphore(%run_scoped3A : memref<!tpu.dma_semaphore, #tpu.memory_space<semaphore_mem>>)
      %dma_wait3A = arith.constant 0 : i32
      %dma_wait3A_40 = arith.constant 0 : i32
      %dma_wait3A_41 = tpu.memref_slice %arg6[%dma_wait3A, %dma_wait3A_40] : memref<128x16xf32, #tpu.memory_space<vmem>> -> memref<128x16xf32, #tpu.memory_space<vmem>>
      %dma_wait3A_42 = arith.constant 0 : i32
      %dma_wait3A_43 = tpu.memref_slice %arg7[%add3A_21, %dma_wait3A_42] : memref<10112x16xf32, #tpu.memory_space<vmem_shared>> -> memref<128x16xf32, #tpu.memory_space<vmem_shared>>
      %dma_wait3A_44 = arith.constant 0 : i32
      %dma_wait3A_45 = tpu.memref_slice %arg7[%add3A_21, %dma_wait3A_44] : memref<10112x16xf32, #tpu.memory_space<vmem_shared>> -> memref<128x16xf32, #tpu.memory_space<vmem_shared>>
      %dma_wait3A_46 = arith.constant 0 : i32
      %dma_wait3A_47 = arith.constant 0 : i32
      %dma_wait3A_48 = tpu.memref_slice %arg6[%dma_wait3A_46, %dma_wait3A_47] : memref<128x16xf32, #tpu.memory_space<vmem>> -> memref<128x16xf32, #tpu.memory_space<vmem>>
      tpu.wait_dma2 semaphore(%run_scoped3A : memref<!tpu.dma_semaphore, #tpu.memory_space<semaphore_mem>>) src(%dma_wait3A_48 : memref<128x16xf32, #tpu.memory_space<vmem>>) dst(%dma_wait3A_45 : memref<128x16xf32, #tpu.memory_space<vmem_shared>>)
      tpu.yield
    }) : () -> ()
    %add3A_22 = arith.constant 512 : i32
    %add3A_23 = arith.addi %mul3A_13, %add3A_22 : i32
    "tpu.region"() ({
      %run_scoped3A = tpu.sem_alloc : memref<!tpu.dma_semaphore, #tpu.memory_space<semaphore_mem>>
      %dma_start3A = arith.constant 0 : i32
      %dma_start3A_31 = arith.constant 0 : i32
      %dma_start3A_32 = tpu.memref_slice %arg6[%dma_start3A, %dma_start3A_31] : memref<128x16xf32, #tpu.memory_space<vmem>> -> memref<120x16xf32, #tpu.memory_space<vmem>>
      %dma_start3A_33 = arith.constant 0 : i32
      %dma_start3A_34 = tpu.memref_slice %arg7[%add3A_23, %dma_start3A_33] : memref<10112x16xf32, #tpu.memory_space<vmem_shared>> -> memref<120x16xf32, #tpu.memory_space<vmem_shared>>
      %dma_start3A_35 = arith.constant 0 : i32
      %dma_start3A_36 = tpu.memref_slice %arg7[%add3A_23, %dma_start3A_35] : memref<10112x16xf32, #tpu.memory_space<vmem_shared>> -> memref<120x16xf32, #tpu.memory_space<vmem_shared>>
      %dma_start3A_37 = arith.constant 0 : i32
      %dma_start3A_38 = arith.constant 0 : i32
      %dma_start3A_39 = tpu.memref_slice %arg6[%dma_start3A_37, %dma_start3A_38] : memref<128x16xf32, #tpu.memory_space<vmem>> -> memref<120x16xf32, #tpu.memory_space<vmem>>
      tpu.enqueue_dma source(%dma_start3A_39 : memref<120x16xf32, #tpu.memory_space<vmem>>) target(%dma_start3A_36 : memref<120x16xf32, #tpu.memory_space<vmem_shared>>) target_semaphore(%run_scoped3A : memref<!tpu.dma_semaphore, #tpu.memory_space<semaphore_mem>>)
      %dma_wait3A = arith.constant 0 : i32
      %dma_wait3A_40 = arith.constant 0 : i32
      %dma_wait3A_41 = tpu.memref_slice %arg6[%dma_wait3A, %dma_wait3A_40] : memref<128x16xf32, #tpu.memory_space<vmem>> -> memref<120x16xf32, #tpu.memory_space<vmem>>
      %dma_wait3A_42 = arith.constant 0 : i32
      %dma_wait3A_43 = tpu.memref_slice %arg7[%add3A_23, %dma_wait3A_42] : memref<10112x16xf32, #tpu.memory_space<vmem_shared>> -> memref<120x16xf32, #tpu.memory_space<vmem_shared>>
      %dma_wait3A_44 = arith.constant 0 : i32
      %dma_wait3A_45 = tpu.memref_slice %arg7[%add3A_23, %dma_wait3A_44] : memref<10112x16xf32, #tpu.memory_space<vmem_shared>> -> memref<120x16xf32, #tpu.memory_space<vmem_shared>>
      %dma_wait3A_46 = arith.constant 0 : i32
      %dma_wait3A_47 = arith.constant 0 : i32
      %dma_wait3A_48 = tpu.memref_slice %arg6[%dma_wait3A_46, %dma_wait3A_47] : memref<128x16xf32, #tpu.memory_space<vmem>> -> memref<120x16xf32, #tpu.memory_space<vmem>>
      tpu.wait_dma2 semaphore(%run_scoped3A : memref<!tpu.dma_semaphore, #tpu.memory_space<semaphore_mem>>) src(%dma_wait3A_48 : memref<120x16xf32, #tpu.memory_space<vmem>>) dst(%dma_wait3A_45 : memref<120x16xf32, #tpu.memory_space<vmem_shared>>)
      tpu.yield
    }) : () -> ()
    %barrier3A = arith.constant 0 : index
    tpu.barrier barrier_id(%barrier3A)
    "tpu.region"() ({
      %run_scoped3A = tpu.sem_alloc : memref<!tpu.dma_semaphore, #tpu.memory_space<semaphore_mem>>
      %dma_start3A = arith.constant 0 : i32
      %dma_start3A_31 = arith.constant 0 : i32
      %dma_start3A_32 = tpu.memref_slice %arg2[%add3A, %dma_start3A, %dma_start3A_31] : memref<32x79x128xi32, #tpu.memory_space<hbm>> -> memref<1x79x128xi32, #tpu.memory_space<hbm>>
      %dma_start3A_33 = tpu.memref_squeeze %dma_start3A_32 : memref<1x79x128xi32, #tpu.memory_space<hbm>> -> memref<79x128xi32, #tpu.memory_space<hbm>>
      %dma_start3A_34 = arith.constant 0 : i32
      %dma_start3A_35 = arith.constant 0 : i32
      %dma_start3A_36 = tpu.memref_slice %arg2[%add3A, %dma_start3A_34, %dma_start3A_35] : memref<32x79x128xi32, #tpu.memory_space<hbm>> -> memref<1x79x128xi32, #tpu.memory_space<hbm>>
      %dma_start3A_37 = tpu.memref_squeeze %dma_start3A_36 : memref<1x79x128xi32, #tpu.memory_space<hbm>> -> memref<79x128xi32, #tpu.memory_space<hbm>>
      tpu.enqueue_dma source(%dma_start3A_37 : memref<79x128xi32, #tpu.memory_space<hbm>>) target(%arg4 : memref<79x128xi32, #tpu.memory_space<vmem>>) target_semaphore(%run_scoped3A : memref<!tpu.dma_semaphore, #tpu.memory_space<semaphore_mem>>)
      %dma_wait3A = arith.constant 0 : i32
      %dma_wait3A_38 = arith.constant 0 : i32
      %dma_wait3A_39 = tpu.memref_slice %arg2[%add3A, %dma_wait3A, %dma_wait3A_38] : memref<32x79x128xi32, #tpu.memory_space<hbm>> -> memref<1x79x128xi32, #tpu.memory_space<hbm>>
      %dma_wait3A_40 = tpu.memref_squeeze %dma_wait3A_39 : memref<1x79x128xi32, #tpu.memory_space<hbm>> -> memref<79x128xi32, #tpu.memory_space<hbm>>
      %dma_wait3A_41 = arith.constant 0 : i32
      %dma_wait3A_42 = arith.constant 0 : i32
      %dma_wait3A_43 = tpu.memref_slice %arg2[%add3A, %dma_wait3A_41, %dma_wait3A_42] : memref<32x79x128xi32, #tpu.memory_space<hbm>> -> memref<1x79x128xi32, #tpu.memory_space<hbm>>
      %dma_wait3A_44 = tpu.memref_squeeze %dma_wait3A_43 : memref<1x79x128xi32, #tpu.memory_space<hbm>> -> memref<79x128xi32, #tpu.memory_space<hbm>>
      tpu.wait_dma2 semaphore(%run_scoped3A : memref<!tpu.dma_semaphore, #tpu.memory_space<semaphore_mem>>) src(%dma_wait3A_44 : memref<79x128xi32, #tpu.memory_space<hbm>>) dst(%arg4 : memref<79x128xi32, #tpu.memory_space<vmem>>)
      tpu.yield
    }) : () -> ()
    %scan3A_24 = arith.constant 0 : i32
    %scan3A_25 = arith.constant 0 : i32
    %scan3A_26 = arith.constant 79 : i32
    %scan3A_27 = arith.addi %scan3A_25, %scan3A_26 : i32
    %scan3A_28 = arith.constant 1 : i32
    scf.for %scan3A_31 = %scan3A_25 to %scan3A_27 step %scan3A_28  : i32 {
      "tpu.region"() ({
        %run_scoped3A = tpu.sem_alloc : memref<!tpu.dma_semaphore, #tpu.memory_space<semaphore_mem>>
        %dma_start3A = arith.constant 0 : i32
        %dma_start3A_32 = tpu.memref_slice %arg4[%scan3A_31, %dma_start3A] : memref<79x128xi32, #tpu.memory_space<vmem>> -> memref<1x128xi32, #tpu.memory_space<vmem>>
        %dma_start3A_33 = tpu.memref_squeeze %dma_start3A_32 : memref<1x128xi32, #tpu.memory_space<vmem>> -> memref<128xi32, #tpu.memory_space<vmem>>
        %dma_start3A_34 = arith.constant 0 : i32
        %dma_start3A_35 = arith.constant 0 : i32
        %dma_start3A_36 = tpu.memref_slice %arg7[%dma_start3A_34, %dma_start3A_35] : memref<10112x16xf32, #tpu.memory_space<vmem_shared>> -> memref<10112x16xf32, #tpu.memory_space<vmem_shared>>
        tpu.enqueue_indirect_dma source(%arg5 : memref<128x16xf32, #tpu.memory_space<vmem>>) target(%dma_start3A_36 : memref<10112x16xf32, #tpu.memory_space<vmem_shared>>) offsets(%dma_start3A_33 : memref<128xi32, #tpu.memory_space<vmem>>) semaphore(%run_scoped3A : memref<!tpu.dma_semaphore, #tpu.memory_space<semaphore_mem>>) {add = true}
        %dma_wait3A = arith.constant 0 : i32
        %dma_wait3A_37 = tpu.memref_slice %arg4[%scan3A_31, %dma_wait3A] : memref<79x128xi32, #tpu.memory_space<vmem>> -> memref<1x128xi32, #tpu.memory_space<vmem>>
        %dma_wait3A_38 = tpu.memref_squeeze %dma_wait3A_37 : memref<1x128xi32, #tpu.memory_space<vmem>> -> memref<128xi32, #tpu.memory_space<vmem>>
        %dma_wait3A_39 = arith.constant 0 : i32
        %dma_wait3A_40 = arith.constant 0 : i32
        %dma_wait3A_41 = tpu.memref_slice %arg7[%dma_wait3A_39, %dma_wait3A_40] : memref<10112x16xf32, #tpu.memory_space<vmem_shared>> -> memref<10112x16xf32, #tpu.memory_space<vmem_shared>>
        tpu.wait_indirect_dma semaphore(%run_scoped3A : memref<!tpu.dma_semaphore, #tpu.memory_space<semaphore_mem>>) src(%arg5 : memref<128x16xf32, #tpu.memory_space<vmem>>) dst(%dma_wait3A_41 : memref<10112x16xf32, #tpu.memory_space<vmem_shared>>)
        tpu.yield
      }) : () -> ()
    }
    %scan3A_29 = arith.constant 79 : i32
    %barrier3A_30 = arith.constant 0 : index
    tpu.barrier barrier_id(%barrier3A_30)
    "tpu.region"() ({
      %run_scoped3A = tpu.sem_alloc : memref<!tpu.dma_semaphore, #tpu.memory_space<semaphore_mem>>
      %dma_start3A = arith.constant 0 : i32
      %dma_start3A_31 = arith.constant 0 : i32
      %dma_start3A_32 = tpu.memref_slice %arg3[%arg0, %dma_start3A, %dma_start3A_31] : memref<2x10112x16xf32, #tpu.memory_space<hbm>> -> memref<1x10112x16xf32, #tpu.memory_space<hbm>>
      %dma_start3A_33 = tpu.memref_squeeze %dma_start3A_32 : memref<1x10112x16xf32, #tpu.memory_space<hbm>> -> memref<10112x16xf32, #tpu.memory_space<hbm>>
      %dma_start3A_34 = arith.constant 0 : i32
      %dma_start3A_35 = tpu.memref_slice %dma_start3A_33[%mul3A_13, %dma_start3A_34] : memref<10112x16xf32, #tpu.memory_space<hbm>> -> memref<632x16xf32, #tpu.memory_space<hbm>>
      %dma_start3A_36 = arith.constant 0 : i32
      %dma_start3A_37 = tpu.memref_slice %arg7[%mul3A_13, %dma_start3A_36] : memref<10112x16xf32, #tpu.memory_space<vmem_shared>> -> memref<632x16xf32, #tpu.memory_space<vmem_shared>>
      tpu.enqueue_dma source(%dma_start3A_37 : memref<632x16xf32, #tpu.memory_space<vmem_shared>>) target(%dma_start3A_35 : memref<632x16xf32, #tpu.memory_space<hbm>>) target_semaphore(%run_scoped3A : memref<!tpu.dma_semaphore, #tpu.memory_space<semaphore_mem>>)
      %dma_wait3A = arith.constant 0 : i32
      %dma_wait3A_38 = arith.constant 0 : i32
      %dma_wait3A_39 = tpu.memref_slice %arg3[%arg0, %dma_wait3A, %dma_wait3A_38] : memref<2x10112x16xf32, #tpu.memory_space<hbm>> -> memref<1x10112x16xf32, #tpu.memory_space<hbm>>
      %dma_wait3A_40 = tpu.memref_squeeze %dma_wait3A_39 : memref<1x10112x16xf32, #tpu.memory_space<hbm>> -> memref<10112x16xf32, #tpu.memory_space<hbm>>
      %dma_wait3A_41 = arith.constant 0 : i32
      %dma_wait3A_42 = tpu.memref_slice %dma_wait3A_40[%mul3A_13, %dma_wait3A_41] : memref<10112x16xf32, #tpu.memory_space<hbm>> -> memref<632x16xf32, #tpu.memory_space<hbm>>
      %dma_wait3A_43 = arith.constant 0 : i32
      %dma_wait3A_44 = tpu.memref_slice %arg7[%mul3A_13, %dma_wait3A_43] : memref<10112x16xf32, #tpu.memory_space<vmem_shared>> -> memref<632x16xf32, #tpu.memory_space<vmem_shared>>
      tpu.wait_dma2 semaphore(%run_scoped3A : memref<!tpu.dma_semaphore, #tpu.memory_space<semaphore_mem>>) src(%dma_wait3A_44 : memref<632x16xf32, #tpu.memory_space<vmem_shared>>) dst(%dma_wait3A_42 : memref<632x16xf32, #tpu.memory_space<hbm>>)
      tpu.yield
    }) : () -> ()
    return
  }
}

#map = affine_map<(d0, d1) -> (0, 0)>
#map1 = affine_map<(d0, d1) -> (0, 0, 0)>
#map2 = affine_map<(d0, d1) -> (0, 0, 0, 0)>
module attributes {stable_mosaic.version = 14 : i64} {
  func.func @_agg_body(%arg0: i32, %arg1: i32, %arg2: memref<10000x128xf32, #tpu.memory_space<hbm>>, %arg3: memref<16x158x128xi32, #tpu.memory_space<hbm>>, %arg4: memref<2x16x158x128xi32, #tpu.memory_space<hbm>>, %arg5: memref<2x5120x128xf32, #tpu.memory_space<hbm>>, %arg6: memref<158x128xi32, #tpu.memory_space<vmem>>, %arg7: memref<158x128xi32, #tpu.memory_space<vmem>>, %arg8: memref<128x128xf32, #tpu.memory_space<vmem>>, %arg9: memref<128x128xf32, #tpu.memory_space<vmem>>, %arg10: memref<128x128xf32, #tpu.memory_space<vmem>>, %arg11: memref<5120x128xf32, #tpu.memory_space<vmem_shared>>, %arg12: memref<!tpu.dma_semaphore, #tpu.memory_space<semaphore_mem>>, %arg13: memref<!tpu.dma_semaphore, #tpu.memory_space<semaphore_mem>>) attributes {dimension_semantics = [#tpu.dimension_semantics<core_parallel>, #tpu.dimension_semantics<subcore_parallel>], iteration_bounds = array<i64: 2, 16>, scalar_prefetch = 0 : i64, scratch_operands = 8 : i64, tpu.core_type = #tpu.core_type<sc_vector_subcore>, window_params = [{transform_indices = #map}, {transform_indices = #map1}, {transform_indices = #map2}, {transform_indices = #map1}]} {
    %scan3A = arith.constant 0 : i32
    %scan3A_0 = arith.constant 0 : i32
    %scan3A_1 = arith.constant 128 : i32
    %scan3A_2 = arith.addi %scan3A_0, %scan3A_1 : i32
    %scan3A_3 = arith.constant 1 : i32
    scf.for %scan3A_24 = %scan3A_0 to %scan3A_2 step %scan3A_3  : i32 {
      %broadcast_in_dim3A = arith.constant 0.000000e+00 : f32
      %broadcast_in_dim3A_25 = vector.broadcast %broadcast_in_dim3A : f32 to vector<16xf32>
      %swap3A = arith.index_cast %scan3A_24 : i32 to index
      %swap3A_26 = arith.constant 0 : index
      %swap3A_27 = tpu.vector_load %arg10[%swap3A, %swap3A_26] {strides = array<i32>} : memref<128x128xf32, #tpu.memory_space<vmem>>, vector<1x16xf32>,
      %swap3A_28 = vector.shape_cast %swap3A_27 : vector<1x16xf32> to vector<16xf32>
      %swap3A_29 = vector.shape_cast %broadcast_in_dim3A_25 : vector<16xf32> to vector<1x16xf32>
      tpu.vector_store %arg10[%swap3A, %swap3A_26], %swap3A_29 {strides = array<i32>} : memref<128x128xf32, #tpu.memory_space<vmem>>, vector<1x16xf32>,
      %broadcast_in_dim3A_30 = arith.constant 0.000000e+00 : f32
      %broadcast_in_dim3A_31 = vector.broadcast %broadcast_in_dim3A_30 : f32 to vector<16xf32>
      %swap3A_32 = arith.index_cast %scan3A_24 : i32 to index
      %swap3A_33 = arith.constant 16 : index
      %swap3A_34 = tpu.vector_load %arg10[%swap3A_32, %swap3A_33] {strides = array<i32>} : memref<128x128xf32, #tpu.memory_space<vmem>>, vector<1x16xf32>,
      %swap3A_35 = vector.shape_cast %swap3A_34 : vector<1x16xf32> to vector<16xf32>
      %swap3A_36 = vector.shape_cast %broadcast_in_dim3A_31 : vector<16xf32> to vector<1x16xf32>
      tpu.vector_store %arg10[%swap3A_32, %swap3A_33], %swap3A_36 {strides = array<i32>} : memref<128x128xf32, #tpu.memory_space<vmem>>, vector<1x16xf32>,
      %broadcast_in_dim3A_37 = arith.constant 0.000000e+00 : f32
      %broadcast_in_dim3A_38 = vector.broadcast %broadcast_in_dim3A_37 : f32 to vector<16xf32>
      %swap3A_39 = arith.index_cast %scan3A_24 : i32 to index
      %swap3A_40 = arith.constant 32 : index
      %swap3A_41 = tpu.vector_load %arg10[%swap3A_39, %swap3A_40] {strides = array<i32>} : memref<128x128xf32, #tpu.memory_space<vmem>>, vector<1x16xf32>,
      %swap3A_42 = vector.shape_cast %swap3A_41 : vector<1x16xf32> to vector<16xf32>
      %swap3A_43 = vector.shape_cast %broadcast_in_dim3A_38 : vector<16xf32> to vector<1x16xf32>
      tpu.vector_store %arg10[%swap3A_39, %swap3A_40], %swap3A_43 {strides = array<i32>} : memref<128x128xf32, #tpu.memory_space<vmem>>, vector<1x16xf32>,
      %broadcast_in_dim3A_44 = arith.constant 0.000000e+00 : f32
      %broadcast_in_dim3A_45 = vector.broadcast %broadcast_in_dim3A_44 : f32 to vector<16xf32>
      %swap3A_46 = arith.index_cast %scan3A_24 : i32 to index
      %swap3A_47 = arith.constant 48 : index
      %swap3A_48 = tpu.vector_load %arg10[%swap3A_46, %swap3A_47] {strides = array<i32>} : memref<128x128xf32, #tpu.memory_space<vmem>>, vector<1x16xf32>,
      %swap3A_49 = vector.shape_cast %swap3A_48 : vector<1x16xf32> to vector<16xf32>
      %swap3A_50 = vector.shape_cast %broadcast_in_dim3A_45 : vector<16xf32> to vector<1x16xf32>
      tpu.vector_store %arg10[%swap3A_46, %swap3A_47], %swap3A_50 {strides = array<i32>} : memref<128x128xf32, #tpu.memory_space<vmem>>, vector<1x16xf32>,
      %broadcast_in_dim3A_51 = arith.constant 0.000000e+00 : f32
      %broadcast_in_dim3A_52 = vector.broadcast %broadcast_in_dim3A_51 : f32 to vector<16xf32>
      %swap3A_53 = arith.index_cast %scan3A_24 : i32 to index
      %swap3A_54 = arith.constant 64 : index
      %swap3A_55 = tpu.vector_load %arg10[%swap3A_53, %swap3A_54] {strides = array<i32>} : memref<128x128xf32, #tpu.memory_space<vmem>>, vector<1x16xf32>,
      %swap3A_56 = vector.shape_cast %swap3A_55 : vector<1x16xf32> to vector<16xf32>
      %swap3A_57 = vector.shape_cast %broadcast_in_dim3A_52 : vector<16xf32> to vector<1x16xf32>
      tpu.vector_store %arg10[%swap3A_53, %swap3A_54], %swap3A_57 {strides = array<i32>} : memref<128x128xf32, #tpu.memory_space<vmem>>, vector<1x16xf32>,
      %broadcast_in_dim3A_58 = arith.constant 0.000000e+00 : f32
      %broadcast_in_dim3A_59 = vector.broadcast %broadcast_in_dim3A_58 : f32 to vector<16xf32>
      %swap3A_60 = arith.index_cast %scan3A_24 : i32 to index
      %swap3A_61 = arith.constant 80 : index
      %swap3A_62 = tpu.vector_load %arg10[%swap3A_60, %swap3A_61] {strides = array<i32>} : memref<128x128xf32, #tpu.memory_space<vmem>>, vector<1x16xf32>,
      %swap3A_63 = vector.shape_cast %swap3A_62 : vector<1x16xf32> to vector<16xf32>
      %swap3A_64 = vector.shape_cast %broadcast_in_dim3A_59 : vector<16xf32> to vector<1x16xf32>
      tpu.vector_store %arg10[%swap3A_60, %swap3A_61], %swap3A_64 {strides = array<i32>} : memref<128x128xf32, #tpu.memory_space<vmem>>, vector<1x16xf32>,
      %broadcast_in_dim3A_65 = arith.constant 0.000000e+00 : f32
      %broadcast_in_dim3A_66 = vector.broadcast %broadcast_in_dim3A_65 : f32 to vector<16xf32>
      %swap3A_67 = arith.index_cast %scan3A_24 : i32 to index
      %swap3A_68 = arith.constant 96 : index
      %swap3A_69 = tpu.vector_load %arg10[%swap3A_67, %swap3A_68] {strides = array<i32>} : memref<128x128xf32, #tpu.memory_space<vmem>>, vector<1x16xf32>,
      %swap3A_70 = vector.shape_cast %swap3A_69 : vector<1x16xf32> to vector<16xf32>
      %swap3A_71 = vector.shape_cast %broadcast_in_dim3A_66 : vector<16xf32> to vector<1x16xf32>
      tpu.vector_store %arg10[%swap3A_67, %swap3A_68], %swap3A_71 {strides = array<i32>} : memref<128x128xf32, #tpu.memory_space<vmem>>, vector<1x16xf32>,
      %broadcast_in_dim3A_72 = arith.constant 0.000000e+00 : f32
      %broadcast_in_dim3A_73 = vector.broadcast %broadcast_in_dim3A_72 : f32 to vector<16xf32>
      %swap3A_74 = arith.index_cast %scan3A_24 : i32 to index
      %swap3A_75 = arith.constant 112 : index
      %swap3A_76 = tpu.vector_load %arg10[%swap3A_74, %swap3A_75] {strides = array<i32>} : memref<128x128xf32, #tpu.memory_space<vmem>>, vector<1x16xf32>,
      %swap3A_77 = vector.shape_cast %swap3A_76 : vector<1x16xf32> to vector<16xf32>
      %swap3A_78 = vector.shape_cast %broadcast_in_dim3A_73 : vector<16xf32> to vector<1x16xf32>
      tpu.vector_store %arg10[%swap3A_74, %swap3A_75], %swap3A_78 {strides = array<i32>} : memref<128x128xf32, #tpu.memory_space<vmem>>, vector<1x16xf32>,
    }
    %scan3A_4 = arith.constant 128 : i32
    %mul3A = arith.constant 320 : i32
    %mul3A_5 = arith.muli %arg1, %mul3A : i32
    %add3A = arith.constant 0 : i32
    %add3A_6 = arith.addi %mul3A_5, %add3A : i32
    "tpu.region"() ({
      %run_scoped3A = tpu.sem_alloc : memref<!tpu.dma_semaphore, #tpu.memory_space<semaphore_mem>>
      %dma_start3A_24 = arith.constant 0 : i32
      %dma_start3A_25 = arith.constant 0 : i32
      %dma_start3A_26 = tpu.memref_slice %arg10[%dma_start3A_24, %dma_start3A_25] : memref<128x128xf32, #tpu.memory_space<vmem>> -> memref<128x128xf32, #tpu.memory_space<vmem>>
      %dma_start3A_27 = arith.constant 0 : i32
      %dma_start3A_28 = tpu.memref_slice %arg11[%add3A_6, %dma_start3A_27] : memref<5120x128xf32, #tpu.memory_space<vmem_shared>> -> memref<128x128xf32, #tpu.memory_space<vmem_shared>>
      %dma_start3A_29 = arith.constant 0 : i32
      %dma_start3A_30 = tpu.memref_slice %arg11[%add3A_6, %dma_start3A_29] : memref<5120x128xf32, #tpu.memory_space<vmem_shared>> -> memref<128x128xf32, #tpu.memory_space<vmem_shared>>
      %dma_start3A_31 = arith.constant 0 : i32
      %dma_start3A_32 = arith.constant 0 : i32
      %dma_start3A_33 = tpu.memref_slice %arg10[%dma_start3A_31, %dma_start3A_32] : memref<128x128xf32, #tpu.memory_space<vmem>> -> memref<128x128xf32, #tpu.memory_space<vmem>>
      tpu.enqueue_dma source(%dma_start3A_33 : memref<128x128xf32, #tpu.memory_space<vmem>>) target(%dma_start3A_30 : memref<128x128xf32, #tpu.memory_space<vmem_shared>>) target_semaphore(%run_scoped3A : memref<!tpu.dma_semaphore, #tpu.memory_space<semaphore_mem>>)
      %dma_wait3A = arith.constant 0 : i32
      %dma_wait3A_34 = arith.constant 0 : i32
      %dma_wait3A_35 = tpu.memref_slice %arg10[%dma_wait3A, %dma_wait3A_34] : memref<128x128xf32, #tpu.memory_space<vmem>> -> memref<128x128xf32, #tpu.memory_space<vmem>>
      %dma_wait3A_36 = arith.constant 0 : i32
      %dma_wait3A_37 = tpu.memref_slice %arg11[%add3A_6, %dma_wait3A_36] : memref<5120x128xf32, #tpu.memory_space<vmem_shared>> -> memref<128x128xf32, #tpu.memory_space<vmem_shared>>
      %dma_wait3A_38 = arith.constant 0 : i32
      %dma_wait3A_39 = tpu.memref_slice %arg11[%add3A_6, %dma_wait3A_38] : memref<5120x128xf32, #tpu.memory_space<vmem_shared>> -> memref<128x128xf32, #tpu.memory_space<vmem_shared>>
      %dma_wait3A_40 = arith.constant 0 : i32
      %dma_wait3A_41 = arith.constant 0 : i32
      %dma_wait3A_42 = tpu.memref_slice %arg10[%dma_wait3A_40, %dma_wait3A_41] : memref<128x128xf32, #tpu.memory_space<vmem>> -> memref<128x128xf32, #tpu.memory_space<vmem>>
      tpu.wait_dma2 semaphore(%run_scoped3A : memref<!tpu.dma_semaphore, #tpu.memory_space<semaphore_mem>>) src(%dma_wait3A_42 : memref<128x128xf32, #tpu.memory_space<vmem>>) dst(%dma_wait3A_39 : memref<128x128xf32, #tpu.memory_space<vmem_shared>>)
      tpu.yield
    }) : () -> ()
    %add3A_7 = arith.constant 128 : i32
    %add3A_8 = arith.addi %mul3A_5, %add3A_7 : i32
    "tpu.region"() ({
      %run_scoped3A = tpu.sem_alloc : memref<!tpu.dma_semaphore, #tpu.memory_space<semaphore_mem>>
      %dma_start3A_24 = arith.constant 0 : i32
      %dma_start3A_25 = arith.constant 0 : i32
      %dma_start3A_26 = tpu.memref_slice %arg10[%dma_start3A_24, %dma_start3A_25] : memref<128x128xf32, #tpu.memory_space<vmem>> -> memref<128x128xf32, #tpu.memory_space<vmem>>
      %dma_start3A_27 = arith.constant 0 : i32
      %dma_start3A_28 = tpu.memref_slice %arg11[%add3A_8, %dma_start3A_27] : memref<5120x128xf32, #tpu.memory_space<vmem_shared>> -> memref<128x128xf32, #tpu.memory_space<vmem_shared>>
      %dma_start3A_29 = arith.constant 0 : i32
      %dma_start3A_30 = tpu.memref_slice %arg11[%add3A_8, %dma_start3A_29] : memref<5120x128xf32, #tpu.memory_space<vmem_shared>> -> memref<128x128xf32, #tpu.memory_space<vmem_shared>>
      %dma_start3A_31 = arith.constant 0 : i32
      %dma_start3A_32 = arith.constant 0 : i32
      %dma_start3A_33 = tpu.memref_slice %arg10[%dma_start3A_31, %dma_start3A_32] : memref<128x128xf32, #tpu.memory_space<vmem>> -> memref<128x128xf32, #tpu.memory_space<vmem>>
      tpu.enqueue_dma source(%dma_start3A_33 : memref<128x128xf32, #tpu.memory_space<vmem>>) target(%dma_start3A_30 : memref<128x128xf32, #tpu.memory_space<vmem_shared>>) target_semaphore(%run_scoped3A : memref<!tpu.dma_semaphore, #tpu.memory_space<semaphore_mem>>)
      %dma_wait3A = arith.constant 0 : i32
      %dma_wait3A_34 = arith.constant 0 : i32
      %dma_wait3A_35 = tpu.memref_slice %arg10[%dma_wait3A, %dma_wait3A_34] : memref<128x128xf32, #tpu.memory_space<vmem>> -> memref<128x128xf32, #tpu.memory_space<vmem>>
      %dma_wait3A_36 = arith.constant 0 : i32
      %dma_wait3A_37 = tpu.memref_slice %arg11[%add3A_8, %dma_wait3A_36] : memref<5120x128xf32, #tpu.memory_space<vmem_shared>> -> memref<128x128xf32, #tpu.memory_space<vmem_shared>>
      %dma_wait3A_38 = arith.constant 0 : i32
      %dma_wait3A_39 = tpu.memref_slice %arg11[%add3A_8, %dma_wait3A_38] : memref<5120x128xf32, #tpu.memory_space<vmem_shared>> -> memref<128x128xf32, #tpu.memory_space<vmem_shared>>
      %dma_wait3A_40 = arith.constant 0 : i32
      %dma_wait3A_41 = arith.constant 0 : i32
      %dma_wait3A_42 = tpu.memref_slice %arg10[%dma_wait3A_40, %dma_wait3A_41] : memref<128x128xf32, #tpu.memory_space<vmem>> -> memref<128x128xf32, #tpu.memory_space<vmem>>
      tpu.wait_dma2 semaphore(%run_scoped3A : memref<!tpu.dma_semaphore, #tpu.memory_space<semaphore_mem>>) src(%dma_wait3A_42 : memref<128x128xf32, #tpu.memory_space<vmem>>) dst(%dma_wait3A_39 : memref<128x128xf32, #tpu.memory_space<vmem_shared>>)
      tpu.yield
    }) : () -> ()
    %add3A_9 = arith.constant 256 : i32
    %add3A_10 = arith.addi %mul3A_5, %add3A_9 : i32
    "tpu.region"() ({
      %run_scoped3A = tpu.sem_alloc : memref<!tpu.dma_semaphore, #tpu.memory_space<semaphore_mem>>
      %dma_start3A_24 = arith.constant 0 : i32
      %dma_start3A_25 = arith.constant 0 : i32
      %dma_start3A_26 = tpu.memref_slice %arg10[%dma_start3A_24, %dma_start3A_25] : memref<128x128xf32, #tpu.memory_space<vmem>> -> memref<64x128xf32, #tpu.memory_space<vmem>>
      %dma_start3A_27 = arith.constant 0 : i32
      %dma_start3A_28 = tpu.memref_slice %arg11[%add3A_10, %dma_start3A_27] : memref<5120x128xf32, #tpu.memory_space<vmem_shared>> -> memref<64x128xf32, #tpu.memory_space<vmem_shared>>
      %dma_start3A_29 = arith.constant 0 : i32
      %dma_start3A_30 = tpu.memref_slice %arg11[%add3A_10, %dma_start3A_29] : memref<5120x128xf32, #tpu.memory_space<vmem_shared>> -> memref<64x128xf32, #tpu.memory_space<vmem_shared>>
      %dma_start3A_31 = arith.constant 0 : i32
      %dma_start3A_32 = arith.constant 0 : i32
      %dma_start3A_33 = tpu.memref_slice %arg10[%dma_start3A_31, %dma_start3A_32] : memref<128x128xf32, #tpu.memory_space<vmem>> -> memref<64x128xf32, #tpu.memory_space<vmem>>
      tpu.enqueue_dma source(%dma_start3A_33 : memref<64x128xf32, #tpu.memory_space<vmem>>) target(%dma_start3A_30 : memref<64x128xf32, #tpu.memory_space<vmem_shared>>) target_semaphore(%run_scoped3A : memref<!tpu.dma_semaphore, #tpu.memory_space<semaphore_mem>>)
      %dma_wait3A = arith.constant 0 : i32
      %dma_wait3A_34 = arith.constant 0 : i32
      %dma_wait3A_35 = tpu.memref_slice %arg10[%dma_wait3A, %dma_wait3A_34] : memref<128x128xf32, #tpu.memory_space<vmem>> -> memref<64x128xf32, #tpu.memory_space<vmem>>
      %dma_wait3A_36 = arith.constant 0 : i32
      %dma_wait3A_37 = tpu.memref_slice %arg11[%add3A_10, %dma_wait3A_36] : memref<5120x128xf32, #tpu.memory_space<vmem_shared>> -> memref<64x128xf32, #tpu.memory_space<vmem_shared>>
      %dma_wait3A_38 = arith.constant 0 : i32
      %dma_wait3A_39 = tpu.memref_slice %arg11[%add3A_10, %dma_wait3A_38] : memref<5120x128xf32, #tpu.memory_space<vmem_shared>> -> memref<64x128xf32, #tpu.memory_space<vmem_shared>>
      %dma_wait3A_40 = arith.constant 0 : i32
      %dma_wait3A_41 = arith.constant 0 : i32
      %dma_wait3A_42 = tpu.memref_slice %arg10[%dma_wait3A_40, %dma_wait3A_41] : memref<128x128xf32, #tpu.memory_space<vmem>> -> memref<64x128xf32, #tpu.memory_space<vmem>>
      tpu.wait_dma2 semaphore(%run_scoped3A : memref<!tpu.dma_semaphore, #tpu.memory_space<semaphore_mem>>) src(%dma_wait3A_42 : memref<64x128xf32, #tpu.memory_space<vmem>>) dst(%dma_wait3A_39 : memref<64x128xf32, #tpu.memory_space<vmem_shared>>)
      tpu.yield
    }) : () -> ()
    %barrier3A = arith.constant 0 : index
    tpu.barrier barrier_id(%barrier3A)
    "tpu.region"() ({
      %run_scoped3A = tpu.sem_alloc : memref<!tpu.dma_semaphore, #tpu.memory_space<semaphore_mem>>
      %dma_start3A_24 = arith.constant 0 : i32
      %dma_start3A_25 = arith.constant 0 : i32
      %dma_start3A_26 = tpu.memref_slice %arg3[%arg1, %dma_start3A_24, %dma_start3A_25] : memref<16x158x128xi32, #tpu.memory_space<hbm>> -> memref<1x158x128xi32, #tpu.memory_space<hbm>>
      %dma_start3A_27 = tpu.memref_squeeze %dma_start3A_26 : memref<1x158x128xi32, #tpu.memory_space<hbm>> -> memref<158x128xi32, #tpu.memory_space<hbm>>
      %dma_start3A_28 = arith.constant 0 : i32
      %dma_start3A_29 = arith.constant 0 : i32
      %dma_start3A_30 = tpu.memref_slice %arg3[%arg1, %dma_start3A_28, %dma_start3A_29] : memref<16x158x128xi32, #tpu.memory_space<hbm>> -> memref<1x158x128xi32, #tpu.memory_space<hbm>>
      %dma_start3A_31 = tpu.memref_squeeze %dma_start3A_30 : memref<1x158x128xi32, #tpu.memory_space<hbm>> -> memref<158x128xi32, #tpu.memory_space<hbm>>
      tpu.enqueue_dma source(%dma_start3A_31 : memref<158x128xi32, #tpu.memory_space<hbm>>) target(%arg6 : memref<158x128xi32, #tpu.memory_space<vmem>>) target_semaphore(%run_scoped3A : memref<!tpu.dma_semaphore, #tpu.memory_space<semaphore_mem>>)
      %dma_wait3A = arith.constant 0 : i32
      %dma_wait3A_32 = arith.constant 0 : i32
      %dma_wait3A_33 = tpu.memref_slice %arg3[%arg1, %dma_wait3A, %dma_wait3A_32] : memref<16x158x128xi32, #tpu.memory_space<hbm>> -> memref<1x158x128xi32, #tpu.memory_space<hbm>>
      %dma_wait3A_34 = tpu.memref_squeeze %dma_wait3A_33 : memref<1x158x128xi32, #tpu.memory_space<hbm>> -> memref<158x128xi32, #tpu.memory_space<hbm>>
      %dma_wait3A_35 = arith.constant 0 : i32
      %dma_wait3A_36 = arith.constant 0 : i32
      %dma_wait3A_37 = tpu.memref_slice %arg3[%arg1, %dma_wait3A_35, %dma_wait3A_36] : memref<16x158x128xi32, #tpu.memory_space<hbm>> -> memref<1x158x128xi32, #tpu.memory_space<hbm>>
      %dma_wait3A_38 = tpu.memref_squeeze %dma_wait3A_37 : memref<1x158x128xi32, #tpu.memory_space<hbm>> -> memref<158x128xi32, #tpu.memory_space<hbm>>
      tpu.wait_dma2 semaphore(%run_scoped3A : memref<!tpu.dma_semaphore, #tpu.memory_space<semaphore_mem>>) src(%dma_wait3A_38 : memref<158x128xi32, #tpu.memory_space<hbm>>) dst(%arg6 : memref<158x128xi32, #tpu.memory_space<vmem>>)
      tpu.yield
    }) : () -> ()
    "tpu.region"() ({
      %run_scoped3A = tpu.sem_alloc : memref<!tpu.dma_semaphore, #tpu.memory_space<semaphore_mem>>
      %dma_start3A_24 = arith.constant 0 : i32
      %dma_start3A_25 = arith.constant 0 : i32
      %dma_start3A_26 = arith.constant 0 : i32
      %dma_start3A_27 = tpu.memref_slice %arg4[%arg0, %dma_start3A_24, %dma_start3A_25, %dma_start3A_26] : memref<2x16x158x128xi32, #tpu.memory_space<hbm>> -> memref<1x16x158x128xi32, #tpu.memory_space<hbm>>
      %dma_start3A_28 = tpu.memref_squeeze %dma_start3A_27 : memref<1x16x158x128xi32, #tpu.memory_space<hbm>> -> memref<16x158x128xi32, #tpu.memory_space<hbm>>
      %dma_start3A_29 = arith.constant 0 : i32
      %dma_start3A_30 = arith.constant 0 : i32
      %dma_start3A_31 = tpu.memref_slice %dma_start3A_28[%arg1, %dma_start3A_29, %dma_start3A_30] : memref<16x158x128xi32, #tpu.memory_space<hbm>> -> memref<1x158x128xi32, #tpu.memory_space<hbm>>
      %dma_start3A_32 = tpu.memref_squeeze %dma_start3A_31 : memref<1x158x128xi32, #tpu.memory_space<hbm>> -> memref<158x128xi32, #tpu.memory_space<hbm>>
      %dma_start3A_33 = arith.constant 0 : i32
      %dma_start3A_34 = arith.constant 0 : i32
      %dma_start3A_35 = arith.constant 0 : i32
      %dma_start3A_36 = tpu.memref_slice %arg4[%arg0, %dma_start3A_33, %dma_start3A_34, %dma_start3A_35] : memref<2x16x158x128xi32, #tpu.memory_space<hbm>> -> memref<1x16x158x128xi32, #tpu.memory_space<hbm>>
      %dma_start3A_37 = tpu.memref_squeeze %dma_start3A_36 : memref<1x16x158x128xi32, #tpu.memory_space<hbm>> -> memref<16x158x128xi32, #tpu.memory_space<hbm>>
      %dma_start3A_38 = arith.constant 0 : i32
      %dma_start3A_39 = arith.constant 0 : i32
      %dma_start3A_40 = tpu.memref_slice %dma_start3A_37[%arg1, %dma_start3A_38, %dma_start3A_39] : memref<16x158x128xi32, #tpu.memory_space<hbm>> -> memref<1x158x128xi32, #tpu.memory_space<hbm>>
      %dma_start3A_41 = tpu.memref_squeeze %dma_start3A_40 : memref<1x158x128xi32, #tpu.memory_space<hbm>> -> memref<158x128xi32, #tpu.memory_space<hbm>>
      tpu.enqueue_dma source(%dma_start3A_41 : memref<158x128xi32, #tpu.memory_space<hbm>>) target(%arg7 : memref<158x128xi32, #tpu.memory_space<vmem>>) target_semaphore(%run_scoped3A : memref<!tpu.dma_semaphore, #tpu.memory_space<semaphore_mem>>)
      %dma_wait3A = arith.constant 0 : i32
      %dma_wait3A_42 = arith.constant 0 : i32
      %dma_wait3A_43 = arith.constant 0 : i32
      %dma_wait3A_44 = tpu.memref_slice %arg4[%arg0, %dma_wait3A, %dma_wait3A_42, %dma_wait3A_43] : memref<2x16x158x128xi32, #tpu.memory_space<hbm>> -> memref<1x16x158x128xi32, #tpu.memory_space<hbm>>
      %dma_wait3A_45 = tpu.memref_squeeze %dma_wait3A_44 : memref<1x16x158x128xi32, #tpu.memory_space<hbm>> -> memref<16x158x128xi32, #tpu.memory_space<hbm>>
      %dma_wait3A_46 = arith.constant 0 : i32
      %dma_wait3A_47 = arith.constant 0 : i32
      %dma_wait3A_48 = tpu.memref_slice %dma_wait3A_45[%arg1, %dma_wait3A_46, %dma_wait3A_47] : memref<16x158x128xi32, #tpu.memory_space<hbm>> -> memref<1x158x128xi32, #tpu.memory_space<hbm>>
      %dma_wait3A_49 = tpu.memref_squeeze %dma_wait3A_48 : memref<1x158x128xi32, #tpu.memory_space<hbm>> -> memref<158x128xi32, #tpu.memory_space<hbm>>
      %dma_wait3A_50 = arith.constant 0 : i32
      %dma_wait3A_51 = arith.constant 0 : i32
      %dma_wait3A_52 = arith.constant 0 : i32
      %dma_wait3A_53 = tpu.memref_slice %arg4[%arg0, %dma_wait3A_50, %dma_wait3A_51, %dma_wait3A_52] : memref<2x16x158x128xi32, #tpu.memory_space<hbm>> -> memref<1x16x158x128xi32, #tpu.memory_space<hbm>>
      %dma_wait3A_54 = tpu.memref_squeeze %dma_wait3A_53 : memref<1x16x158x128xi32, #tpu.memory_space<hbm>> -> memref<16x158x128xi32, #tpu.memory_space<hbm>>
      %dma_wait3A_55 = arith.constant 0 : i32
      %dma_wait3A_56 = arith.constant 0 : i32
      %dma_wait3A_57 = tpu.memref_slice %dma_wait3A_54[%arg1, %dma_wait3A_55, %dma_wait3A_56] : memref<16x158x128xi32, #tpu.memory_space<hbm>> -> memref<1x158x128xi32, #tpu.memory_space<hbm>>
      %dma_wait3A_58 = tpu.memref_squeeze %dma_wait3A_57 : memref<1x158x128xi32, #tpu.memory_space<hbm>> -> memref<158x128xi32, #tpu.memory_space<hbm>>
      tpu.wait_dma2 semaphore(%run_scoped3A : memref<!tpu.dma_semaphore, #tpu.memory_space<semaphore_mem>>) src(%dma_wait3A_58 : memref<158x128xi32, #tpu.memory_space<hbm>>) dst(%arg7 : memref<158x128xi32, #tpu.memory_space<vmem>>)
      tpu.yield
    }) : () -> ()
    %dma_start3A = arith.constant 0 : i32
    %dma_start3A_11 = arith.constant 0 : i32
    %dma_start3A_12 = tpu.memref_slice %arg6[%dma_start3A, %dma_start3A_11] : memref<158x128xi32, #tpu.memory_space<vmem>> -> memref<1x128xi32, #tpu.memory_space<vmem>>
    %dma_start3A_13 = tpu.memref_squeeze %dma_start3A_12 : memref<1x128xi32, #tpu.memory_space<vmem>> -> memref<128xi32, #tpu.memory_space<vmem>>
    %dma_start3A_14 = arith.constant 0 : i32
    %dma_start3A_15 = arith.constant 0 : i32
    %dma_start3A_16 = tpu.memref_slice %arg2[%dma_start3A_14, %dma_start3A_15] : memref<10000x128xf32, #tpu.memory_space<hbm>> -> memref<10000x128xf32, #tpu.memory_space<hbm>>
    tpu.enqueue_indirect_dma source(%dma_start3A_16 : memref<10000x128xf32, #tpu.memory_space<hbm>>) target(%arg8 : memref<128x128xf32, #tpu.memory_space<vmem>>) offsets(%dma_start3A_13 : memref<128xi32, #tpu.memory_space<vmem>>) semaphore(%arg12 : memref<!tpu.dma_semaphore, #tpu.memory_space<semaphore_mem>>)
    %scan3A_17 = arith.constant 0 : i32
    %scan3A_18 = arith.constant 0 : i32
    %scan3A_19 = arith.constant 79 : i32
    %scan3A_20 = arith.addi %scan3A_18, %scan3A_19 : i32
    %scan3A_21 = arith.constant 1 : i32
    scf.for %scan3A_24 = %scan3A_18 to %scan3A_20 step %scan3A_21  : i32 {
      %mul3A_25 = arith.constant 2 : i32
      %mul3A_26 = arith.muli %mul3A_25, %scan3A_24 : i32
      %add3A_27 = arith.constant 1 : i32
      %add3A_28 = arith.addi %mul3A_26, %add3A_27 : i32
      %dma_start3A_29 = arith.constant 0 : i32
      %dma_start3A_30 = tpu.memref_slice %arg6[%add3A_28, %dma_start3A_29] : memref<158x128xi32, #tpu.memory_space<vmem>> -> memref<1x128xi32, #tpu.memory_space<vmem>>
      %dma_start3A_31 = tpu.memref_squeeze %dma_start3A_30 : memref<1x128xi32, #tpu.memory_space<vmem>> -> memref<128xi32, #tpu.memory_space<vmem>>
      %dma_start3A_32 = arith.constant 0 : i32
      %dma_start3A_33 = arith.constant 0 : i32
      %dma_start3A_34 = tpu.memref_slice %arg2[%dma_start3A_32, %dma_start3A_33] : memref<10000x128xf32, #tpu.memory_space<hbm>> -> memref<10000x128xf32, #tpu.memory_space<hbm>>
      tpu.enqueue_indirect_dma source(%dma_start3A_34 : memref<10000x128xf32, #tpu.memory_space<hbm>>) target(%arg9 : memref<128x128xf32, #tpu.memory_space<vmem>>) offsets(%dma_start3A_31 : memref<128xi32, #tpu.memory_space<vmem>>) semaphore(%arg13 : memref<!tpu.dma_semaphore, #tpu.memory_space<semaphore_mem>>)
      %dma_wait3A = arith.constant 0 : i32
      %dma_wait3A_35 = arith.constant 0 : i32
      %dma_wait3A_36 = tpu.memref_slice %arg2[%dma_wait3A, %dma_wait3A_35] : memref<10000x128xf32, #tpu.memory_space<hbm>> -> memref<128x128xf32, #tpu.memory_space<hbm>>
      %dma_wait3A_37 = arith.constant 0 : i32
      %dma_wait3A_38 = arith.constant 0 : i32
      %dma_wait3A_39 = tpu.memref_slice %arg2[%dma_wait3A_37, %dma_wait3A_38] : memref<10000x128xf32, #tpu.memory_space<hbm>> -> memref<128x128xf32, #tpu.memory_space<hbm>>
      tpu.wait_dma2 semaphore(%arg12 : memref<!tpu.dma_semaphore, #tpu.memory_space<semaphore_mem>>) src(%dma_wait3A_39 : memref<128x128xf32, #tpu.memory_space<hbm>>) dst(%arg8 : memref<128x128xf32, #tpu.memory_space<vmem>>)
      "tpu.region"() ({
        %run_scoped3A = tpu.sem_alloc : memref<!tpu.dma_semaphore, #tpu.memory_space<semaphore_mem>>
        %dma_start3A_52 = arith.constant 0 : i32
        %dma_start3A_53 = tpu.memref_slice %arg7[%mul3A_26, %dma_start3A_52] : memref<158x128xi32, #tpu.memory_space<vmem>> -> memref<1x128xi32, #tpu.memory_space<vmem>>
        %dma_start3A_54 = tpu.memref_squeeze %dma_start3A_53 : memref<1x128xi32, #tpu.memory_space<vmem>> -> memref<128xi32, #tpu.memory_space<vmem>>
        %dma_start3A_55 = arith.constant 0 : i32
        %dma_start3A_56 = arith.constant 0 : i32
        %dma_start3A_57 = tpu.memref_slice %arg11[%dma_start3A_55, %dma_start3A_56] : memref<5120x128xf32, #tpu.memory_space<vmem_shared>> -> memref<5120x128xf32, #tpu.memory_space<vmem_shared>>
        tpu.enqueue_indirect_dma source(%arg8 : memref<128x128xf32, #tpu.memory_space<vmem>>) target(%dma_start3A_57 : memref<5120x128xf32, #tpu.memory_space<vmem_shared>>) offsets(%dma_start3A_54 : memref<128xi32, #tpu.memory_space<vmem>>) semaphore(%run_scoped3A : memref<!tpu.dma_semaphore, #tpu.memory_space<semaphore_mem>>) {add = true}
        %dma_wait3A_58 = arith.constant 0 : i32
        %dma_wait3A_59 = tpu.memref_slice %arg7[%mul3A_26, %dma_wait3A_58] : memref<158x128xi32, #tpu.memory_space<vmem>> -> memref<1x128xi32, #tpu.memory_space<vmem>>
        %dma_wait3A_60 = tpu.memref_squeeze %dma_wait3A_59 : memref<1x128xi32, #tpu.memory_space<vmem>> -> memref<128xi32, #tpu.memory_space<vmem>>
        %dma_wait3A_61 = arith.constant 0 : i32
        %dma_wait3A_62 = arith.constant 0 : i32
        %dma_wait3A_63 = tpu.memref_slice %arg11[%dma_wait3A_61, %dma_wait3A_62] : memref<5120x128xf32, #tpu.memory_space<vmem_shared>> -> memref<5120x128xf32, #tpu.memory_space<vmem_shared>>
        tpu.wait_indirect_dma semaphore(%run_scoped3A : memref<!tpu.dma_semaphore, #tpu.memory_space<semaphore_mem>>) src(%arg8 : memref<128x128xf32, #tpu.memory_space<vmem>>) dst(%dma_wait3A_63 : memref<5120x128xf32, #tpu.memory_space<vmem_shared>>)
        tpu.yield
      }) : () -> ()
      %add3A_40 = arith.constant 2 : i32
      %add3A_41 = arith.addi %mul3A_26, %add3A_40 : i32
      %lt3A = arith.constant 158 : i32
      %lt3A_42 = arith.cmpi slt, %add3A_41, %lt3A : i32
      %convert_element_type3A = arith.extui %lt3A_42 : i1 to i32
      %cond3A = arith.constant 0 : i32
      %cond3A_43 = arith.cmpi ne, %convert_element_type3A, %cond3A : i32
      scf.if %cond3A_43 {
        %add3A_52 = arith.constant 2 : i32
        %add3A_53 = arith.addi %mul3A_26, %add3A_52 : i32
        %dma_start3A_54 = arith.constant 0 : i32
        %dma_start3A_55 = tpu.memref_slice %arg6[%add3A_53, %dma_start3A_54] : memref<158x128xi32, #tpu.memory_space<vmem>> -> memref<1x128xi32, #tpu.memory_space<vmem>>
        %dma_start3A_56 = tpu.memref_squeeze %dma_start3A_55 : memref<1x128xi32, #tpu.memory_space<vmem>> -> memref<128xi32, #tpu.memory_space<vmem>>
        %dma_start3A_57 = arith.constant 0 : i32
        %dma_start3A_58 = arith.constant 0 : i32
        %dma_start3A_59 = tpu.memref_slice %arg2[%dma_start3A_57, %dma_start3A_58] : memref<10000x128xf32, #tpu.memory_space<hbm>> -> memref<10000x128xf32, #tpu.memory_space<hbm>>
        tpu.enqueue_indirect_dma source(%dma_start3A_59 : memref<10000x128xf32, #tpu.memory_space<hbm>>) target(%arg8 : memref<128x128xf32, #tpu.memory_space<vmem>>) offsets(%dma_start3A_56 : memref<128xi32, #tpu.memory_space<vmem>>) semaphore(%arg12 : memref<!tpu.dma_semaphore, #tpu.memory_space<semaphore_mem>>)
      } else {
      }
      %dma_wait3A_44 = arith.constant 0 : i32
      %dma_wait3A_45 = arith.constant 0 : i32
      %dma_wait3A_46 = tpu.memref_slice %arg2[%dma_wait3A_44, %dma_wait3A_45] : memref<10000x128xf32, #tpu.memory_space<hbm>> -> memref<128x128xf32, #tpu.memory_space<hbm>>
      %dma_wait3A_47 = arith.constant 0 : i32
      %dma_wait3A_48 = arith.constant 0 : i32
      %dma_wait3A_49 = tpu.memref_slice %arg2[%dma_wait3A_47, %dma_wait3A_48] : memref<10000x128xf32, #tpu.memory_space<hbm>> -> memref<128x128xf32, #tpu.memory_space<hbm>>
      tpu.wait_dma2 semaphore(%arg13 : memref<!tpu.dma_semaphore, #tpu.memory_space<semaphore_mem>>) src(%dma_wait3A_49 : memref<128x128xf32, #tpu.memory_space<hbm>>) dst(%arg9 : memref<128x128xf32, #tpu.memory_space<vmem>>)
      %add3A_50 = arith.constant 1 : i32
      %add3A_51 = arith.addi %mul3A_26, %add3A_50 : i32
      "tpu.region"() ({
        %run_scoped3A = tpu.sem_alloc : memref<!tpu.dma_semaphore, #tpu.memory_space<semaphore_mem>>
        %dma_start3A_52 = arith.constant 0 : i32
        %dma_start3A_53 = tpu.memref_slice %arg7[%add3A_51, %dma_start3A_52] : memref<158x128xi32, #tpu.memory_space<vmem>> -> memref<1x128xi32, #tpu.memory_space<vmem>>
        %dma_start3A_54 = tpu.memref_squeeze %dma_start3A_53 : memref<1x128xi32, #tpu.memory_space<vmem>> -> memref<128xi32, #tpu.memory_space<vmem>>
        %dma_start3A_55 = arith.constant 0 : i32
        %dma_start3A_56 = arith.constant 0 : i32
        %dma_start3A_57 = tpu.memref_slice %arg11[%dma_start3A_55, %dma_start3A_56] : memref<5120x128xf32, #tpu.memory_space<vmem_shared>> -> memref<5120x128xf32, #tpu.memory_space<vmem_shared>>
        tpu.enqueue_indirect_dma source(%arg9 : memref<128x128xf32, #tpu.memory_space<vmem>>) target(%dma_start3A_57 : memref<5120x128xf32, #tpu.memory_space<vmem_shared>>) offsets(%dma_start3A_54 : memref<128xi32, #tpu.memory_space<vmem>>) semaphore(%run_scoped3A : memref<!tpu.dma_semaphore, #tpu.memory_space<semaphore_mem>>) {add = true}
        %dma_wait3A_58 = arith.constant 0 : i32
        %dma_wait3A_59 = tpu.memref_slice %arg7[%add3A_51, %dma_wait3A_58] : memref<158x128xi32, #tpu.memory_space<vmem>> -> memref<1x128xi32, #tpu.memory_space<vmem>>
        %dma_wait3A_60 = tpu.memref_squeeze %dma_wait3A_59 : memref<1x128xi32, #tpu.memory_space<vmem>> -> memref<128xi32, #tpu.memory_space<vmem>>
        %dma_wait3A_61 = arith.constant 0 : i32
        %dma_wait3A_62 = arith.constant 0 : i32
        %dma_wait3A_63 = tpu.memref_slice %arg11[%dma_wait3A_61, %dma_wait3A_62] : memref<5120x128xf32, #tpu.memory_space<vmem_shared>> -> memref<5120x128xf32, #tpu.memory_space<vmem_shared>>
        tpu.wait_indirect_dma semaphore(%run_scoped3A : memref<!tpu.dma_semaphore, #tpu.memory_space<semaphore_mem>>) src(%arg9 : memref<128x128xf32, #tpu.memory_space<vmem>>) dst(%dma_wait3A_63 : memref<5120x128xf32, #tpu.memory_space<vmem_shared>>)
        tpu.yield
      }) : () -> ()
    }
    %scan3A_22 = arith.constant 79 : i32
    %barrier3A_23 = arith.constant 0 : index
    tpu.barrier barrier_id(%barrier3A_23)
    "tpu.region"() ({
      %run_scoped3A = tpu.sem_alloc : memref<!tpu.dma_semaphore, #tpu.memory_space<semaphore_mem>>
      %dma_start3A_24 = arith.constant 0 : i32
      %dma_start3A_25 = arith.constant 0 : i32
      %dma_start3A_26 = tpu.memref_slice %arg5[%arg0, %dma_start3A_24, %dma_start3A_25] : memref<2x5120x128xf32, #tpu.memory_space<hbm>> -> memref<1x5120x128xf32, #tpu.memory_space<hbm>>
      %dma_start3A_27 = tpu.memref_squeeze %dma_start3A_26 : memref<1x5120x128xf32, #tpu.memory_space<hbm>> -> memref<5120x128xf32, #tpu.memory_space<hbm>>
      %dma_start3A_28 = arith.constant 0 : i32
      %dma_start3A_29 = tpu.memref_slice %dma_start3A_27[%mul3A_5, %dma_start3A_28] : memref<5120x128xf32, #tpu.memory_space<hbm>> -> memref<320x128xf32, #tpu.memory_space<hbm>>
      %dma_start3A_30 = arith.constant 0 : i32
      %dma_start3A_31 = tpu.memref_slice %arg11[%mul3A_5, %dma_start3A_30] : memref<5120x128xf32, #tpu.memory_space<vmem_shared>> -> memref<320x128xf32, #tpu.memory_space<vmem_shared>>
      tpu.enqueue_dma source(%dma_start3A_31 : memref<320x128xf32, #tpu.memory_space<vmem_shared>>) target(%dma_start3A_29 : memref<320x128xf32, #tpu.memory_space<hbm>>) target_semaphore(%run_scoped3A : memref<!tpu.dma_semaphore, #tpu.memory_space<semaphore_mem>>)
      %dma_wait3A = arith.constant 0 : i32
      %dma_wait3A_32 = arith.constant 0 : i32
      %dma_wait3A_33 = tpu.memref_slice %arg5[%arg0, %dma_wait3A, %dma_wait3A_32] : memref<2x5120x128xf32, #tpu.memory_space<hbm>> -> memref<1x5120x128xf32, #tpu.memory_space<hbm>>
      %dma_wait3A_34 = tpu.memref_squeeze %dma_wait3A_33 : memref<1x5120x128xf32, #tpu.memory_space<hbm>> -> memref<5120x128xf32, #tpu.memory_space<hbm>>
      %dma_wait3A_35 = arith.constant 0 : i32
      %dma_wait3A_36 = tpu.memref_slice %dma_wait3A_34[%mul3A_5, %dma_wait3A_35] : memref<5120x128xf32, #tpu.memory_space<hbm>> -> memref<320x128xf32, #tpu.memory_space<hbm>>
      %dma_wait3A_37 = arith.constant 0 : i32
      %dma_wait3A_38 = tpu.memref_slice %arg11[%mul3A_5, %dma_wait3A_37] : memref<5120x128xf32, #tpu.memory_space<vmem_shared>> -> memref<320x128xf32, #tpu.memory_space<vmem_shared>>
      tpu.wait_dma2 semaphore(%run_scoped3A : memref<!tpu.dma_semaphore, #tpu.memory_space<semaphore_mem>>) src(%dma_wait3A_38 : memref<320x128xf32, #tpu.memory_space<vmem_shared>>) dst(%dma_wait3A_36 : memref<320x128xf32, #tpu.memory_space<hbm>>)
      tpu.yield
    }) : () -> ()
    return
  }
}

module attributes {stable_mosaic.version = 14 : i64} {
  func.func @_remap_body(%arg0: i32, %arg1: memref<512x128xi32, #tpu.memory_space<vmem>>, %arg2: memref<512x128xi32, #tpu.memory_space<vmem>>, %arg3: memref<512x128xi32, #tpu.memory_space<vmem>>) attributes {dimension_semantics = [#tpu.dimension_semantics<arbitrary>], iteration_bounds = array<i64: 5>, scalar_prefetch = 0 : i64, scratch_operands = 0 : i64, tpu.core_type = #tpu.core_type<tc>, window_params = [{transform_indices = @transform_0, window_bounds = array<i64: 512, 128>}, {transform_indices = @transform_1, window_bounds = array<i64: 512, 128>}, {transform_indices = @transform_2, window_bounds = array<i64: 512, 128>}]} {
    %get3A = arith.constant 0 : index
    %get3A_0 = arith.constant 0 : index
    %get3A_1 = vector.load %arg1[%get3A, %get3A_0] : memref<512x128xi32, #tpu.memory_space<vmem>>, vector<512x128xi32>
    %lt3A = arith.constant 5056 : i32
    %lt3A_2 = vector.broadcast %lt3A : i32 to vector<512x128xi32>
    %lt3A_3 = arith.cmpi slt, %get3A_1, %lt3A_2 : vector<512x128xi32>
    %jit3A = arith.constant 5056 : i32
    %broadcast_in_dim3A = vector.broadcast %jit3A : i32 to vector<512x128xi32>
    %select_n3A = arith.select %lt3A_3, %get3A_1, %broadcast_in_dim3A : vector<512x128xi1>, vector<512x128xi32>
    %swap3A = arith.constant 0 : index
    %swap3A_4 = arith.constant 0 : index
    %swap3A_5 = vector.load %arg2[%swap3A, %swap3A_4] : memref<512x128xi32, #tpu.memory_space<vmem>>, vector<512x128xi32>
    tpu.vector_store %arg2[%swap3A, %swap3A_4], %select_n3A {strides = array<i32>} : memref<512x128xi32, #tpu.memory_space<vmem>>, vector<512x128xi32>,
    %ge3A = arith.constant 5056 : i32
    %ge3A_6 = vector.broadcast %ge3A : i32 to vector<512x128xi32>
    %ge3A_7 = arith.cmpi sge, %get3A_1, %ge3A_6 : vector<512x128xi32>
    %lt3A_8 = arith.constant 10000 : i32
    %lt3A_9 = vector.broadcast %lt3A_8 : i32 to vector<512x128xi32>
    %lt3A_10 = arith.cmpi slt, %get3A_1, %lt3A_9 : vector<512x128xi32>
    %and3A = arith.andi %ge3A_7, %lt3A_10 : vector<512x128xi1>
    %sub3A = arith.constant 5056 : i32
    %sub3A_11 = vector.broadcast %sub3A : i32 to vector<512x128xi32>
    %sub3A_12 = arith.subi %get3A_1, %sub3A_11 : vector<512x128xi32>
    %jit3A_13 = arith.constant 5056 : i32
    %broadcast_in_dim3A_14 = vector.broadcast %jit3A_13 : i32 to vector<512x128xi32>
    %select_n3A_15 = arith.select %and3A, %sub3A_12, %broadcast_in_dim3A_14 : vector<512x128xi1>, vector<512x128xi32>
    %swap3A_16 = arith.constant 0 : index
    %swap3A_17 = arith.constant 0 : index
    %swap3A_18 = vector.load %arg3[%swap3A_16, %swap3A_17] : memref<512x128xi32, #tpu.memory_space<vmem>>, vector<512x128xi32>
    tpu.vector_store %arg3[%swap3A_16, %swap3A_17], %select_n3A_15 {strides = array<i32>} : memref<512x128xi32, #tpu.memory_space<vmem>>, vector<512x128xi32>,
    return
  }
  func.func @transform_0(%arg0: i32) -> (i32, i32) {
    %c0_i32 = arith.constant 0 : i32
    %c0_i32_0 = arith.constant 0 : i32
    return %arg0, %c0_i32 : i32, i32
  }
  func.func @transform_1(%arg0: i32) -> (i32, i32) {
    %c0_i32 = arith.constant 0 : i32
    %c0_i32_0 = arith.constant 0 : i32
    return %arg0, %c0_i32 : i32, i32
  }
  func.func @transform_2(%arg0: i32) -> (i32, i32) {
    %c0_i32 = arith.constant 0 : i32
    %c0_i32_0 = arith.constant 0 : i32
    return %arg0, %c0_i32 : i32, i32
  }
}

module attributes {stable_mosaic.version = 14 : i64} {
  func.func @_m1_body(%arg0: i32, %arg1: memref<1024x128xf32, #tpu.memory_space<vmem>>, %arg2: memref<128x128xf32, #tpu.memory_space<vmem>>, %arg3: memref<1024x16xf32, #tpu.memory_space<vmem>>, %arg4: memref<1024x16xf32, #tpu.memory_space<vmem>>, %arg5: memref<1024x128xf32, #tpu.memory_space<vmem>>) attributes {dimension_semantics = [#tpu.dimension_semantics<arbitrary>], iteration_bounds = array<i64: 10>, scalar_prefetch = 0 : i64, scratch_operands = 0 : i64, tpu.core_type = #tpu.core_type<tc>, window_params = [{transform_indices = @transform_0, window_bounds = array<i64: 1024, 128>}, {pipeline_mode = #tpu.pipeline_mode<synchronous>, transform_indices = @transform_1, window_bounds = array<i64: 128, 128>}, {transform_indices = @transform_2, window_bounds = array<i64: 1024, 16>}, {transform_indices = @transform_3, window_bounds = array<i64: 1024, 16>}, {transform_indices = @transform_4, window_bounds = array<i64: 1024, 128>}]} {
    %get3A = arith.constant 0 : index
    %get3A_0 = arith.constant 0 : index
    %get3A_1 = vector.load %arg3[%get3A, %get3A_0] : memref<1024x16xf32, #tpu.memory_space<vmem>>, vector<1024x16xf32>
    %get3A_2 = arith.constant 0 : index
    %get3A_3 = arith.constant 0 : index
    %get3A_4 = vector.load %arg4[%get3A_2, %get3A_3] : memref<1024x16xf32, #tpu.memory_space<vmem>>, vector<1024x16xf32>
    %slice3A = vector.extract_strided_slice %get3A_1 {offsets = [0, 0], sizes = [1024, 1], strides = [1, 1]} : vector<1024x16xf32> to vector<1024x1xf32>
    %add3A = arith.constant 1.000000e+00 : f32
    %add3A_5 = vector.broadcast %add3A : f32 to vector<1024x1xf32>
    %add3A_6 = arith.addf %add3A_5, %slice3A : vector<1024x1xf32>
    %slice3A_7 = vector.extract_strided_slice %get3A_4 {offsets = [0, 0], sizes = [1024, 1], strides = [1, 1]} : vector<1024x16xf32> to vector<1024x1xf32>
    %add3A_8 = arith.addf %add3A_6, %slice3A_7 : vector<1024x1xf32>
    %sqrt3A = math.sqrt %add3A_8 : vector<1024x1xf32>
    %div3A = arith.constant 1.000000e+00 : f32
    %div3A_9 = vector.broadcast %div3A : f32 to vector<1024x1xf32>
    %div3A_10 = arith.divf %div3A_9, %sqrt3A : vector<1024x1xf32>
    %get3A_11 = arith.constant 0 : index
    %get3A_12 = arith.constant 0 : index
    %get3A_13 = vector.load %arg1[%get3A_11, %get3A_12] : memref<1024x128xf32, #tpu.memory_space<vmem>>, vector<1024x128xf32>
    %get3A_14 = arith.constant 0 : index
    %get3A_15 = arith.constant 0 : index
    %get3A_16 = vector.load %arg2[%get3A_14, %get3A_15] : memref<128x128xf32, #tpu.memory_space<vmem>>, vector<128x128xf32>
    %dot_general3A = arith.constant dense<0.000000e+00> : vector<1024x128xf32>
    %dot_general3A_17 = tpu.matmul %get3A_13, %get3A_16, %dot_general3A {dimension_numbers = #tpu.dot_dimension_numbers<[1], [0], [0], [1], [0, 0, 1, 1], [], []>, transpose_lhs_hint = false} : vector<1024x128xf32>, vector<128x128xf32>, vector<1024x128xf32> -> vector<1024x128xf32>
    %mul3A = vector.broadcast %div3A_10 : vector<1024x1xf32> to vector<1024x128xf32>
    %mul3A_18 = arith.mulf %dot_general3A_17, %mul3A : vector<1024x128xf32>
    %swap3A = arith.constant 0 : index
    %swap3A_19 = arith.constant 0 : index
    %swap3A_20 = vector.load %arg5[%swap3A, %swap3A_19] : memref<1024x128xf32, #tpu.memory_space<vmem>>, vector<1024x128xf32>
    tpu.vector_store %arg5[%swap3A, %swap3A_19], %mul3A_18 {strides = array<i32>} : memref<1024x128xf32, #tpu.memory_space<vmem>>, vector<1024x128xf32>,
    return
  }
  func.func @transform_0(%arg0: i32) -> (i32, i32) {
    %c0_i32 = arith.constant 0 : i32
    %c0_i32_0 = arith.constant 0 : i32
    return %arg0, %c0_i32 : i32, i32
  }
  func.func @transform_1(%arg0: i32) -> (i32, i32) {
    %c0_i32 = arith.constant 0 : i32
    %c0_i32_0 = arith.constant 0 : i32
    %c0_i32_1 = arith.constant 0 : i32
    return %c0_i32, %c0_i32_0 : i32, i32
  }
  func.func @transform_2(%arg0: i32) -> (i32, i32) {
    %c0_i32 = arith.constant 0 : i32
    %c0_i32_0 = arith.constant 0 : i32
    return %arg0, %c0_i32 : i32, i32
  }
  func.func @transform_3(%arg0: i32) -> (i32, i32) {
    %c0_i32 = arith.constant 0 : i32
    %c0_i32_0 = arith.constant 0 : i32
    return %arg0, %c0_i32 : i32, i32
  }
  func.func @transform_4(%arg0: i32) -> (i32, i32) {
    %c0_i32 = arith.constant 0 : i32
    %c0_i32_0 = arith.constant 0 : i32
    return %arg0, %c0_i32 : i32, i32
  }
}

module attributes {stable_mosaic.version = 14 : i64} {
  func.func @_fused_body(%arg0: i32, %arg1: memref<1024x128xf32, #tpu.memory_space<vmem>>, %arg2: memref<1024x128xf32, #tpu.memory_space<vmem>>, %arg3: memref<1024x16xf32, #tpu.memory_space<vmem>>, %arg4: memref<1024x16xf32, #tpu.memory_space<vmem>>, %arg5: memref<1x128xf32, #tpu.memory_space<vmem>>, %arg6: memref<128x128xf32, #tpu.memory_space<vmem>>, %arg7: memref<1024x128xf32, #tpu.memory_space<vmem>>) attributes {dimension_semantics = [#tpu.dimension_semantics<arbitrary>], iteration_bounds = array<i64: 10>, scalar_prefetch = 0 : i64, scratch_operands = 0 : i64, tpu.core_type = #tpu.core_type<tc>, window_params = [{transform_indices = @transform_0, window_bounds = array<i64: 1024, 128>}, {transform_indices = @transform_1, window_bounds = array<i64: 1024, 128>}, {transform_indices = @transform_2, window_bounds = array<i64: 1024, 16>}, {transform_indices = @transform_3, window_bounds = array<i64: 1024, 16>}, {pipeline_mode = #tpu.pipeline_mode<synchronous>, transform_indices = @transform_4, window_bounds = array<i64: 1, 128>}, {pipeline_mode = #tpu.pipeline_mode<synchronous>, transform_indices = @transform_5, window_bounds = array<i64: 128, 128>}, {transform_indices = @transform_6, window_bounds = array<i64: 1024, 128>}]} {
    %get3A = arith.constant 0 : index
    %get3A_0 = arith.constant 0 : index
    %get3A_1 = vector.load %arg3[%get3A, %get3A_0] : memref<1024x16xf32, #tpu.memory_space<vmem>>, vector<1024x16xf32>
    %get3A_2 = arith.constant 0 : index
    %get3A_3 = arith.constant 0 : index
    %get3A_4 = vector.load %arg4[%get3A_2, %get3A_3] : memref<1024x16xf32, #tpu.memory_space<vmem>>, vector<1024x16xf32>
    %slice3A = vector.extract_strided_slice %get3A_1 {offsets = [0, 0], sizes = [1024, 1], strides = [1, 1]} : vector<1024x16xf32> to vector<1024x1xf32>
    %add3A = arith.constant 1.000000e+00 : f32
    %add3A_5 = vector.broadcast %add3A : f32 to vector<1024x1xf32>
    %add3A_6 = arith.addf %add3A_5, %slice3A : vector<1024x1xf32>
    %slice3A_7 = vector.extract_strided_slice %get3A_4 {offsets = [0, 0], sizes = [1024, 1], strides = [1, 1]} : vector<1024x16xf32> to vector<1024x1xf32>
    %add3A_8 = arith.addf %add3A_6, %slice3A_7 : vector<1024x1xf32>
    %sqrt3A = math.sqrt %add3A_8 : vector<1024x1xf32>
    %div3A = arith.constant 1.000000e+00 : f32
    %div3A_9 = vector.broadcast %div3A : f32 to vector<1024x1xf32>
    %div3A_10 = arith.divf %div3A_9, %sqrt3A : vector<1024x1xf32>
    %get3A_11 = arith.constant 0 : index
    %get3A_12 = arith.constant 0 : index
    %get3A_13 = vector.load %arg1[%get3A_11, %get3A_12] : memref<1024x128xf32, #tpu.memory_space<vmem>>, vector<1024x128xf32>
    %get3A_14 = arith.constant 0 : index
    %get3A_15 = arith.constant 0 : index
    %get3A_16 = vector.load %arg2[%get3A_14, %get3A_15] : memref<1024x128xf32, #tpu.memory_space<vmem>>, vector<1024x128xf32>
    %add3A_17 = arith.addf %get3A_13, %get3A_16 : vector<1024x128xf32>
    %mul3A = vector.broadcast %div3A_10 : vector<1024x1xf32> to vector<1024x128xf32>
    %mul3A_18 = arith.mulf %mul3A, %add3A_17 : vector<1024x128xf32>
    %get3A_19 = arith.constant 0 : index
    %get3A_20 = arith.constant 0 : index
    %get3A_21 = vector.load %arg5[%get3A_19, %get3A_20] : memref<1x128xf32, #tpu.memory_space<vmem>>, vector<1x128xf32>
    %add3A_22 = vector.broadcast %get3A_21 : vector<1x128xf32> to vector<1024x128xf32>
    %add3A_23 = arith.addf %mul3A_18, %add3A_22 : vector<1024x128xf32>
    %max3A = arith.constant 0.000000e+00 : f32
    %max3A_24 = vector.broadcast %max3A : f32 to vector<1024x128xf32>
    %max3A_25 = arith.maximumf %add3A_23, %max3A_24 : vector<1024x128xf32>
    %get3A_26 = arith.constant 0 : index
    %get3A_27 = arith.constant 0 : index
    %get3A_28 = vector.load %arg6[%get3A_26, %get3A_27] : memref<128x128xf32, #tpu.memory_space<vmem>>, vector<128x128xf32>
    %dot_general3A = arith.constant dense<0.000000e+00> : vector<1024x128xf32>
    %dot_general3A_29 = tpu.matmul %max3A_25, %get3A_28, %dot_general3A {dimension_numbers = #tpu.dot_dimension_numbers<[1], [0], [0], [1], [0, 0, 1, 1], [], []>, transpose_lhs_hint = false} : vector<1024x128xf32>, vector<128x128xf32>, vector<1024x128xf32> -> vector<1024x128xf32>
    %mul3A_30 = vector.broadcast %div3A_10 : vector<1024x1xf32> to vector<1024x128xf32>
    %mul3A_31 = arith.mulf %dot_general3A_29, %mul3A_30 : vector<1024x128xf32>
    %swap3A = arith.constant 0 : index
    %swap3A_32 = arith.constant 0 : index
    %swap3A_33 = vector.load %arg7[%swap3A, %swap3A_32] : memref<1024x128xf32, #tpu.memory_space<vmem>>, vector<1024x128xf32>
    tpu.vector_store %arg7[%swap3A, %swap3A_32], %mul3A_31 {strides = array<i32>} : memref<1024x128xf32, #tpu.memory_space<vmem>>, vector<1024x128xf32>,
    return
  }
  func.func @transform_0(%arg0: i32) -> (i32, i32) {
    %c0_i32 = arith.constant 0 : i32
    %c0_i32_0 = arith.constant 0 : i32
    return %arg0, %c0_i32 : i32, i32
  }
  func.func @transform_1(%arg0: i32) -> (i32, i32) {
    %c0_i32 = arith.constant 0 : i32
    %c0_i32_0 = arith.constant 0 : i32
    return %arg0, %c0_i32 : i32, i32
  }
  func.func @transform_2(%arg0: i32) -> (i32, i32) {
    %c0_i32 = arith.constant 0 : i32
    %c0_i32_0 = arith.constant 0 : i32
    return %arg0, %c0_i32 : i32, i32
  }
  func.func @transform_3(%arg0: i32) -> (i32, i32) {
    %c0_i32 = arith.constant 0 : i32
    %c0_i32_0 = arith.constant 0 : i32
    return %arg0, %c0_i32 : i32, i32
  }
  func.func @transform_4(%arg0: i32) -> (i32, i32) {
    %c0_i32 = arith.constant 0 : i32
    %c0_i32_0 = arith.constant 0 : i32
    %c0_i32_1 = arith.constant 0 : i32
    return %c0_i32, %c0_i32_0 : i32, i32
  }
  func.func @transform_5(%arg0: i32) -> (i32, i32) {
    %c0_i32 = arith.constant 0 : i32
    %c0_i32_0 = arith.constant 0 : i32
    %c0_i32_1 = arith.constant 0 : i32
    return %c0_i32, %c0_i32_0 : i32, i32
  }
  func.func @transform_6(%arg0: i32) -> (i32, i32) {
    %c0_i32 = arith.constant 0 : i32
    %c0_i32_0 = arith.constant 0 : i32
    return %arg0, %c0_i32 : i32, i32
  }
}

module attributes {stable_mosaic.version = 14 : i64} {
  func.func @_g3_body(%arg0: i32, %arg1: memref<1024x128xf32, #tpu.memory_space<vmem>>, %arg2: memref<1024x128xf32, #tpu.memory_space<vmem>>, %arg3: memref<1024x16xf32, #tpu.memory_space<vmem>>, %arg4: memref<1024x16xf32, #tpu.memory_space<vmem>>, %arg5: memref<1x128xf32, #tpu.memory_space<vmem>>, %arg6: memref<1024x128xf32, #tpu.memory_space<vmem>>) attributes {dimension_semantics = [#tpu.dimension_semantics<arbitrary>], iteration_bounds = array<i64: 12>, scalar_prefetch = 0 : i64, scratch_operands = 0 : i64, tpu.core_type = #tpu.core_type<tc>, window_params = [{transform_indices = @transform_0, window_bounds = array<i64: 1024, 128>}, {transform_indices = @transform_1, window_bounds = array<i64: 1024, 128>}, {transform_indices = @transform_2, window_bounds = array<i64: 1024, 16>}, {transform_indices = @transform_3, window_bounds = array<i64: 1024, 16>}, {pipeline_mode = #tpu.pipeline_mode<synchronous>, transform_indices = @transform_4, window_bounds = array<i64: 1, 128>}, {transform_indices = @transform_5, window_bounds = array<i64: 1024, 128>}]} {
    %get3A = arith.constant 0 : index
    %get3A_0 = arith.constant 0 : index
    %get3A_1 = vector.load %arg3[%get3A, %get3A_0] : memref<1024x16xf32, #tpu.memory_space<vmem>>, vector<1024x16xf32>
    %get3A_2 = arith.constant 0 : index
    %get3A_3 = arith.constant 0 : index
    %get3A_4 = vector.load %arg4[%get3A_2, %get3A_3] : memref<1024x16xf32, #tpu.memory_space<vmem>>, vector<1024x16xf32>
    %slice3A = vector.extract_strided_slice %get3A_1 {offsets = [0, 0], sizes = [1024, 1], strides = [1, 1]} : vector<1024x16xf32> to vector<1024x1xf32>
    %add3A = arith.constant 1.000000e+00 : f32
    %add3A_5 = vector.broadcast %add3A : f32 to vector<1024x1xf32>
    %add3A_6 = arith.addf %add3A_5, %slice3A : vector<1024x1xf32>
    %slice3A_7 = vector.extract_strided_slice %get3A_4 {offsets = [0, 0], sizes = [1024, 1], strides = [1, 1]} : vector<1024x16xf32> to vector<1024x1xf32>
    %add3A_8 = arith.addf %add3A_6, %slice3A_7 : vector<1024x1xf32>
    %sqrt3A = math.sqrt %add3A_8 : vector<1024x1xf32>
    %div3A = arith.constant 1.000000e+00 : f32
    %div3A_9 = vector.broadcast %div3A : f32 to vector<1024x1xf32>
    %div3A_10 = arith.divf %div3A_9, %sqrt3A : vector<1024x1xf32>
    %get3A_11 = arith.constant 0 : index
    %get3A_12 = arith.constant 0 : index
    %get3A_13 = vector.load %arg1[%get3A_11, %get3A_12] : memref<1024x128xf32, #tpu.memory_space<vmem>>, vector<1024x128xf32>
    %get3A_14 = arith.constant 0 : index
    %get3A_15 = arith.constant 0 : index
    %get3A_16 = vector.load %arg2[%get3A_14, %get3A_15] : memref<1024x128xf32, #tpu.memory_space<vmem>>, vector<1024x128xf32>
    %add3A_17 = arith.addf %get3A_13, %get3A_16 : vector<1024x128xf32>
    %mul3A = vector.broadcast %div3A_10 : vector<1024x1xf32> to vector<1024x128xf32>
    %mul3A_18 = arith.mulf %mul3A, %add3A_17 : vector<1024x128xf32>
    %get3A_19 = arith.constant 0 : index
    %get3A_20 = arith.constant 0 : index
    %get3A_21 = vector.load %arg5[%get3A_19, %get3A_20] : memref<1x128xf32, #tpu.memory_space<vmem>>, vector<1x128xf32>
    %add3A_22 = vector.broadcast %get3A_21 : vector<1x128xf32> to vector<1024x128xf32>
    %add3A_23 = arith.addf %mul3A_18, %add3A_22 : vector<1024x128xf32>
    %max3A = arith.constant 0.000000e+00 : f32
    %max3A_24 = vector.broadcast %max3A : f32 to vector<1024x128xf32>
    %max3A_25 = arith.maximumf %add3A_23, %max3A_24 : vector<1024x128xf32>
    %swap3A = arith.constant 0 : index
    %swap3A_26 = arith.constant 0 : index
    %swap3A_27 = vector.load %arg6[%swap3A, %swap3A_26] : memref<1024x128xf32, #tpu.memory_space<vmem>>, vector<1024x128xf32>
    tpu.vector_store %arg6[%swap3A, %swap3A_26], %max3A_25 {strides = array<i32>} : memref<1024x128xf32, #tpu.memory_space<vmem>>, vector<1024x128xf32>,
    return
  }
  func.func @transform_0(%arg0: i32) -> (i32, i32) {
    %min3A = arith.constant 9 : i32
    %min3A_0 = arith.minsi %arg0, %min3A : i32
    %c0_i32 = arith.constant 0 : i32
    %c0_i32_1 = arith.constant 0 : i32
    return %min3A_0, %c0_i32 : i32, i32
  }
  func.func @transform_1(%arg0: i32) -> (i32, i32) {
    %min3A = arith.constant 9 : i32
    %min3A_0 = arith.minsi %arg0, %min3A : i32
    %c0_i32 = arith.constant 0 : i32
    %c0_i32_1 = arith.constant 0 : i32
    return %min3A_0, %c0_i32 : i32, i32
  }
  func.func @transform_2(%arg0: i32) -> (i32, i32) {
    %min3A = arith.constant 9 : i32
    %min3A_0 = arith.minsi %arg0, %min3A : i32
    %c0_i32 = arith.constant 0 : i32
    %c0_i32_1 = arith.constant 0 : i32
    return %min3A_0, %c0_i32 : i32, i32
  }
  func.func @transform_3(%arg0: i32) -> (i32, i32) {
    %min3A = arith.constant 9 : i32
    %min3A_0 = arith.minsi %arg0, %min3A : i32
    %c0_i32 = arith.constant 0 : i32
    %c0_i32_1 = arith.constant 0 : i32
    return %min3A_0, %c0_i32 : i32, i32
  }
  func.func @transform_4(%arg0: i32) -> (i32, i32) {
    %c0_i32 = arith.constant 0 : i32
    %c0_i32_0 = arith.constant 0 : i32
    %c0_i32_1 = arith.constant 0 : i32
    return %c0_i32, %c0_i32_0 : i32, i32
  }
  func.func @transform_5(%arg0: i32) -> (i32, i32) {
    %c0_i32 = arith.constant 0 : i32
    %c0_i32_0 = arith.constant 0 : i32
    return %arg0, %c0_i32 : i32, i32
  }
}

module attributes {stable_mosaic.version = 14 : i64} {
  func.func @_head_body(%arg0: memref<256x128xf32, #tpu.memory_space<vmem>>, %arg1: memref<256x128xf32, #tpu.memory_space<vmem>>, %arg2: memref<256x16xf32, #tpu.memory_space<vmem>>, %arg3: memref<256x16xf32, #tpu.memory_space<vmem>>, %arg4: memref<256x128xf32, #tpu.memory_space<vmem>>, %arg5: memref<256x128xf32, #tpu.memory_space<vmem>>, %arg6: memref<1x128xf32, #tpu.memory_space<vmem>>, %arg7: memref<128x512xf32, #tpu.memory_space<vmem>>, %arg8: memref<1x512xf32, #tpu.memory_space<vmem>>, %arg9: memref<1x1xf32, #tpu.memory_space<vmem>>, %arg10: memref<256x128xf32, #tpu.memory_space<vmem>>, %arg11: memref<256x512xf32, #tpu.memory_space<vmem>>) attributes {dimension_semantics = [], scalar_prefetch = 0 : i64, scratch_operands = 0 : i64, tpu.core_type = #tpu.core_type<tc>} {
    %get3A = arith.constant 0 : index
    %get3A_0 = arith.constant 0 : index
    %get3A_1 = vector.load %arg0[%get3A, %get3A_0] : memref<256x128xf32, #tpu.memory_space<vmem>>, vector<256x128xf32>
    %get3A_2 = arith.constant 0 : index
    %get3A_3 = arith.constant 0 : index
    %get3A_4 = vector.load %arg1[%get3A_2, %get3A_3] : memref<256x128xf32, #tpu.memory_space<vmem>>, vector<256x128xf32>
    %add3A = arith.addf %get3A_1, %get3A_4 : vector<256x128xf32>
    %get3A_5 = arith.constant 0 : index
    %get3A_6 = arith.constant 0 : index
    %get3A_7 = vector.load %arg2[%get3A_5, %get3A_6] : memref<256x16xf32, #tpu.memory_space<vmem>>, vector<256x1xf32>
    %get3A_8 = arith.constant 0 : index
    %get3A_9 = arith.constant 0 : index
    %get3A_10 = vector.load %arg3[%get3A_8, %get3A_9] : memref<256x16xf32, #tpu.memory_space<vmem>>, vector<256x1xf32>
    %add3A_11 = arith.addf %get3A_7, %get3A_10 : vector<256x1xf32>
    %max3A = arith.constant 1.000000e+00 : f32
    %max3A_12 = vector.broadcast %max3A : f32 to vector<256x1xf32>
    %max3A_13 = arith.maximumf %add3A_11, %max3A_12 : vector<256x1xf32>
    %div3A = vector.broadcast %max3A_13 : vector<256x1xf32> to vector<256x128xf32>
    %div3A_14 = arith.divf %add3A, %div3A : vector<256x128xf32>
    %mul3A = arith.mulf %div3A_14, %div3A_14 : vector<256x128xf32>
    %reduce_sum3A = arith.constant dense<0.000000e+00> : vector<256xf32>
    %reduce_sum3A_15 = vector.multi_reduction <add>, %mul3A, %reduce_sum3A [1] : vector<256x128xf32> to vector<256xf32>
    %broadcast_in_dim3A = vector.shape_cast %reduce_sum3A_15 : vector<256xf32> to vector<256x1xf32>
    %sqrt3A = math.sqrt %broadcast_in_dim3A : vector<256x1xf32>
    %max3A_16 = arith.constant 9.99999996E-13 : f32
    %max3A_17 = vector.broadcast %max3A_16 : f32 to vector<256x1xf32>
    %max3A_18 = arith.maximumf %sqrt3A, %max3A_17 : vector<256x1xf32>
    %div3A_19 = vector.broadcast %max3A_18 : vector<256x1xf32> to vector<256x128xf32>
    %div3A_20 = arith.divf %div3A_14, %div3A_19 : vector<256x128xf32>
    %get3A_21 = arith.constant 0 : index
    %get3A_22 = arith.constant 0 : index
    %get3A_23 = vector.load %arg9[%get3A_21, %get3A_22] : memref<1x1xf32, #tpu.memory_space<vmem>>, vector<1x1xf32>
    %get3A_24 = vector.extract %get3A_23[0, 0] : f32 from vector<1x1xf32>
    %max3A_25 = arith.constant 9.99999974E-5 : f32
    %max3A_26 = arith.maximumf %get3A_24, %max3A_25 : f32
    %div3A_27 = vector.broadcast %max3A_26 : f32 to vector<256x128xf32>
    %div3A_28 = arith.divf %div3A_20, %div3A_27 : vector<256x128xf32>
    %swap3A = arith.constant 0 : index
    %swap3A_29 = arith.constant 0 : index
    %swap3A_30 = vector.load %arg10[%swap3A, %swap3A_29] : memref<256x128xf32, #tpu.memory_space<vmem>>, vector<256x128xf32>
    tpu.vector_store %arg10[%swap3A, %swap3A_29], %div3A_28 {strides = array<i32>} : memref<256x128xf32, #tpu.memory_space<vmem>>, vector<256x128xf32>,
    %get3A_31 = arith.constant 0 : index
    %get3A_32 = arith.constant 0 : index
    %get3A_33 = vector.load %arg4[%get3A_31, %get3A_32] : memref<256x128xf32, #tpu.memory_space<vmem>>, vector<256x128xf32>
    %concatenate3A = tpu.concatenate %div3A_14, %get3A_33 in 1 : vector<256x128xf32>, vector<256x128xf32> -> vector<256x256xf32>
    %get3A_34 = arith.constant 0 : index
    %get3A_35 = arith.constant 0 : index
    %get3A_36 = vector.load %arg5[%get3A_34, %get3A_35] : memref<256x128xf32, #tpu.memory_space<vmem>>, vector<256x128xf32>
    %dot_general3A = arith.constant dense<0.000000e+00> : vector<256x128xf32>
    %dot_general3A_37 = tpu.matmul %concatenate3A, %get3A_36, %dot_general3A {dimension_numbers = #tpu.dot_dimension_numbers<[1], [0], [0], [1], [0, 0, 1, 1], [], []>, transpose_lhs_hint = false} : vector<256x256xf32>, vector<256x128xf32>, vector<256x128xf32> -> vector<256x128xf32>
    %get3A_38 = arith.constant 0 : index
    %get3A_39 = arith.constant 0 : index
    %get3A_40 = vector.load %arg6[%get3A_38, %get3A_39] : memref<1x128xf32, #tpu.memory_space<vmem>>, vector<1x128xf32>
    %add3A_41 = vector.broadcast %get3A_40 : vector<1x128xf32> to vector<256x128xf32>
    %add3A_42 = arith.addf %dot_general3A_37, %add3A_41 : vector<256x128xf32>
    %max3A_43 = arith.constant 0.000000e+00 : f32
    %max3A_44 = vector.broadcast %max3A_43 : f32 to vector<256x128xf32>
    %max3A_45 = arith.maximumf %add3A_42, %max3A_44 : vector<256x128xf32>
    %get3A_46 = arith.constant 0 : index
    %get3A_47 = arith.constant 0 : index
    %get3A_48 = vector.load %arg7[%get3A_46, %get3A_47] : memref<128x512xf32, #tpu.memory_space<vmem>>, vector<128x512xf32>
    %dot_general3A_49 = arith.constant dense<0.000000e+00> : vector<256x512xf32>
    %dot_general3A_50 = tpu.matmul %max3A_45, %get3A_48, %dot_general3A_49 {dimension_numbers = #tpu.dot_dimension_numbers<[1], [0], [0], [1], [0, 0, 1, 1], [], []>, transpose_lhs_hint = false} : vector<256x128xf32>, vector<128x512xf32>, vector<256x512xf32> -> vector<256x512xf32>
    %get3A_51 = arith.constant 0 : index
    %get3A_52 = arith.constant 0 : index
    %get3A_53 = vector.load %arg8[%get3A_51, %get3A_52] : memref<1x512xf32, #tpu.memory_space<vmem>>, vector<1x512xf32>
    %add3A_54 = vector.broadcast %get3A_53 : vector<1x512xf32> to vector<256x512xf32>
    %add3A_55 = arith.addf %dot_general3A_50, %add3A_54 : vector<256x512xf32>
    %swap3A_56 = arith.constant 0 : index
    %swap3A_57 = arith.constant 0 : index
    %swap3A_58 = vector.load %arg11[%swap3A_56, %swap3A_57] : memref<256x512xf32, #tpu.memory_space<vmem>>, vector<256x512xf32>
    tpu.vector_store %arg11[%swap3A_56, %swap3A_57], %add3A_55 {strides = array<i32>} : memref<256x512xf32, #tpu.memory_space<vmem>>, vector<256x512xf32>,
    return
  }
}

module attributes {stable_mosaic.version = 14 : i64} {
  func.func @_logits_body(%arg0: i32, %arg1: memref<256x128xf32, #tpu.memory_space<vmem>>, %arg2: memref<2048x128xf32, #tpu.memory_space<vmem>>, %arg3: memref<256x2048xf32, #tpu.memory_space<vmem>>) attributes {dimension_semantics = [#tpu.dimension_semantics<arbitrary>], iteration_bounds = array<i64: 49>, scalar_prefetch = 0 : i64, scratch_operands = 0 : i64, tpu.core_type = #tpu.core_type<tc>, window_params = [{pipeline_mode = #tpu.pipeline_mode<synchronous>, transform_indices = @transform_0, window_bounds = array<i64: 256, 128>}, {transform_indices = @transform_1, window_bounds = array<i64: 2048, 128>}, {transform_indices = @transform_2, window_bounds = array<i64: 256, 2048>}]} {
    %get3A = arith.constant 0 : index
    %get3A_0 = arith.constant 0 : index
    %get3A_1 = vector.load %arg2[%get3A, %get3A_0] : memref<2048x128xf32, #tpu.memory_space<vmem>>, vector<2048x128xf32>
    %mul3A = arith.mulf %get3A_1, %get3A_1 : vector<2048x128xf32>
    %reduce_sum3A = arith.constant dense<0.000000e+00> : vector<2048xf32>
    %reduce_sum3A_2 = vector.multi_reduction <add>, %mul3A, %reduce_sum3A [1] : vector<2048x128xf32> to vector<2048xf32>
    %broadcast_in_dim3A = vector.shape_cast %reduce_sum3A_2 : vector<2048xf32> to vector<2048x1xf32>
    %sqrt3A = math.sqrt %broadcast_in_dim3A : vector<2048x1xf32>
    %max3A = arith.constant 9.99999996E-13 : f32
    %max3A_3 = vector.broadcast %max3A : f32 to vector<2048x1xf32>
    %max3A_4 = arith.maximumf %sqrt3A, %max3A_3 : vector<2048x1xf32>
    %div3A = vector.broadcast %max3A_4 : vector<2048x1xf32> to vector<2048x128xf32>
    %div3A_5 = arith.divf %get3A_1, %div3A : vector<2048x128xf32>
    %get3A_6 = arith.constant 0 : index
    %get3A_7 = arith.constant 0 : index
    %get3A_8 = vector.load %arg1[%get3A_6, %get3A_7] : memref<256x128xf32, #tpu.memory_space<vmem>>, vector<256x128xf32>
    %dot_general3A = arith.constant dense<0.000000e+00> : vector<256x2048xf32>
    %dot_general3A_9 = tpu.matmul %get3A_8, %div3A_5, %dot_general3A {dimension_numbers = #tpu.dot_dimension_numbers<[1], [1], [0], [0], [0, 0, 1, 0], [], []>, transpose_lhs_hint = false} : vector<256x128xf32>, vector<2048x128xf32>, vector<256x2048xf32> -> vector<256x2048xf32>
    %swap3A = arith.constant 0 : index
    %swap3A_10 = arith.constant 0 : index
    %swap3A_11 = vector.load %arg3[%swap3A, %swap3A_10] : memref<256x2048xf32, #tpu.memory_space<vmem>>, vector<256x2048xf32>
    tpu.vector_store %arg3[%swap3A, %swap3A_10], %dot_general3A_9 {strides = array<i32>} : memref<256x2048xf32, #tpu.memory_space<vmem>>, vector<256x2048xf32>,
    return
  }
  func.func @transform_0(%arg0: i32) -> (i32, i32) {
    %c0_i32 = arith.constant 0 : i32
    %c0_i32_0 = arith.constant 0 : i32
    %c0_i32_1 = arith.constant 0 : i32
    return %c0_i32, %c0_i32_0 : i32, i32
  }
  func.func @transform_1(%arg0: i32) -> (i32, i32) {
    %c0_i32 = arith.constant 0 : i32
    %c0_i32_0 = arith.constant 0 : i32
    return %arg0, %c0_i32 : i32, i32
  }
  func.func @transform_2(%arg0: i32) -> (i32, i32) {
    %c0_i32 = arith.constant 0 : i32
    %c0_i32_0 = arith.constant 0 : i32
    return %c0_i32, %arg0 : i32, i32
  }
}

</mosaic_0001>

<sc_bundles>
// kernel: closed_call.23.cloned.1.call-start
scs
__scs_entry_jumppad:
0x0: {  	(pc) =	sbr.rel $0x88, $3  }
0x1: {  	(tag) =	ssettag $0x0;
	lr =	simm.s32 $0x1  }
0x2: {  	[smem:$0x3F91] =	sst lr;
	_ =	strace $0xD0000000  }
0x3: {  	_ = 	snop  }
0x4: {  	_ = 	snop  }
0x5: {  	_ = 	snop  }
0x6: {  	_ = 	snop  }
0x7: {  	_ = 	snop  }
__scs_overlays_trampoline_lowered:
0x8: {  	[smem:$0x3FA0] =	sst s0  }
0x9: {  	[smem:$0x3FA1] =	sst s1  }
0xa: {  	[smem:$0x3FA2] =	sst s2  }
0xb: {  	[smem:$0x3FA3] =	sst s3  }
0xc: {  	[smem:$0x3FA4] =	sst s4  }
0xd: {  	[smem:$0x3FA5] =	sst s5  }
0xe: {  	[smem:$0x3FA6] =	sst s6  }
0xf: {  	[smem:$0x3FA7] =	sst s7  }
0x10: {  	[smem:$0x3FA8] =	sst s8  }
0x11: {  	[smem:$0x3FA9] =	sst s9;
	s0 =	simm.s32 @!p0 $0x0  }
0x12: {  	s1 =	sld [smem:$0x3F8F];
	s0 =	simm.s32 @p0 $0x1  }
0x13: {  	[smem:$0x3FAA] =	sst s0;
	s0 =	simm.s32 @!p1 $0x0  }
0x14: {  	s2 =	sld [smem:$0x3F8E];
	s0 =	simm.s32 @p1 $0x1  }
0x15: {  	[smem:$0x3FAB] =	sst s0;
	s0 =	simm.s32 @!p2 $0x0  }
0x16: {  	s3 =	sld [smem:$0x3FDB];
	s0 =	simm.s32 @p2 $0x1  }
0x17: {  	s4 =	simm.s32 $0x1BF5;
	[smem:$0x3FAD] =	sst s0  }
0x18: {  	s0 =	sld [smem:$0x3F90];
	_ =	swait.ge [sflag:s4], $0x0  }
0x19: {  	s7 =	sld [smem:$0x3F91]  }
0x1a: {  	s8 =	sadd.s32 $0xFFFFE003, lr  }
0x1b: {  	s9 =	sadd.s32 $0xFFFFFEF7, lr;
	s5 =	simm.s32 $0xFFFFFFFF;
	p2 =	slt.u32 s8, $0xFFFFF086  }
0x1c: {  	p1 =	slt.u32 s9, $0xF7A;
	s5 =	simm.s32 @!p2 $0x0  }
0x1d: {  	s5 =	simm.s32 @p1 $0x1;
	p0 =	seq.s32 s7, s2  }
0x1e: {  	s7 =	smul.u32 @!p0 $0xF7A, s2;
	p2 =	seq.s32 @!p0 s5, $0x0  }
0x1f: {  	s9 =	smul.u32 $0xF7A, s1;
	s8 =	simm.s32 @!p0 $0x1BF5;
	p2 =	por !p2, p0  }
0x20: {  	[sflag:s8] =	ssyncset.s32 @!p0 $0xFFFFF086;
	s6 =	sadd.s32 @!p0 s3, s7;
	s7 =	simm.s32 @!p0 $0x108  }
0x21: {  	s3 =	sadd.s32 s3, s9;
	s6 =	sadd.s32 @!p0 $0x88, s6;
	s7 =	simm.s32 @p2 $0x1082  }
0x22: {  	[simem:s7], [sflag:s8] =	dma.local @!p0 [hbm:s6], $0xF7A  }
0x23: {  	s9 =	sor.u32 $0xD0000000, s2;
	s6 =	simm.s32 $0x108;
	_ =	swait.ge @!p0 [sflag:s8], $0x0  }
0x24: {  	s3 =	sadd.s32 $0x88, s3;
	s6 =	simm.s32 @!p1 $0x1082;
	[sflag:s4] =	ssyncset.s32 $0xFFFFF086  }
0x25: {  	[simem:s6], [sflag:s4] =	dma.local [hbm:s3], $0xF7A  }
0x26: {  	[smem:$0x3F91] =	sst s1;
	(tag) =	ssettag s2;
	_ =	strace s9  }
0x27: {  	s1 =	sld [smem:$0x3FA1]  }
0x28: {  	s2 =	sld [smem:$0x3FA2]  }
0x29: {  	s4 =	sld [smem:$0x3FA4]  }
0x2a: {  	p0 =	seq.s32 s5, $0x0;
	s5 =	sld [smem:$0x3FA5]  }
0x2b: {  	s6 =	sld [smem:$0x3FA6]  }
0x2c: {  	s7 =	sld [smem:$0x3FA7]  }
0x2d: {  	s3 =	simm.s32 $0x108;
	s8 =	sld [smem:$0x3FA8]  }
0x2e: {  	s3 =	simm.s32 @!p0 $0x1082;
	s9 =	sld [smem:$0x3FA9]  }
0x2f: {  	lr =	sadd.s32 s0, s3;
	s0 =	sld [smem:$0x3FA0]  }
0x30: {  	s3 =	sld [smem:$0x3FA3]  }
0x31: {  	[smem:$0x3FAC] =	sst s10  }
0x32: {  	s10 =	sld [smem:$0x3FAA];
	_ =	sdelay $0x3  }
0x33: {  	p0 =	seq.s32 s10, $0x1;
	s10 =	sld [smem:$0x3FAC];
	_ =	sdelay $0x3  }
0x34: {  	[smem:$0x3FAC] =	sst s10  }
0x35: {  	s10 =	sld [smem:$0x3FAB];
	_ =	sdelay $0x3  }
0x36: {  	p1 =	seq.s32 s10, $0x1;
	s10 =	sld [smem:$0x3FAC];
	_ =	sdelay $0x3  }
0x37: {  	[smem:$0x3FAC] =	sst s10  }
0x38: {  	s10 =	sld [smem:$0x3FAD]  }
0x39: {  	_ = 	snop;
	(pc) =	sbr.ind lr, $3  }
0x3a: {  	_ = 	snop  }
0x3b: {  	_ = 	snop  }
0x3c: {  	p2 =	seq.s32 s10, $0x1;
	s10 =	sld [smem:$0x3FAC]  }
0x3d: {  	_ =	shalt  }
0x3e: {  	_ =	shalt  }
0x3f: {  	_ =	shalt  }
0x40: {  	_ =	shalt  }
0x41: {  	_ =	shalt  }
0x42: {  	_ =	shalt  }
0x43: {  	_ =	shalt  }
0x44: {  	_ =	shalt  }
0x45: {  	_ =	shalt  }
0x46: {  	_ =	shalt  }
0x47: {  	_ =	shalt  }
0x48: {  	_ =	shalt  }
0x49: {  	_ =	shalt  }
0x4a: {  	_ =	shalt  }
0x4b: {  	_ =	shalt  }
0x4c: {  	_ =	shalt  }
0x4d: {  	_ =	shalt  }
0x4e: {  	_ =	shalt  }
0x4f: {  	_ =	shalt  }
0x50: {  	_ =	shalt  }
0x51: {  	_ =	shalt  }
0x52: {  	_ =	shalt  }
0x53: {  	_ =	shalt  }
0x54: {  	_ =	shalt  }
0x55: {  	_ =	shalt  }
0x56: {  	_ =	shalt  }
0x57: {  	_ =	shalt  }
0x58: {  	_ =	shalt  }
0x59: {  	_ =	shalt  }
0x5a: {  	_ =	shalt  }
0x5b: {  	_ =	shalt  }
0x5c: {  	_ =	shalt  }
0x5d: {  	_ =	shalt  }
0x5e: {  	_ =	shalt  }
0x5f: {  	_ =	shalt  }
0x60: {  	_ =	shalt  }
0x61: {  	_ =	shalt  }
0x62: {  	_ =	shalt  }
0x63: {  	_ =	shalt  }
0x64: {  	_ =	shalt  }
0x65: {  	_ =	shalt  }
0x66: {  	_ =	shalt  }
0x67: {  	_ =	shalt  }
0x68: {  	_ =	shalt  }
0x69: {  	_ =	shalt  }
0x6a: {  	_ =	shalt  }
0x6b: {  	_ =	shalt  }
0x6c: {  	_ =	shalt  }
0x6d: {  	_ =	shalt  }
0x6e: {  	_ =	shalt  }
0x6f: {  	_ =	shalt  }
0x70: {  	_ =	shalt  }
0x71: {  	_ =	shalt  }
0x72: {  	_ =	shalt  }
0x73: {  	_ =	shalt  }
0x74: {  	_ =	shalt  }
0x75: {  	_ =	shalt  }
0x76: {  	_ =	shalt  }
0x77: {  	_ =	shalt  }
0x78: {  	_ =	shalt  }
0x79: {  	_ =	shalt  }
0x7a: {  	_ =	shalt  }
0x7b: {  	_ =	shalt  }
0x7c: {  	_ =	shalt  }
0x7d: {  	_ =	shalt  }
0x7e: {  	_ =	shalt  }
0x7f: {  	_ =	shalt  }
0x80: {  	_ =	shalt  }
0x81: {  	_ =	shalt  }
0x82: {  	_ =	shalt  }
0x83: {  	_ =	shalt  }
0x84: {  	_ =	shalt  }
0x85: {  	_ =	shalt  }
0x86: {  	_ =	shalt  }
0x87: {  	_ =	shalt  }
.Lfunc_end0:
.L_simem_size_0:
called_computation_lowered:
.L_overlay_start_0:
0x88: {  	s2 =	sld [smem:$0x3FD9]  }
0x89: {  	s3 =	sld [smem:$0x3FFE];
	_ =	sdelay $0x1  }
0x8a: {  	s1 =	srdreg.scid  }
0x8b: {  	s0 =	sand.u32 $0x1, s1  }
0x8c: {  	s14 =	sshll.u32 s0, $0xA;
	s2 =	sadd.s32 s3, s2  }
0x8d: {  	s2 =	sadd.s32 s2, s14  }
0x8e: {  	[smem:$0x3FB8] =	sst s2  }
0x8f: {  	_ = 	snop  }
0x90: {  	s2 =	sld [smem:$0x3FD0];
	_ =	sdelay $0x2  }
0x91: {  	s15 =	simm.s32 $0xA;
	s4 =	simm.s32 $0x10  }
0x92: {  	[smem:s4], [sflag:s15] =	dma.local [hbm:s2], $0x1  }
0x93: {  	_ =	swait.eq [sflag:s15], $0x1  }
0x94: {  	[sflag:s15] =	ssyncset.done $0x0  }
0x95: {  	[sflag:s15] =	ssyncadd.s32 $0xFFFFFFFF  }
0x96: {  	s16 =	sld [smem:$0x10];
	(tm) =	ssettm $0x1  }
0x97: {  	s17 =	sld [smem:$0x3FFB];
	_ =	sdelay $0x3  }
0x98: {  	_ =	strace s17  }
0x99: {  	s3 =	sld [smem:$0x3FFC];
	_ =	sdelay $0x3  }
0x9a: {  	_ =	strace s3  }
0x9b: {  	s3 =	sld [smem:$0x3FFD];
	_ =	sdelay $0x3  }
0x9c: {  	_ =	strace s3  }
0x9d: {  	_ =	strace $0x8FFFFFFF  }
0x9e: {  	s18 =	sld [smem:$0x3FDB];
	_ =	sdelay $0x1  }
0x9f: {  	s19 =	simm.s32 $_scs_section_size  }
0xa0: {  	s5 =	simm.s32 $_size__tile_overlayer_lowered;
	s6 =	simm.s32 $_tile_overlayer_lowered  }
0xa1: {  	s22 =	simm.s32 $0x1BFF;
	s21 =	sshll.u32 s6, $0x1;
	s3 =	sadd.s32 s19, s18  }
0xa2: {  	s7 =	simm.s32 $0x0;
	s20 =	sshll.u32 s5, $0x1;
	s5 =	sadd.s32 s21, s3  }
0xa3: {  	[timem:s7], [sflag:s22] =	dma.local [hbm:s5], s20  }
0xa4: {  	_ =	swait.ge [sflag:s22], s20  }
0xa5: {  	s4 =	ssub.s32 $0x0, s20;
	[sflag:s22] =	ssyncset.done $0x0  }
0xa6: {  	[sflag:s22] =	ssyncadd.s32 s4;
	_ =	sdelay $0x1  }
0xa7: {  	s23 =	simm.s32 $0x1B8B  }
0xa8: {  	_ =	swait.ge [sflag:s23], $0x1  }
0xa9: {  	[sflag:s23] =	ssyncset.done $0x0  }
0xaa: {  	s25 =	simm.s32 $0x1B8E;
	s24 =	sld [smem:$0x3FFE];
	[sflag:s23] =	ssyncadd.s32 $0xFFFFFFFF  }
0xab: {  	s26 =	simm.s32 $execute0_lowered;
	[smem:$0x3FD2] =	sst s25  }
0xac: {  	s5 =	sshll.u32 s26, $0x1;
	_ =	strace $0x8000004C;
	[dreg:$0x1] =	wrdreg $0xFFFFFFFF  }
0xad: {  	s28 =	simm.s32 $_size_execute0_lowered;
	s3 =	sadd.s32 s3, s5;
	[dreg:$0x0] =	wrdreg $0x0  }
0xae: {  	s5 =	sshll.u32 s28, $0x1;
	[dreg:$0x2] =	wrdreg s3  }
0xaf: {  	[dreg:$0x3] =	wrdreg s5  }
0xb0: {  	[dreg:$0x4] =	wrdreg $0xC0  }
0xb1: {  	_ =	task [dreg:s7], $0x5FFFF  }
0xb2: {  	[dreg:$0x1] =	wrdreg $0xFFFFFFFF  }
0xb3: {  	[dreg:$0x0] =	wrdreg $0x60  }
0xb4: {  	[dreg:$0x2] =	wrdreg s16  }
0xb5: {  	[dreg:$0x3] =	wrdreg s24  }
0xb6: {  	[dreg:$0x4] =	wrdreg $0x160000  }
0xb7: {  	[dreg:$0x5] =	wrdreg $0x9  }
0xb8: {  	_ =	task.clear_ibuf [dreg:s7], $0x6FFFF;
	_ =	strace $0x9000004C  }
0xb9: {  	s29 =	simm.s32 $0x9;
	_ =	strace $0x8000004E  }
0xba: {  	_ =	swait.ge [sflag:s29], $0x1  }
0xbb: {  	[sflag:s29] =	ssyncadd.s32 $0xFFFFFFFF  }
0xbc: {  	_ =	strace $0x9000004E  }
0xbd: {  	_ =	sfence  }
0xbe: {  	s30 =	sld [smem:$0x0];
	_ =	sdelay $0x2  }
0xbf: {  	s31 =	sshll.u32 s1, $0xD;
	s1 =	sshrl.u32 s1, $0x2  }
0xc0: {  	s3 =	sand.u32 $0x4000, s31;
	s1 =	sadd.s32 s1, s30  }
0xc1: {  	s0 =	sor.u32 s3, s0;
	s1 =	sshll.u32 s1, $0x11  }
0xc2: {  	s0 =	sor.u32 s1, s0  }
0xc3: {  	s0 =	sadd.s32 $0x8F2B, s0  }
0xc4: {  	[sflag:s0] =	ssyncadd.remote.s32 $0x1  }
0xc5: {  	_ =	sfence.sel $0xFFFF  }
0xc6: {  	[dreg:$0x0] =	wrdreg $0xFFFFFFFF;
	(pc) =	sbr.abs _section_cstart, $3  }
0xc7: {  	[dreg:$0x1] =	wrdreg $0xFFFFFFFF  }
0xc8: {  	_ =	task.clear_ibuf [dreg:s7], $0x2FFFF;
	_ =	strace $0x9FFFFFFF  }
0xc9: {  	(tm) =	ssettm $0x7FFFFFFF  }
tec
execute0_lowered:
.L_overlay_start_1:
0x0: {  	(tag) =	ssettag $0x1  }
0x1: {  	s1 =	rddreg [dreg:$0x0]  }
0x2: {  	s5 =	rddreg [dreg:$0x1];
	s0 =	stileid.u32  }
0x3: {  	s2 =	srdreg.scid;
	s3 =	rddreg [dreg:$0x2];
	s4 =	simm.s32 $0x0  }
0x4: {  	s15 =	simm.s32 $0xA000;
	s16 =	simm.s32 $0xE000;
	s17 =	simm.s32 $0x1  }
0x5: {  	s18 =	simm.s32 $0x2;
	s19 =	simm.s32 $0x4E80;
	s12 =	smul.u32 $0xA00, s0  }
0x6: {  	s20 =	simm.s32 $0x9E00;
	s21 =	simm.s32 $0x9E80;
	s8 =	smul.u32 $0x28000, s0  }
0x7: {  	s6 =	sand.u32 $0x1, s2;
	[smem:$0x7FF] =	sst s4;
	s23 =	smul.u32 $0x1400, s0  }
0x8: {  	s2 =	rddreg [dreg:$0x3];
	s7 =	smul.u32 $0xA000, s6;
	_ =	strace $0x8000004D  }
0x9: {  	s10 =	smul.u32 $0x14000, s6;
	s6 =	ssub.s32 $0x2, s6;
	s9 =	sadd.s32 s12, s5  }
0xa: {  	s30 =	sshrl.u32 s8, $0x2;
	s31 =	sshrl.u32 s6, $0x1;
	s11 =	sadd.s32 s7, s5  }
0xb: {  	s10 =	sadd.s32 s10, s5;
	s5 =	sadd.s32 s30, s3;
	s13 =	ssub.s32 s6, s31  }
0xc: {  	s8 =	sadd.s32 $0x5200, s9;
	s6 =	sadd.s32 $0x4000, s5;
	s7 =	sadd.s32 $0x8000, s5  }
0xd: {  	s14 =	sadd.s32 $0x37A00, s11;
	s22 =	sadd.s32 $0xF200, s10;
	s9 =	smax.u32 s13, $0x1  }
0xe: {  	s10 =	simm.s32 $0x12000;
	s11 =	simm.s32 $0x3;
	s13 =	simm.s32 $0x5000  }
0xf: {  	v0 =	vimm.f32 $0.0e+00;
	s12 =	sadd.s32 s12, s14;
	s14 =	simm.s32 $0x80;
	s22 =	sadd.s32 s23, s22  }
.LBB2_1:
0x10: {  	s23 =	simm.s32 $0x0;
	s24 =	simm.s32 $0x200  }
.LBB2_2:
0x11: {  	p0 =	sne.s32 s24, $0xFE00;
	[tilespmem:s23+$0x12070] =	vst v0  }
0x12: {  	[tilespmem:s23+$0x12000] =	vst v0  }
0x13: {  	[tilespmem:s23+$0x12010] =	vst v0  }
.Ltmp0:
0x14: {  	[tilespmem:s23+$0x12020] =	vst v0;
	(pc) =	sbr.rel @p0 .LBB2_2-.Ltmp0, $4  }
0x15: {  	[tilespmem:s23+$0x12030] =	vst v0  }
0x16: {  	[tilespmem:s23+$0x12040] =	vst v0  }
0x17: {  	[tilespmem:s23+$0x12050] =	vst v0  }
0x18: {  	[tilespmem:s23+$0x12060] =	vst v0;
	s23 =	sshra.s32 s24, $0x2;
	s24 =	sadd.s32 $0x200, s24  }
0x19: {  	[tilespmem:s23+$0x12070] =	vst v0  }
0x1a: {  	[tilespmem:s23+$0x12000] =	vst v0  }
0x1b: {  	[tilespmem:s23+$0x12010] =	vst v0  }
0x1c: {  	[tilespmem:s23+$0x12020] =	vst v0  }
0x1d: {  	[tilespmem:s23+$0x12030] =	vst v0  }
0x1e: {  	[tilespmem:s23+$0x12040] =	vst v0  }
0x1f: {  	[tilespmem:s23+$0x12050] =	vst v0  }
0x20: {  	[tilespmem:s23+$0x12060] =	vst v0  }
0x21: {  	[spmem:s5] =	stream.linear.scatter [tilespmem:s10], [sflag:$0x3], $0x4000, $0x38;
	v63 =	vld [tilespmem:$0x0]  }
0x22: {  	_ =	swait.ge [sflag:s11], $0x4000  }
0x23: {  	[sflag:s11] =	ssyncset.done $0x0  }
0x24: {  	[sflag:s11] =	ssyncadd.s32 $0xFFFFC000  }
0x25: {  	[spmem:s6] =	stream.linear.scatter [tilespmem:s10], [sflag:$0x3], $0x4000, $0x38;
	v63 =	vld [tilespmem:$0x0]  }
0x26: {  	_ =	swait.ge [sflag:s11], $0x4000  }
0x27: {  	[sflag:s11] =	ssyncset.done $0x0  }
0x28: {  	[sflag:s11] =	ssyncadd.s32 $0xFFFFC000  }
0x29: {  	[spmem:s7] =	stream.linear.scatter [tilespmem:s10], [sflag:$0x3], $0x2000, $0x38;
	v63 =	vld [tilespmem:$0x0]  }
0x2a: {  	_ =	swait.ge [sflag:s11], $0x2000  }
0x2b: {  	[sflag:s11] =	ssyncset.done $0x0  }
0x2c: {  	[sflag:s11] =	ssyncadd.s32 $0xFFFFE000  }
0x2d: {  	s26 =	simm.s32 $0x0;
	[bflag:$0x0] =	sbarrier.arrive $0xFFFF  }
0x2e: {  	[tilespmem:s26], [sflag:$0x3] =	stream.linear.gather [hbm4b:s8+s26], $0x4F00, $0x38;
	v63 =	vld [tilespmem:$0x0]  }
0x2f: {  	_ =	swait.ge [sflag:s11], $0x4F00  }
0x30: {  	[sflag:s11] =	ssyncset.done $0x0  }
0x31: {  	[sflag:s11] =	ssyncadd.s32 $0xFFFFB100  }
0x32: {  	[tilespmem:s13], [sflag:$0x3] =	stream.linear.gather [hbm4b:s12+s26], $0x4F00, $0x38;
	v63 =	vld [tilespmem:$0x0]  }
0x33: {  	_ =	swait.ge [sflag:s11], $0x4F00  }
0x34: {  	[sflag:s11] =	ssyncset.done $0x0  }
0x35: {  	[sflag:s11] =	ssyncadd.s32 $0xFFFFB100  }
0x36: {  	[tilespmem:s15], [sflag:$0x1] =	stream.indirect.gather [hbm4b:s1+s14], $0x80, s26, s14, $0xb8;
	v63 =	vld [tilespmem:$0x0]  }
0x37: {  	s28 =	simm.s32 $0x80  }
0x38: {  	[tilespmem:s16], [sflag:$0x2] =	stream.indirect.gather [hbm4b:s1+s14], $0x80, s28, s14, $0xb8;
	v63 =	vld [tilespmem:$0x0]  }
0x39: {  	_ =	swait.ge [sflag:s17], $0x4000  }
0x3a: {  	[sflag:s17] =	ssyncset.done $0x0  }
0x3b: {  	s29 =	simm.s32 $0x5000;
	[sflag:s17] =	ssyncadd.s32 $0xFFFFC000  }
0x3c: {  	[spmem:s3] =	stream.indirect.scatter.add.f32 [tilespmem:s15], [sflag:$0x3], $0x80, s29, s14, $0xb8;
	v63 =	vld [tilespmem:$0x0]  }
0x3d: {  	_ =	swait.ge [sflag:s11], $0x4000  }
0x3e: {  	[sflag:s11] =	ssyncset.done $0x0  }
0x3f: {  	s30 =	simm.s32 $0x100;
	[sflag:s11] =	ssyncadd.s32 $0xFFFFC000  }
0x40: {  	[tilespmem:s15], [sflag:$0x1] =	stream.indirect.gather [hbm4b:s1+s14], $0x80, s30, s14, $0xb8;
	v63 =	vld [tilespmem:$0x0]  }
0x41: {  	_ =	swait.ge [sflag:s18], $0x4000  }
0x42: {  	[sflag:s18] =	ssyncset.done $0x0  }
0x43: {  	s31 =	simm.s32 $0x5080;
	[sflag:s18] =	ssyncadd.s32 $0xFFFFC000  }
0x44: {  	[spmem:s3] =	stream.indirect.scatter.add.f32 [tilespmem:s16], [sflag:$0x3], $0x80, s31, s14, $0xb8;
	v63 =	vld [tilespmem:$0x0]  }
0x45: {  	_ =	swait.ge [sflag:s11], $0x4000  }
0x46: {  	s24 =	simm.s32 $0x800;
	s23 =	simm.s32 $0x100;
	[sflag:s11] =	ssyncset.done $0x0  }
.LBB2_4:
0x47: {  	s25 =	sadd.s32 $0x80, s23  }
0x48: {  	[sflag:s11] =	ssyncadd.s32 $0xFFFFC000;
	s26 =	smov.u32 s24;
	s28 =	sadd.s32 $0x400, s24  }
0x49: {  	[tilespmem:s16], [sflag:$0x2] =	stream.indirect.gather [hbm4b:s1+s14], $0x80, s25, s14, $0xb8;
	v63 =	vld [tilespmem:$0x0]  }
0x4a: {  	p0 =	sne.s32 s24, $0x13400;
	_ =	swait.ge [sflag:s17], $0x4000  }
0x4b: {  	[sflag:s17] =	ssyncset.done $0x0  }
0x4c: {  	s24 =	sadd.s32 $0x5000, s23;
	[sflag:s17] =	ssyncadd.s32 $0xFFFFC000  }
0x4d: {  	[spmem:s3] =	stream.indirect.scatter.add.f32 [tilespmem:s15], [sflag:$0x3], $0x80, s24, s14, $0xb8;
	v63 =	vld [tilespmem:$0x0]  }
0x4e: {  	_ =	swait.ge [sflag:s11], $0x4000  }
0x4f: {  	[sflag:s11] =	ssyncset.done $0x0  }
0x50: {  	s24 =	sadd.s32 $0x100, s23;
	[sflag:s11] =	ssyncadd.s32 $0xFFFFC000  }
0x51: {  	[tilespmem:s15], [sflag:$0x1] =	stream.indirect.gather [hbm4b:s1+s14], $0x80, s24, s14, $0xb8;
	v63 =	vld [tilespmem:$0x0]  }
0x52: {  	_ =	swait.ge [sflag:s18], $0x4000  }
.Ltmp1:
0x53: {  	[sflag:s18] =	ssyncset.done $0x0;
	(pc) =	sbr.rel @p0 .LBB2_4-.Ltmp1, $4  }
0x54: {  	s23 =	sadd.s32 $0x5080, s23;
	[sflag:s18] =	ssyncadd.s32 $0xFFFFC000  }
0x55: {  	[spmem:s3] =	stream.indirect.scatter.add.f32 [tilespmem:s16], [sflag:$0x3], $0x80, s23, s14, $0xb8;
	v63 =	vld [tilespmem:$0x0]  }
0x56: {  	_ =	swait.ge [sflag:s11], $0x4000  }
0x57: {  	s24 =	smov.u32 s28;
	s23 =	sshra.s32 s26, $0x2;
	[sflag:s11] =	ssyncset.done $0x0  }
0x58: {  	s24 =	sadd.s32 $0x80, s23;
	[sflag:s11] =	ssyncadd.s32 $0xFFFFC000  }
0x59: {  	[tilespmem:s16], [sflag:$0x2] =	stream.indirect.gather [hbm4b:s1+s14], $0x80, s24, s14, $0xb8;
	v63 =	vld [tilespmem:$0x0]  }
0x5a: {  	_ =	swait.ge [sflag:s17], $0x4000  }
0x5b: {  	[sflag:s17] =	ssyncset.done $0x0  }
0x5c: {  	s26 =	sadd.s32 $0x5000, s23;
	[sflag:s17] =	ssyncadd.s32 $0xFFFFC000  }
0x5d: {  	[spmem:s3] =	stream.indirect.scatter.add.f32 [tilespmem:s15], [sflag:$0x3], $0x80, s26, s14, $0xb8;
	v63 =	vld [tilespmem:$0x0]  }
0x5e: {  	_ =	swait.ge [sflag:s11], $0x4000  }
0x5f: {  	[sflag:s11] =	ssyncset.done $0x0  }
0x60: {  	s28 =	sadd.s32 $0x100, s23;
	[sflag:s11] =	ssyncadd.s32 $0xFFFFC000  }
0x61: {  	[tilespmem:s15], [sflag:$0x1] =	stream.indirect.gather [hbm4b:s1+s14], $0x80, s28, s14, $0xb8;
	v63 =	vld [tilespmem:$0x0]  }
0x62: {  	_ =	swait.ge [sflag:s18], $0x4000  }
0x63: {  	[sflag:s18] =	ssyncset.done $0x0  }
0x64: {  	s29 =	sadd.s32 $0x5080, s23;
	[sflag:s18] =	ssyncadd.s32 $0xFFFFC000  }
0x65: {  	[spmem:s3] =	stream.indirect.scatter.add.f32 [tilespmem:s16], [sflag:$0x3], $0x80, s29, s14, $0xb8;
	v63 =	vld [tilespmem:$0x0]  }
0x66: {  	_ =	swait.ge [sflag:s11], $0x4000  }
0x67: {  	[sflag:s11] =	ssyncset.done $0x0  }
0x68: {  	[sflag:s11] =	ssyncadd.s32 $0xFFFFC000  }
0x69: {  	[tilespmem:s16], [sflag:$0x2] =	stream.indirect.gather [hbm4b:s1+s14], $0x80, s19, s14, $0xb8;
	v63 =	vld [tilespmem:$0x0]  }
0x6a: {  	_ =	swait.ge [sflag:s17], $0x4000  }
0x6b: {  	[sflag:s17] =	ssyncset.done $0x0  }
0x6c: {  	[sflag:s17] =	ssyncadd.s32 $0xFFFFC000  }
0x6d: {  	[spmem:s3] =	stream.indirect.scatter.add.f32 [tilespmem:s15], [sflag:$0x3], $0x80, s20, s14, $0xb8;
	v63 =	vld [tilespmem:$0x0]  }
0x6e: {  	_ =	swait.ge [sflag:s11], $0x4000  }
0x6f: {  	[sflag:s11] =	ssyncset.done $0x0  }
0x70: {  	[sflag:s11] =	ssyncadd.s32 $0xFFFFC000  }
0x71: {  	_ =	swait.ge [sflag:s18], $0x4000  }
0x72: {  	[sflag:s18] =	ssyncset.done $0x0  }
0x73: {  	[sflag:s18] =	ssyncadd.s32 $0xFFFFC000  }
0x74: {  	[spmem:s3] =	stream.indirect.scatter.add.f32 [tilespmem:s16], [sflag:$0x3], $0x80, s21, s14, $0xb8;
	v63 =	vld [tilespmem:$0x0]  }
0x75: {  	_ =	swait.ge [sflag:s11], $0x4000  }
0x76: {  	s30 =	sshll.u32 s0, $0x6;
	s4 =	sadd.s32 $0x1, s4;
	[sflag:s11] =	ssyncset.done $0x0  }
0x77: {  	s31 =	sshrl.u32 s5, $0x3;
	p0 =	sne.s32 s4, s9;
	[sflag:s11] =	ssyncadd.s32 $0xFFFFC000  }
.Ltmp2:
0x78: {  	s23 =	sor.u32 $0x1C03, s30;
	[bflag:$0x0] =	sbarrier.arrive $0xFFFF;
	(pc) =	sbr.rel @p0 .LBB2_1-.Ltmp2, $4  }
0x79: {  	[hbm:s22], [sflag:s23] =	dma.local [spmem:s31], $0x1400  }
0x7a: {  	_ =	swait.ge [sflag:s11], $0x1400  }
0x7b: {  	[sflag:s11] =	ssyncset.done $0x0  }
0x7c: {  	[sflag:s11] =	ssyncadd.s32 $0xFFFFEC00  }
0x7d: {  	_ =	sfence.sel $0x180000  }
0x7e: {  	[bflag:$0x0] =	sbarrier.arrive $0xFFFF  }
0x7f: {  	p0 =	sne.s32 s0, $0x0;
	_ =	strace $0x9000004D  }
0x80: {  	s0 =	sadd.s32 @!p0 $0x100000, s2;
	[bflag:$0x2] =	sbarrier.arrive $0xFFFF  }
0x81: {  	[sflag:s0] =	ssyncadd.tile.s32 @!p0 $0x1;
	_ =	shalt  }
.Lfunc_end2:
_tile_overlayer_lowered:
.L_overlay_start_2:
0x82: {  	(tag) =	ssettag $0x2  }
0x83: {  	s0 =	rddreg [dreg:$0x0];
	s2 =	stileid.u32  }
0x84: {  	s1 =	rddreg [dreg:$0x1];
	p0 =	sne.s32 s2, $0x0  }
0x85: {  	s3 =	rddreg [dreg:$0x2];
	[bflag:$0x3] =	sbarrier.arrive $0xFFFF;
	s2 =	simm.s32 @!p0 $0x1C03  }
0x86: {  	[timem:s3], [sflag:s2] =	dma.local @!p0 [hbm:s0], s1  }
0x87: {  	s0 =	simm.s32 @!p0 $0x3  }
0x88: {  	_ =	swait.ge @!p0 [sflag:s0], s1  }
0x89: {  	s1 =	ssub.s32 @!p0 $0x0, s1;
	[sflag:s0] =	ssyncset.done @!p0 $0x0  }
0x8a: {  	[sflag:s0] =	ssyncadd.s32 @!p0 s1  }
0x8b: {  	[bflag:$0x3] =	sbarrier.arrive $0xFFFF  }
0x8c: {  	_ =	shalt  }

// kernel: kernel.12.cloned.1.call-start
scs
__scs_entry_jumppad:
0x0: {  	(pc) =	sbr.rel $0x88, $3  }
0x1: {  	(tag) =	ssettag $0x0;
	lr =	simm.s32 $0x1  }
0x2: {  	[smem:$0x3F91] =	sst lr;
	_ =	strace $0xD0000000  }
0x3: {  	_ = 	snop  }
0x4: {  	_ = 	snop  }
0x5: {  	_ = 	snop  }
0x6: {  	_ = 	snop  }
0x7: {  	_ = 	snop  }
__scs_overlays_trampoline_lowered:
0x8: {  	[smem:$0x3FA0] =	sst s0  }
0x9: {  	[smem:$0x3FA1] =	sst s1  }
0xa: {  	[smem:$0x3FA2] =	sst s2  }
0xb: {  	[smem:$0x3FA3] =	sst s3  }
0xc: {  	[smem:$0x3FA4] =	sst s4  }
0xd: {  	[smem:$0x3FA5] =	sst s5  }
0xe: {  	[smem:$0x3FA6] =	sst s6  }
0xf: {  	[smem:$0x3FA7] =	sst s7  }
0x10: {  	[smem:$0x3FA8] =	sst s8  }
0x11: {  	[smem:$0x3FA9] =	sst s9;
	s0 =	simm.s32 @!p0 $0x0  }
0x12: {  	s1 =	sld [smem:$0x3F8F];
	s0 =	simm.s32 @p0 $0x1  }
0x13: {  	[smem:$0x3FAA] =	sst s0;
	s0 =	simm.s32 @!p1 $0x0  }
0x14: {  	s2 =	sld [smem:$0x3F8E];
	s0 =	simm.s32 @p1 $0x1  }
0x15: {  	[smem:$0x3FAB] =	sst s0;
	s0 =	simm.s32 @!p2 $0x0  }
0x16: {  	s3 =	sld [smem:$0x3FDB];
	s0 =	simm.s32 @p2 $0x1  }
0x17: {  	s4 =	simm.s32 $0x1BF5;
	[smem:$0x3FAD] =	sst s0  }
0x18: {  	s0 =	sld [smem:$0x3F90];
	_ =	swait.ge [sflag:s4], $0x0  }
0x19: {  	s7 =	sld [smem:$0x3F91]  }
0x1a: {  	s8 =	sadd.s32 $0xFFFFE003, lr  }
0x1b: {  	s9 =	sadd.s32 $0xFFFFFEF7, lr;
	s5 =	simm.s32 $0xFFFFFFFF;
	p2 =	slt.u32 s8, $0xFFFFF086  }
0x1c: {  	p1 =	slt.u32 s9, $0xF7A;
	s5 =	simm.s32 @!p2 $0x0  }
0x1d: {  	s5 =	simm.s32 @p1 $0x1;
	p0 =	seq.s32 s7, s2  }
0x1e: {  	s7 =	smul.u32 @!p0 $0xF7A, s2;
	p2 =	seq.s32 @!p0 s5, $0x0  }
0x1f: {  	s9 =	smul.u32 $0xF7A, s1;
	s8 =	simm.s32 @!p0 $0x1BF5;
	p2 =	por !p2, p0  }
0x20: {  	[sflag:s8] =	ssyncset.s32 @!p0 $0xFFFFF086;
	s6 =	sadd.s32 @!p0 s3, s7;
	s7 =	simm.s32 @!p0 $0x108  }
0x21: {  	s3 =	sadd.s32 s3, s9;
	s6 =	sadd.s32 @!p0 $0x88, s6;
	s7 =	simm.s32 @p2 $0x1082  }
0x22: {  	[simem:s7], [sflag:s8] =	dma.local @!p0 [hbm:s6], $0xF7A  }
0x23: {  	s9 =	sor.u32 $0xD0000000, s2;
	s6 =	simm.s32 $0x108;
	_ =	swait.ge @!p0 [sflag:s8], $0x0  }
0x24: {  	s3 =	sadd.s32 $0x88, s3;
	s6 =	simm.s32 @!p1 $0x1082;
	[sflag:s4] =	ssyncset.s32 $0xFFFFF086  }
0x25: {  	[simem:s6], [sflag:s4] =	dma.local [hbm:s3], $0xF7A  }
0x26: {  	[smem:$0x3F91] =	sst s1;
	(tag) =	ssettag s2;
	_ =	strace s9  }
0x27: {  	s1 =	sld [smem:$0x3FA1]  }
0x28: {  	s2 =	sld [smem:$0x3FA2]  }
0x29: {  	s4 =	sld [smem:$0x3FA4]  }
0x2a: {  	p0 =	seq.s32 s5, $0x0;
	s5 =	sld [smem:$0x3FA5]  }
0x2b: {  	s6 =	sld [smem:$0x3FA6]  }
0x2c: {  	s7 =	sld [smem:$0x3FA7]  }
0x2d: {  	s3 =	simm.s32 $0x108;
	s8 =	sld [smem:$0x3FA8]  }
0x2e: {  	s3 =	simm.s32 @!p0 $0x1082;
	s9 =	sld [smem:$0x3FA9]  }
0x2f: {  	lr =	sadd.s32 s0, s3;
	s0 =	sld [smem:$0x3FA0]  }
0x30: {  	s3 =	sld [smem:$0x3FA3]  }
0x31: {  	[smem:$0x3FAC] =	sst s10  }
0x32: {  	s10 =	sld [smem:$0x3FAA];
	_ =	sdelay $0x3  }
0x33: {  	p0 =	seq.s32 s10, $0x1;
	s10 =	sld [smem:$0x3FAC];
	_ =	sdelay $0x3  }
0x34: {  	[smem:$0x3FAC] =	sst s10  }
0x35: {  	s10 =	sld [smem:$0x3FAB];
	_ =	sdelay $0x3  }
0x36: {  	p1 =	seq.s32 s10, $0x1;
	s10 =	sld [smem:$0x3FAC];
	_ =	sdelay $0x3  }
0x37: {  	[smem:$0x3FAC] =	sst s10  }
0x38: {  	s10 =	sld [smem:$0x3FAD]  }
0x39: {  	_ = 	snop;
	(pc) =	sbr.ind lr, $3  }
0x3a: {  	_ = 	snop  }
0x3b: {  	_ = 	snop  }
0x3c: {  	p2 =	seq.s32 s10, $0x1;
	s10 =	sld [smem:$0x3FAC]  }
0x3d: {  	_ =	shalt  }
0x3e: {  	_ =	shalt  }
0x3f: {  	_ =	shalt  }
0x40: {  	_ =	shalt  }
0x41: {  	_ =	shalt  }
0x42: {  	_ =	shalt  }
0x43: {  	_ =	shalt  }
0x44: {  	_ =	shalt  }
0x45: {  	_ =	shalt  }
0x46: {  	_ =	shalt  }
0x47: {  	_ =	shalt  }
0x48: {  	_ =	shalt  }
0x49: {  	_ =	shalt  }
0x4a: {  	_ =	shalt  }
0x4b: {  	_ =	shalt  }
0x4c: {  	_ =	shalt  }
0x4d: {  	_ =	shalt  }
0x4e: {  	_ =	shalt  }
0x4f: {  	_ =	shalt  }
0x50: {  	_ =	shalt  }
0x51: {  	_ =	shalt  }
0x52: {  	_ =	shalt  }
0x53: {  	_ =	shalt  }
0x54: {  	_ =	shalt  }
0x55: {  	_ =	shalt  }
0x56: {  	_ =	shalt  }
0x57: {  	_ =	shalt  }
0x58: {  	_ =	shalt  }
0x59: {  	_ =	shalt  }
0x5a: {  	_ =	shalt  }
0x5b: {  	_ =	shalt  }
0x5c: {  	_ =	shalt  }
0x5d: {  	_ =	shalt  }
0x5e: {  	_ =	shalt  }
0x5f: {  	_ =	shalt  }
0x60: {  	_ =	shalt  }
0x61: {  	_ =	shalt  }
0x62: {  	_ =	shalt  }
0x63: {  	_ =	shalt  }
0x64: {  	_ =	shalt  }
0x65: {  	_ =	shalt  }
0x66: {  	_ =	shalt  }
0x67: {  	_ =	shalt  }
0x68: {  	_ =	shalt  }
0x69: {  	_ =	shalt  }
0x6a: {  	_ =	shalt  }
0x6b: {  	_ =	shalt  }
0x6c: {  	_ =	shalt  }
0x6d: {  	_ =	shalt  }
0x6e: {  	_ =	shalt  }
0x6f: {  	_ =	shalt  }
0x70: {  	_ =	shalt  }
0x71: {  	_ =	shalt  }
0x72: {  	_ =	shalt  }
0x73: {  	_ =	shalt  }
0x74: {  	_ =	shalt  }
0x75: {  	_ =	shalt  }
0x76: {  	_ =	shalt  }
0x77: {  	_ =	shalt  }
0x78: {  	_ =	shalt  }
0x79: {  	_ =	shalt  }
0x7a: {  	_ =	shalt  }
0x7b: {  	_ =	shalt  }
0x7c: {  	_ =	shalt  }
0x7d: {  	_ =	shalt  }
0x7e: {  	_ =	shalt  }
0x7f: {  	_ =	shalt  }
0x80: {  	_ =	shalt  }
0x81: {  	_ =	shalt  }
0x82: {  	_ =	shalt  }
0x83: {  	_ =	shalt  }
0x84: {  	_ =	shalt  }
0x85: {  	_ =	shalt  }
0x86: {  	_ =	shalt  }
0x87: {  	_ =	shalt  }
.Lfunc_end0:
.L_simem_size_0:
called_computation.2_lowered:
.L_overlay_start_0:
0x88: {  	s2 =	sld [smem:$0x3FD9]  }
0x89: {  	s3 =	sld [smem:$0x3FFE];
	_ =	sdelay $0x1  }
0x8a: {  	s1 =	srdreg.scid  }
0x8b: {  	s0 =	sand.u32 $0x1, s1  }
0x8c: {  	s14 =	sshll.u32 s0, $0xA;
	s2 =	sadd.s32 s3, s2  }
0x8d: {  	s2 =	sadd.s32 s2, s14  }
0x8e: {  	[smem:$0x3FB8] =	sst s2  }
0x8f: {  	_ = 	snop  }
0x90: {  	s2 =	sld [smem:$0x3FD0];
	_ =	sdelay $0x1  }
0x91: {  	s15 =	sld [smem:$0x3FC6]  }
0x92: {  	s5 =	simm.s32 $0xA;
	s6 =	simm.s32 $0x10;
	s4 =	sld [smem:$0x3FC5]  }
0x93: {  	[smem:s6], [sflag:s5] =	dma.local [hbm:s2], $0x1  }
0x94: {  	_ =	swait.eq [sflag:s5], $0x1  }
0x95: {  	[sflag:s5] =	ssyncset.done $0x0  }
0x96: {  	s16 =	sld [smem:$0x10];
	[sflag:s5] =	ssyncadd.s32 $0xFFFFFFFF  }
0x97: {  	s17 =	sld [smem:$0x11];
	(tm) =	ssettm $0x1  }
0x98: {  	s18 =	sld [smem:$0x3FFB];
	_ =	sdelay $0x3  }
0x99: {  	_ =	strace s18  }
0x9a: {  	s6 =	sld [smem:$0x3FFC];
	_ =	sdelay $0x3  }
0x9b: {  	_ =	strace s6  }
0x9c: {  	s6 =	sld [smem:$0x3FFD];
	_ =	sdelay $0x3  }
0x9d: {  	_ =	strace s6  }
0x9e: {  	_ =	strace $0x8FFFFFFF  }
0x9f: {  	s19 =	sld [smem:$0x3FDB];
	_ =	sdelay $0x1  }
0xa0: {  	s7 =	simm.s32 $_scs_section_size  }
0xa1: {  	s8 =	simm.s32 $_size__tile_overlayer_lowered;
	s9 =	simm.s32 $_tile_overlayer_lowered  }
0xa2: {  	s22 =	simm.s32 $0x1BFF;
	s21 =	sshll.u32 s9, $0x1;
	s6 =	sadd.s32 s7, s19  }
0xa3: {  	s10 =	simm.s32 $0x0;
	s20 =	sshll.u32 s8, $0x1;
	s8 =	sadd.s32 s21, s6  }
0xa4: {  	[timem:s10], [sflag:s22] =	dma.local [hbm:s8], s20  }
0xa5: {  	_ =	swait.ge [sflag:s22], s20  }
0xa6: {  	s7 =	ssub.s32 $0x0, s20;
	[sflag:s22] =	ssyncset.done $0x0  }
0xa7: {  	[sflag:s22] =	ssyncadd.s32 s7;
	_ =	sdelay $0x1  }
0xa8: {  	s23 =	simm.s32 $0x1B8B  }
0xa9: {  	_ =	swait.ge [sflag:s23], $0x1  }
0xaa: {  	[sflag:s23] =	ssyncset.done $0x0  }
0xab: {  	s25 =	simm.s32 $0x1B8E;
	s24 =	sld [smem:$0x3FFE];
	[sflag:s23] =	ssyncadd.s32 $0xFFFFFFFF  }
0xac: {  	s26 =	simm.s32 $execute0_lowered;
	[smem:$0x3FD2] =	sst s25  }
0xad: {  	s8 =	sshll.u32 s26, $0x1;
	_ =	strace $0x80000049;
	[dreg:$0x1] =	wrdreg $0xFFFFFFFF  }
0xae: {  	s28 =	simm.s32 $_size_execute0_lowered;
	s6 =	sadd.s32 s6, s8;
	[dreg:$0x0] =	wrdreg $0x0  }
0xaf: {  	s8 =	sshll.u32 s28, $0x1;
	[dreg:$0x2] =	wrdreg s6  }
0xb0: {  	[dreg:$0x3] =	wrdreg s8  }
0xb1: {  	[dreg:$0x4] =	wrdreg $0xC0  }
0xb2: {  	_ =	task [dreg:s10], $0x5FFFF  }
0xb3: {  	[dreg:$0x1] =	wrdreg $0xFFFFFFFF  }
0xb4: {  	[dreg:$0x0] =	wrdreg $0x60  }
0xb5: {  	[dreg:$0x2] =	wrdreg s16  }
0xb6: {  	[dreg:$0x3] =	wrdreg s24  }
0xb7: {  	[dreg:$0x4] =	wrdreg s4  }
0xb8: {  	[dreg:$0x5] =	wrdreg s15  }
0xb9: {  	[dreg:$0x6] =	wrdreg s17  }
0xba: {  	[dreg:$0x7] =	wrdreg $0x182800  }
0xbb: {  	[dreg:$0x8] =	wrdreg $0x18AC00  }
0xbc: {  	[dreg:$0x9] =	wrdreg $0x9  }
0xbd: {  	_ =	task.clear_ibuf [dreg:s10], $0xAFFFF;
	_ =	strace $0x90000049  }
0xbe: {  	s29 =	simm.s32 $0x9;
	_ =	strace $0x8000004B  }
0xbf: {  	_ =	swait.ge [sflag:s29], $0x1  }
0xc0: {  	[sflag:s29] =	ssyncadd.s32 $0xFFFFFFFF  }
0xc1: {  	_ =	strace $0x9000004B  }
0xc2: {  	_ =	sfence  }
0xc3: {  	s30 =	sld [smem:$0x0];
	_ =	sdelay $0x2  }
0xc4: {  	s31 =	sshll.u32 s1, $0xD;
	s1 =	sshrl.u32 s1, $0x2  }
0xc5: {  	s3 =	sand.u32 $0x4000, s31;
	s1 =	sadd.s32 s1, s30  }
0xc6: {  	s0 =	sor.u32 s3, s0;
	s1 =	sshll.u32 s1, $0x11  }
0xc7: {  	s0 =	sor.u32 s1, s0  }
0xc8: {  	s0 =	sadd.s32 $0x8F2B, s0  }
0xc9: {  	[sflag:s0] =	ssyncadd.remote.s32 $0x1  }
0xca: {  	_ =	sfence.sel $0xFFFF  }
0xcb: {  	[dreg:$0x0] =	wrdreg $0xFFFFFFFF;
	(pc) =	sbr.abs _section_cstart, $3  }
0xcc: {  	[dreg:$0x1] =	wrdreg $0xFFFFFFFF  }
0xcd: {  	_ =	task.clear_ibuf [dreg:s10], $0x2FFFF;
	_ =	strace $0x9FFFFFFF  }
0xce: {  	(tm) =	ssettm $0x7FFFFFFF  }
0xcf: {  	_ =	shalt  }
tec
execute0_lowered:
.L_overlay_start_1:
0x0: {  	(tag) =	ssettag $0x1  }
0x1: {  	s9 =	rddreg [dreg:$0x0]  }
0x2: {  	s5 =	rddreg [dreg:$0x1]  }
0x3: {  	s11 =	rddreg [dreg:$0x2]  }
0x4: {  	s0 =	rddreg [dreg:$0x3]  }
0x5: {  	s13 =	rddreg [dreg:$0x4]  }
0x6: {  	s1 =	rddreg [dreg:$0x5]  }
0x7: {  	s2 =	srdreg.scid;
	s22 =	stileid.u32  }
0x8: {  	s3 =	rddreg [dreg:$0x6];
	s4 =	simm.s32 $0x0;
	s19 =	simm.s32 $0x10200  }
0x9: {  	s20 =	simm.s32 $0x4200;
	s21 =	simm.s32 $0x100;
	s23 =	simm.s32 $0x0  }
0xa: {  	s10 =	sand.u32 $0x1, s2;
	s6 =	sshll.u32 s22, $0x1;
	s2 =	rddreg [dreg:$0x7]  }
0xb: {  	[smem:$0x7FF] =	sst s4;
	p0 =	sne.s32 s22, $0x0;
	p1 =	seq.s32 s22, $0x1  }
0xc: {  	s6 =	sor.u32 s10, s6;
	s14 =	smul.u32 $0x1080, s10;
	_ =	strace $0x8000004A  }
0xd: {  	s30 =	ssub.s32 $0x2, s10;
	s8 =	sshll.u32 s10, $0xB;
	s31 =	sshll.u32 s10, $0x4  }
0xe: {  	p2 =	sne.s32 @!p1 s22, $0x0;
	s22 =	simm.s32 $0x8200;
	s7 =	sshll.u32 s6, $0x6  }
0xf: {  	s16 =	sshrl.u32 s30, $0x1;
	s17 =	sadd.s32 s8, s5;
	s18 =	smul.u32 $0x1800, s6  }
0x10: {  	s6 =	sadd.s32 $0x4000, s3;
	s8 =	sadd.s32 $0x8000, s3;
	s11 =	sadd.s32 s11, s31  }
0x11: {  	p2 =	por p2, p1;
	s12 =	sadd.s32 s7, s5;
	s15 =	sadd.s32 s14, s5  }
0x12: {  	s16 =	ssub.s32 s30, s16;
	s5 =	sadd.s32 $0x4000, s1;
	s7 =	sadd.s32 $0x8000, s1  }
0x13: {  	s13 =	sadd.s32 s13, s14;
	s9 =	sadd.s32 s9, s18;
	s10 =	sadd.s32 $0x37200, s12  }
0x14: {  	s12 =	sadd.s32 $0x7400, s17;
	s14 =	sadd.s32 $0x5200, s15;
	s15 =	smax.u32 s16, $0x1  }
0x15: {  	v0 =	vimm.f32 $1.000000000e+00;
	v1 =	vimm.f32 $0.0e+00;
	s16 =	simm.s32 $0x200;
	s17 =	simm.s32 $0x2;
	s18 =	simm.s32 $0x80  }
.LBB2_1:
0x16: {  	s24 =	simm.s32 $0x200;
	s25 =	simm.s32 $0x0  }
.LBB2_2:
0x17: {  	p3 =	sne.s32 s24, $0xFE00;
	[tilespmem:s25+$0x10200] =	vst v0;
	s25 =	smov.u32 s24;
	s24 =	sadd.s32 $0x200, s24  }
.Ltmp0:
0x18: {  	(pc) =	sbr.rel @p3 .LBB2_2-.Ltmp0, $2  }
0x19: {  	_ =	sdelay $0x2  }
0x1a: {  	s25 =	sshra.s32 s25, $0x2  }
0x1b: {  	[tilespmem:s25+$0x10200] =	vst v0;
	s24 =	simm.s32 $0x200;
	s25 =	simm.s32 $0x0  }
.LBB2_4:
0x1c: {  	p3 =	sne.s32 s24, $0xFE00;
	[tilespmem:s25+$0x14200] =	vst v1;
	s25 =	smov.u32 s24;
	s24 =	sadd.s32 $0x200, s24  }
.Ltmp1:
0x1d: {  	(pc) =	sbr.rel @p3 .LBB2_4-.Ltmp1, $2  }
0x1e: {  	_ =	sdelay $0x2  }
0x1f: {  	s25 =	sshra.s32 s25, $0x2  }
0x20: {  	[tilespmem:s25+$0x14200] =	vst v1;
	s24 =	simm.s32 $0x0;
	s25 =	simm.s32 $0x200  }
.LBB2_6:
0x21: {  	p3 =	sne.s32 s25, $0xFE00;
	[tilespmem:s24+$0xC270] =	vst v1  }
0x22: {  	[tilespmem:s24+$0xC200] =	vst v1  }
0x23: {  	[tilespmem:s24+$0xC210] =	vst v1  }
.Ltmp2:
0x24: {  	[tilespmem:s24+$0xC220] =	vst v1;
	(pc) =	sbr.rel @p3 .LBB2_6-.Ltmp2, $4  }
0x25: {  	[tilespmem:s24+$0xC230] =	vst v1  }
0x26: {  	[tilespmem:s24+$0xC240] =	vst v1  }
0x27: {  	[tilespmem:s24+$0xC250] =	vst v1  }
0x28: {  	[tilespmem:s24+$0xC260] =	vst v1;
	s24 =	sshra.s32 s25, $0x2;
	s25 =	sadd.s32 $0x200, s25  }
0x29: {  	[tilespmem:s24+$0xC270] =	vst v1  }
0x2a: {  	[tilespmem:s24+$0xC200] =	vst v1  }
0x2b: {  	[tilespmem:s24+$0xC210] =	vst v1  }
0x2c: {  	[tilespmem:s24+$0xC220] =	vst v1  }
0x2d: {  	[tilespmem:s24+$0xC230] =	vst v1  }
0x2e: {  	[tilespmem:s24+$0xC240] =	vst v1  }
0x2f: {  	[tilespmem:s24+$0xC250] =	vst v1  }
0x30: {  	[tilespmem:s24+$0xC260] =	vst v1;
	s24 =	simm.s32 @!p0 $0xC200;
	s25 =	simm.s32 @!p0 $0x2  }
0x31: {  	[spmem:s1] =	stream.linear.scatter @!p0 [tilespmem:s24], [sflag:$0x2], $0x4000, $0x38;
	[tilespmem:$0x18BC8] =	vst v63  }
0x32: {  	_ =	swait.ge @!p0 [sflag:s25], $0x4000  }
0x33: {  	[sflag:s25] =	ssyncset.done @!p0 $0x0  }
0x34: {  	s26 =	simm.s32 @!p0 $0x14200;
	[sflag:s25] =	ssyncadd.s32 @!p0 $0xFFFFC000  }
0x35: {  	[spmem:s3] =	stream.linear.scatter @!p0 [tilespmem:s26], [sflag:$0x2], $0x4000, $0x38;
	[tilespmem:$0x18BC8] =	vst v63  }
0x36: {  	_ =	swait.ge @!p0 [sflag:s25], $0x4000  }
0x37: {  	[sflag:s25] =	ssyncset.done @!p0 $0x0  }
0x38: {  	[sflag:s25] =	ssyncadd.s32 @!p0 $0xFFFFC000  }
0x39: {  	[spmem:s5] =	stream.linear.scatter @!p0 [tilespmem:s24], [sflag:$0x2], $0x4000, $0x38;
	[tilespmem:$0x18BC8] =	vst v63  }
0x3a: {  	_ =	swait.ge @!p0 [sflag:s25], $0x4000  }
0x3b: {  	[sflag:s25] =	ssyncset.done @!p0 $0x0  }
0x3c: {  	[sflag:s25] =	ssyncadd.s32 @!p0 $0xFFFFC000  }
0x3d: {  	[spmem:s6] =	stream.linear.scatter @!p0 [tilespmem:s26], [sflag:$0x2], $0x4000, $0x38;
	[tilespmem:$0x18BC8] =	vst v63  }
0x3e: {  	_ =	swait.ge @!p0 [sflag:s25], $0x4000  }
0x3f: {  	[sflag:s25] =	ssyncset.done @!p0 $0x0  }
0x40: {  	[sflag:s25] =	ssyncadd.s32 @!p0 $0xFFFFC000  }
0x41: {  	[spmem:s7] =	stream.linear.scatter @!p0 [tilespmem:s24], [sflag:$0x2], $0x400, $0x38;
	[tilespmem:$0x18BC8] =	vst v63  }
0x42: {  	_ =	swait.ge @!p0 [sflag:s25], $0x400  }
0x43: {  	[sflag:s25] =	ssyncset.done @!p0 $0x0  }
0x44: {  	[sflag:s25] =	ssyncadd.s32 @!p0 $0xFFFFFC00  }
0x45: {  	[spmem:s8] =	stream.linear.scatter @!p0 [tilespmem:s26], [sflag:$0x2], $0x400, $0x38;
	[tilespmem:$0x18BC8] =	vst v63  }
0x46: {  	_ =	swait.ge @!p0 [sflag:s25], $0x400  }
0x47: {  	[sflag:s25] =	ssyncset.done @!p0 $0x0  }
0x48: {  	[sflag:s25] =	ssyncadd.s32 @!p0 $0xFFFFFC00  }
0x49: {  	[bflag:$0x0] =	sbarrier.arrive $0xFFFF  }
0x4a: {  	[tilespmem:s16], [sflag:$0x2] =	stream.linear.gather [hbm4b:s9+s4], $0xC000, $0x38;
	[tilespmem:$0x18BC8] =	vst v63  }
0x4b: {  	_ =	swait.ge [sflag:s17], $0xC000  }
0x4c: {  	[sflag:s17] =	ssyncset.done $0x0  }
0x4d: {  	[sflag:s17] =	ssyncadd.s32 $0xFFFF4000  }
0x4e: {  	[tilespmem:s4], [sflag:$0x2] =	stream.linear.gather [hbm4b:s10+s4], $0x180, $0x38;
	[tilespmem:$0x18BC8] =	vst v63  }
0x4f: {  	_ =	swait.ge [sflag:s17], $0x180  }
0x50: {  	[sflag:s17] =	ssyncset.done $0x0  }
0x51: {  	[sflag:s17] =	ssyncadd.s32 $0xFFFFFE80  }
0x52: {  	[spmem:s1] =	stream.indirect.scatter.add.f32 [tilespmem:s16], [sflag:$0x2], $0x80, s4, s18, $0xb8;
	[tilespmem:$0x18BC8] =	vst v63  }
0x53: {  	_ =	swait.ge [sflag:s17], $0x4000  }
0x54: {  	[sflag:s17] =	ssyncset.done $0x0  }
0x55: {  	[sflag:s17] =	ssyncadd.s32 $0xFFFFC000  }
0x56: {  	[spmem:s3] =	stream.indirect.scatter.add.f32 [tilespmem:s19], [sflag:$0x2], $0x10, s4, s18, $0xb8;
	[tilespmem:$0x18BC8] =	vst v63  }
0x57: {  	_ =	swait.ge [sflag:s17], $0x800  }
0x58: {  	[sflag:s17] =	ssyncset.done $0x0  }
0x59: {  	[sflag:s17] =	ssyncadd.s32 $0xFFFFF800  }
0x5a: {  	[spmem:s1] =	stream.indirect.scatter.add.f32 [tilespmem:s20], [sflag:$0x2], $0x80, s18, s18, $0xb8;
	[tilespmem:$0x18BC8] =	vst v63  }
0x5b: {  	_ =	swait.ge [sflag:s17], $0x4000  }
0x5c: {  	[sflag:s17] =	ssyncset.done $0x0  }
0x5d: {  	[sflag:s17] =	ssyncadd.s32 $0xFFFFC000  }
0x5e: {  	[spmem:s3] =	stream.indirect.scatter.add.f32 [tilespmem:s19], [sflag:$0x2], $0x10, s18, s18, $0xb8;
	[tilespmem:$0x18BC8] =	vst v63  }
0x5f: {  	_ =	swait.ge [sflag:s17], $0x800  }
0x60: {  	[sflag:s17] =	ssyncset.done $0x0  }
0x61: {  	[sflag:s17] =	ssyncadd.s32 $0xFFFFF800  }
0x62: {  	[spmem:s1] =	stream.indirect.scatter.add.f32 [tilespmem:s22], [sflag:$0x2], $0x80, s21, s18, $0xb8;
	[tilespmem:$0x18BC8] =	vst v63  }
0x63: {  	_ =	swait.ge [sflag:s17], $0x4000  }
0x64: {  	[sflag:s17] =	ssyncset.done $0x0  }
0x65: {  	[sflag:s17] =	ssyncadd.s32 $0xFFFFC000  }
0x66: {  	[spmem:s3] =	stream.indirect.scatter.add.f32 [tilespmem:s19], [sflag:$0x2], $0x10, s21, s18, $0xb8;
	[tilespmem:$0x18BC8] =	vst v63  }
0x67: {  	_ =	swait.ge [sflag:s17], $0x800  }
0x68: {  	[sflag:s17] =	ssyncset.done $0x0  }
0x69: {  	s24 =	simm.s32 @p1 $0x0;
	[sflag:s17] =	ssyncadd.s32 $0xFFFFF800  }
0x6a: {  	s26 =	simm.s32 @p1 $0x2;
	s25 =	simm.s32 @p1 $0x18200;
	[bflag:$0x0] =	sbarrier.arrive $0xFFFF  }
0x6b: {  	[tilespmem:s25], [sflag:$0x2] =	stream.linear.gather @p1 [hbm4b:s11+s24], $0x80, $0x38;
	[tilespmem:$0x18BC8] =	vst v63  }
0x6c: {  	_ =	swait.ge @p1 [sflag:s26], $0x80  }
0x6d: {  	[sflag:s26] =	ssyncset.done @p1 $0x0  }
0x6e: {  	s28 =	simm.s32 @p1 $0x80;
	s29 =	simm.s32 @p1 $0xC200;
	[sflag:s26] =	ssyncadd.s32 @p1 $0xFFFFFF80  }
0x6f: {  	[tilespmem:s29], [sflag:$0x1] =	stream.indirect.gather @p1 [hbm4b:s0+s28], $0x80, s25, s28, $0xb8;
	[tilespmem:$0x18BC8] =	vst v63  }
0x70: {  	s25 =	simm.s32 @p1 $0x1  }
0x71: {  	_ =	swait.ge @p1 [sflag:s25], $0x4000  }
0x72: {  	[sflag:s25] =	ssyncset.done @p1 $0x0  }
0x73: {  	[sflag:s25] =	ssyncadd.s32 @p1 $0xFFFFC000  }
0x74: {  	[hbm4b:s12+s24] =	stream.linear.scatter @p1 [tilespmem:s29], [sflag:$0x2], $0x4000, $0x38;
	[tilespmem:$0x18BC8] =	vst v63  }
0x75: {  	_ =	swait.ge @p1 [sflag:s26], $0x4000  }
0x76: {  	[sflag:s26] =	ssyncset.done @p1 $0x0  }
0x77: {  	s25 =	simm.s32 @!p2 $0x1C02;
	s24 =	sshrl.u32 @!p2 s1, $0x3;
	[sflag:s26] =	ssyncadd.s32 @p1 $0xFFFFC000  }
0x78: {  	[hbm:s13], [sflag:s25] =	dma.local @!p2 [spmem:s24], $0x1080  }
0x79: {  	s24 =	simm.s32 @!p2 $0x2  }
0x7a: {  	s23 =	sadd.s32 $0x1, s23;
	_ =	swait.ge @!p2 [sflag:s24], $0x1080  }
0x7b: {  	p3 =	sne.s32 s23, s15;
	[sflag:s24] =	ssyncset.done @!p2 $0x0  }
.Ltmp3:
0x7c: {  	s26 =	sshrl.u32 @!p2 s3, $0x3;
	[sflag:s24] =	ssyncadd.s32 @!p2 $0xFFFFEF80;
	(pc) =	sbr.rel @p3 .LBB2_1-.Ltmp3, $4  }
0x7d: {  	[hbm:s14], [sflag:s25] =	dma.local @!p2 [spmem:s26], $0x1080  }
0x7e: {  	_ =	swait.ge @!p2 [sflag:s24], $0x1080  }
0x7f: {  	[sflag:s24] =	ssyncset.done @!p2 $0x0  }
0x80: {  	[sflag:s24] =	ssyncadd.s32 @!p2 $0xFFFFEF80  }
0x81: {  	_ =	sfence.sel $0x180000  }
0x82: {  	[bflag:$0x0] =	sbarrier.arrive $0xFFFF  }
0x83: {  	_ =	strace $0x9000004A  }
0x84: {  	s0 =	sadd.s32 @!p0 $0x100000, s2;
	[bflag:$0x2] =	sbarrier.arrive $0xFFFF  }
0x85: {  	[sflag:s0] =	ssyncadd.tile.s32 @!p0 $0x1;
	_ =	shalt  }
.Lfunc_end2:
_tile_overlayer_lowered:
.L_overlay_start_2:
0x86: {  	(tag) =	ssettag $0x2  }
0x87: {  	s0 =	rddreg [dreg:$0x0];
	s2 =	stileid.u32  }
0x88: {  	s1 =	rddreg [dreg:$0x1];
	p0 =	sne.s32 s2, $0x0  }
0x89: {  	s3 =	rddreg [dreg:$0x2];
	[bflag:$0x3] =	sbarrier.arrive $0xFFFF;
	s2 =	simm.s32 @!p0 $0x1C02  }
0x8a: {  	[timem:s3], [sflag:s2] =	dma.local @!p0 [hbm:s0], s1  }
0x8b: {  	s0 =	simm.s32 @!p0 $0x2  }
0x8c: {  	_ =	swait.ge @!p0 [sflag:s0], s1  }
0x8d: {  	s1 =	ssub.s32 @!p0 $0x0, s1;
	[sflag:s0] =	ssyncset.done @!p0 $0x0  }
0x8e: {  	[sflag:s0] =	ssyncadd.s32 @!p0 s1  }
0x8f: {  	[bflag:$0x3] =	sbarrier.arrive $0xFFFF  }
0x90: {  	_ =	shalt  }

// kernel: kernel.9.cloned.1.call-start
scs
__scs_entry_jumppad:
0x0: {  	(pc) =	sbr.rel $0x88, $3  }
0x1: {  	(tag) =	ssettag $0x0;
	lr =	simm.s32 $0x1  }
0x2: {  	[smem:$0x3F91] =	sst lr;
	_ =	strace $0xD0000000  }
0x3: {  	_ = 	snop  }
0x4: {  	_ = 	snop  }
0x5: {  	_ = 	snop  }
0x6: {  	_ = 	snop  }
0x7: {  	_ = 	snop  }
__scs_overlays_trampoline_lowered:
0x8: {  	[smem:$0x3FA0] =	sst s0  }
0x9: {  	[smem:$0x3FA1] =	sst s1  }
0xa: {  	[smem:$0x3FA2] =	sst s2  }
0xb: {  	[smem:$0x3FA3] =	sst s3  }
0xc: {  	[smem:$0x3FA4] =	sst s4  }
0xd: {  	[smem:$0x3FA5] =	sst s5  }
0xe: {  	[smem:$0x3FA6] =	sst s6  }
0xf: {  	[smem:$0x3FA7] =	sst s7  }
0x10: {  	[smem:$0x3FA8] =	sst s8  }
0x11: {  	[smem:$0x3FA9] =	sst s9;
	s0 =	simm.s32 @!p0 $0x0  }
0x12: {  	s1 =	sld [smem:$0x3F8F];
	s0 =	simm.s32 @p0 $0x1  }
0x13: {  	[smem:$0x3FAA] =	sst s0;
	s0 =	simm.s32 @!p1 $0x0  }
0x14: {  	s2 =	sld [smem:$0x3F8E];
	s0 =	simm.s32 @p1 $0x1  }
0x15: {  	[smem:$0x3FAB] =	sst s0;
	s0 =	simm.s32 @!p2 $0x0  }
0x16: {  	s3 =	sld [smem:$0x3FDB];
	s0 =	simm.s32 @p2 $0x1  }
0x17: {  	s4 =	simm.s32 $0x1BF5;
	[smem:$0x3FAD] =	sst s0  }
0x18: {  	s0 =	sld [smem:$0x3F90];
	_ =	swait.ge [sflag:s4], $0x0  }
0x19: {  	s7 =	sld [smem:$0x3F91]  }
0x1a: {  	s8 =	sadd.s32 $0xFFFFE003, lr  }
0x1b: {  	s9 =	sadd.s32 $0xFFFFFEF7, lr;
	s5 =	simm.s32 $0xFFFFFFFF;
	p2 =	slt.u32 s8, $0xFFFFF086  }
0x1c: {  	p1 =	slt.u32 s9, $0xF7A;
	s5 =	simm.s32 @!p2 $0x0  }
0x1d: {  	s5 =	simm.s32 @p1 $0x1;
	p0 =	seq.s32 s7, s2  }
0x1e: {  	s7 =	smul.u32 @!p0 $0xF7A, s2;
	p2 =	seq.s32 @!p0 s5, $0x0  }
0x1f: {  	s9 =	smul.u32 $0xF7A, s1;
	s8 =	simm.s32 @!p0 $0x1BF5;
	p2 =	por !p2, p0  }
0x20: {  	[sflag:s8] =	ssyncset.s32 @!p0 $0xFFFFF086;
	s6 =	sadd.s32 @!p0 s3, s7;
	s7 =	simm.s32 @!p0 $0x108  }
0x21: {  	s3 =	sadd.s32 s3, s9;
	s6 =	sadd.s32 @!p0 $0x88, s6;
	s7 =	simm.s32 @p2 $0x1082  }
0x22: {  	[simem:s7], [sflag:s8] =	dma.local @!p0 [hbm:s6], $0xF7A  }
0x23: {  	s9 =	sor.u32 $0xD0000000, s2;
	s6 =	simm.s32 $0x108;
	_ =	swait.ge @!p0 [sflag:s8], $0x0  }
0x24: {  	s3 =	sadd.s32 $0x88, s3;
	s6 =	simm.s32 @!p1 $0x1082;
	[sflag:s4] =	ssyncset.s32 $0xFFFFF086  }
0x25: {  	[simem:s6], [sflag:s4] =	dma.local [hbm:s3], $0xF7A  }
0x26: {  	[smem:$0x3F91] =	sst s1;
	(tag) =	ssettag s2;
	_ =	strace s9  }
0x27: {  	s1 =	sld [smem:$0x3FA1]  }
0x28: {  	s2 =	sld [smem:$0x3FA2]  }
0x29: {  	s4 =	sld [smem:$0x3FA4]  }
0x2a: {  	p0 =	seq.s32 s5, $0x0;
	s5 =	sld [smem:$0x3FA5]  }
0x2b: {  	s6 =	sld [smem:$0x3FA6]  }
0x2c: {  	s7 =	sld [smem:$0x3FA7]  }
0x2d: {  	s3 =	simm.s32 $0x108;
	s8 =	sld [smem:$0x3FA8]  }
0x2e: {  	s3 =	simm.s32 @!p0 $0x1082;
	s9 =	sld [smem:$0x3FA9]  }
0x2f: {  	lr =	sadd.s32 s0, s3;
	s0 =	sld [smem:$0x3FA0]  }
0x30: {  	s3 =	sld [smem:$0x3FA3]  }
0x31: {  	[smem:$0x3FAC] =	sst s10  }
0x32: {  	s10 =	sld [smem:$0x3FAA];
	_ =	sdelay $0x3  }
0x33: {  	p0 =	seq.s32 s10, $0x1;
	s10 =	sld [smem:$0x3FAC];
	_ =	sdelay $0x3  }
0x34: {  	[smem:$0x3FAC] =	sst s10  }
0x35: {  	s10 =	sld [smem:$0x3FAB];
	_ =	sdelay $0x3  }
0x36: {  	p1 =	seq.s32 s10, $0x1;
	s10 =	sld [smem:$0x3FAC];
	_ =	sdelay $0x3  }
0x37: {  	[smem:$0x3FAC] =	sst s10  }
0x38: {  	s10 =	sld [smem:$0x3FAD]  }
0x39: {  	_ = 	snop;
	(pc) =	sbr.ind lr, $3  }
0x3a: {  	_ = 	snop  }
0x3b: {  	_ = 	snop  }
0x3c: {  	p2 =	seq.s32 s10, $0x1;
	s10 =	sld [smem:$0x3FAC]  }
0x3d: {  	_ =	shalt  }
0x3e: {  	_ =	shalt  }
0x3f: {  	_ =	shalt  }
0x40: {  	_ =	shalt  }
0x41: {  	_ =	shalt  }
0x42: {  	_ =	shalt  }
0x43: {  	_ =	shalt  }
0x44: {  	_ =	shalt  }
0x45: {  	_ =	shalt  }
0x46: {  	_ =	shalt  }
0x47: {  	_ =	shalt  }
0x48: {  	_ =	shalt  }
0x49: {  	_ =	shalt  }
0x4a: {  	_ =	shalt  }
0x4b: {  	_ =	shalt  }
0x4c: {  	_ =	shalt  }
0x4d: {  	_ =	shalt  }
0x4e: {  	_ =	shalt  }
0x4f: {  	_ =	shalt  }
0x50: {  	_ =	shalt  }
0x51: {  	_ =	shalt  }
0x52: {  	_ =	shalt  }
0x53: {  	_ =	shalt  }
0x54: {  	_ =	shalt  }
0x55: {  	_ =	shalt  }
0x56: {  	_ =	shalt  }
0x57: {  	_ =	shalt  }
0x58: {  	_ =	shalt  }
0x59: {  	_ =	shalt  }
0x5a: {  	_ =	shalt  }
0x5b: {  	_ =	shalt  }
0x5c: {  	_ =	shalt  }
0x5d: {  	_ =	shalt  }
0x5e: {  	_ =	shalt  }
0x5f: {  	_ =	shalt  }
0x60: {  	_ =	shalt  }
0x61: {  	_ =	shalt  }
0x62: {  	_ =	shalt  }
0x63: {  	_ =	shalt  }
0x64: {  	_ =	shalt  }
0x65: {  	_ =	shalt  }
0x66: {  	_ =	shalt  }
0x67: {  	_ =	shalt  }
0x68: {  	_ =	shalt  }
0x69: {  	_ =	shalt  }
0x6a: {  	_ =	shalt  }
0x6b: {  	_ =	shalt  }
0x6c: {  	_ =	shalt  }
0x6d: {  	_ =	shalt  }
0x6e: {  	_ =	shalt  }
0x6f: {  	_ =	shalt  }
0x70: {  	_ =	shalt  }
0x71: {  	_ =	shalt  }
0x72: {  	_ =	shalt  }
0x73: {  	_ =	shalt  }
0x74: {  	_ =	shalt  }
0x75: {  	_ =	shalt  }
0x76: {  	_ =	shalt  }
0x77: {  	_ =	shalt  }
0x78: {  	_ =	shalt  }
0x79: {  	_ =	shalt  }
0x7a: {  	_ =	shalt  }
0x7b: {  	_ =	shalt  }
0x7c: {  	_ =	shalt  }
0x7d: {  	_ =	shalt  }
0x7e: {  	_ =	shalt  }
0x7f: {  	_ =	shalt  }
0x80: {  	_ =	shalt  }
0x81: {  	_ =	shalt  }
0x82: {  	_ =	shalt  }
0x83: {  	_ =	shalt  }
0x84: {  	_ =	shalt  }
0x85: {  	_ =	shalt  }
0x86: {  	_ =	shalt  }
0x87: {  	_ =	shalt  }
.Lfunc_end0:
.L_simem_size_0:
called_computation.1_lowered:
.L_overlay_start_0:
0x88: {  	s2 =	sld [smem:$0x3FD9]  }
0x89: {  	s3 =	sld [smem:$0x3FFE];
	_ =	sdelay $0x1  }
0x8a: {  	s1 =	srdreg.scid  }
0x8b: {  	s0 =	sand.u32 $0x1, s1  }
0x8c: {  	s14 =	sshll.u32 s0, $0xA;
	s2 =	sadd.s32 s3, s2  }
0x8d: {  	s2 =	sadd.s32 s2, s14  }
0x8e: {  	[smem:$0x3FB8] =	sst s2  }
0x8f: {  	_ = 	snop  }
0x90: {  	s2 =	sld [smem:$0x3FD0];
	_ =	sdelay $0x2  }
0x91: {  	s15 =	simm.s32 $0xA;
	s4 =	simm.s32 $0x10  }
0x92: {  	[smem:s4], [sflag:s15] =	dma.local [hbm:s2], $0x1  }
0x93: {  	_ =	swait.eq [sflag:s15], $0x1  }
0x94: {  	[sflag:s15] =	ssyncset.done $0x0  }
0x95: {  	[sflag:s15] =	ssyncadd.s32 $0xFFFFFFFF  }
0x96: {  	s16 =	sld [smem:$0x10];
	(tm) =	ssettm $0x1  }
0x97: {  	s17 =	sld [smem:$0x3FFB];
	_ =	sdelay $0x3  }
0x98: {  	_ =	strace s17  }
0x99: {  	s3 =	sld [smem:$0x3FFC];
	_ =	sdelay $0x3  }
0x9a: {  	_ =	strace s3  }
0x9b: {  	s3 =	sld [smem:$0x3FFD];
	_ =	sdelay $0x3  }
0x9c: {  	_ =	strace s3  }
0x9d: {  	_ =	strace $0x8FFFFFFF  }
0x9e: {  	s18 =	sld [smem:$0x3FDB];
	_ =	sdelay $0x1  }
0x9f: {  	s19 =	simm.s32 $_scs_section_size  }
0xa0: {  	s5 =	simm.s32 $_size__tile_overlayer_lowered;
	s6 =	simm.s32 $_tile_overlayer_lowered  }
0xa1: {  	s22 =	simm.s32 $0x1BFF;
	s21 =	sshll.u32 s6, $0x1;
	s3 =	sadd.s32 s19, s18  }
0xa2: {  	s7 =	simm.s32 $0x0;
	s20 =	sshll.u32 s5, $0x1;
	s5 =	sadd.s32 s21, s3  }
0xa3: {  	[timem:s7], [sflag:s22] =	dma.local [hbm:s5], s20  }
0xa4: {  	_ =	swait.ge [sflag:s22], s20  }
0xa5: {  	s4 =	ssub.s32 $0x0, s20;
	[sflag:s22] =	ssyncset.done $0x0  }
0xa6: {  	[sflag:s22] =	ssyncadd.s32 s4;
	_ =	sdelay $0x1  }
0xa7: {  	s23 =	simm.s32 $0x1B8B  }
0xa8: {  	_ =	swait.ge [sflag:s23], $0x1  }
0xa9: {  	[sflag:s23] =	ssyncset.done $0x0  }
0xaa: {  	s25 =	simm.s32 $0x1B8E;
	s24 =	sld [smem:$0x3FFE];
	[sflag:s23] =	ssyncadd.s32 $0xFFFFFFFF  }
0xab: {  	s26 =	simm.s32 $execute0_lowered;
	[smem:$0x3FD2] =	sst s25  }
0xac: {  	s5 =	sshll.u32 s26, $0x1;
	_ =	strace $0x80000046;
	[dreg:$0x1] =	wrdreg $0xFFFFFFFF  }
0xad: {  	s28 =	simm.s32 $_size_execute0_lowered;
	s3 =	sadd.s32 s3, s5;
	[dreg:$0x0] =	wrdreg $0x0  }
0xae: {  	s5 =	sshll.u32 s28, $0x1;
	[dreg:$0x2] =	wrdreg s3  }
0xaf: {  	[dreg:$0x3] =	wrdreg s5  }
0xb0: {  	[dreg:$0x4] =	wrdreg $0xC0  }
0xb1: {  	_ =	task [dreg:s7], $0x5FFFF  }
0xb2: {  	[dreg:$0x1] =	wrdreg $0xFFFFFFFF  }
0xb3: {  	[dreg:$0x0] =	wrdreg $0x60  }
0xb4: {  	[dreg:$0x2] =	wrdreg s24  }
0xb5: {  	[dreg:$0x3] =	wrdreg s16  }
0xb6: {  	[dreg:$0x4] =	wrdreg $0xA8000  }
0xb7: {  	[dreg:$0x5] =	wrdreg $0x9  }
0xb8: {  	_ =	task.clear_ibuf [dreg:s7], $0x6FFFF;
	_ =	strace $0x90000046  }
0xb9: {  	s29 =	simm.s32 $0x9;
	_ =	strace $0x80000048  }
0xba: {  	_ =	swait.ge [sflag:s29], $0x1  }
0xbb: {  	[sflag:s29] =	ssyncadd.s32 $0xFFFFFFFF  }
0xbc: {  	_ =	strace $0x90000048  }
0xbd: {  	_ =	sfence  }
0xbe: {  	s30 =	sld [smem:$0x0];
	_ =	sdelay $0x2  }
0xbf: {  	s31 =	sshll.u32 s1, $0xD;
	s1 =	sshrl.u32 s1, $0x2  }
0xc0: {  	s3 =	sand.u32 $0x4000, s31;
	s1 =	sadd.s32 s1, s30  }
0xc1: {  	s0 =	sor.u32 s3, s0;
	s1 =	sshll.u32 s1, $0x11  }
0xc2: {  	s0 =	sor.u32 s1, s0  }
0xc3: {  	s0 =	sadd.s32 $0x8F2B, s0  }
0xc4: {  	[sflag:s0] =	ssyncadd.remote.s32 $0x1  }
0xc5: {  	_ =	sfence.sel $0xFFFF  }
0xc6: {  	[dreg:$0x0] =	wrdreg $0xFFFFFFFF;
	(pc) =	sbr.abs _section_cstart, $3  }
0xc7: {  	[dreg:$0x1] =	wrdreg $0xFFFFFFFF  }
0xc8: {  	_ =	task.clear_ibuf [dreg:s7], $0x2FFFF;
	_ =	strace $0x9FFFFFFF  }
0xc9: {  	(tm) =	ssettm $0x7FFFFFFF  }
tec
execute0_lowered:
.L_overlay_start_1:
0x0: {  	(tag) =	ssettag $0x1  }
0x1: {  	s4 =	rddreg [dreg:$0x0]  }
0x2: {  	s10 =	rddreg [dreg:$0x1]  }
0x3: {  	s2 =	rddreg [dreg:$0x2];
	s3 =	srdreg.scid  }
0x4: {  	s1 =	stileid.u32;
	s0 =	rddreg [dreg:$0x3];
	s13 =	simm.s32 $0x80  }
0x5: {  	s14 =	simm.s32 $0x2800;
	s6 =	sand.u32 $0x1, s3;
	s7 =	smul.u32 $0x4F000, s1  }
0x6: {  	s5 =	sshll.u32 s1, $0x1;
	s3 =	simm.s32 $0x0;
	s16 =	smul.u32 $0x2780, s1  }
0x7: {  	s17 =	sshll.u32 s1, $0x6;
	s5 =	sor.u32 s6, s5;
	s12 =	smul.u32 $0x27800, s6  }
0x8: {  	[smem:$0x7FF] =	sst s3;
	s8 =	ssub.s32 $0x2, s6;
	s5 =	smul.u32 $0x500, s5  }
0x9: {  	_ =	strace $0x80000047;
	s7 =	sshrl.u32 s7, $0x2;
	s31 =	sshrl.u32 s8, $0x1  }
0xa: {  	s11 =	ssub.s32 s8, s31;
	s15 =	sadd.s32 s10, s12;
	s12 =	simm.s32 $0x1  }
0xb: {  	s9 =	sadd.s32 s5, s4;
	s4 =	sadd.s32 s7, s2;
	s10 =	smax.u32 s11, $0x1  }
0xc: {  	s11 =	simm.s32 $0x6800;
	s15 =	sadd.s32 s16, s15;
	s16 =	sor.u32 $0x1C01, s17  }
0xd: {  	s5 =	sadd.s32 $0x4000, s4;
	s6 =	sadd.s32 $0x8000, s4;
	s7 =	sadd.s32 $0xC000, s4  }
0xe: {  	v0 =	vimm.f32 $1.000000000e+00;
	v1 =	vimm.f32 $0.0e+00;
	s8 =	sadd.s32 $0x10000, s4;
	s9 =	sadd.s32 $0x5200, s9;
	s17 =	sshrl.u32 s4, $0x3  }
.LBB2_1:
0xf: {  	s18 =	simm.s32 $0x0  }
.LBB2_2:
0x10: {  	p0 =	sne.s32 s18, $0xFE00  }
.Ltmp0:
0x11: {  	_ = 	snop;
	(pc) =	sbr.rel @p0 .LBB2_2-.Ltmp0, $3  }
0x12: {  	_ =	sdelay $0x1  }
0x13: {  	s19 =	sshra.s32 s18, $0x2  }
0x14: {  	s18 =	sadd.s32 $0x200, s18;
	[tilespmem:s19+$0x2800] =	vst v0  }
0x15: {  	s18 =	simm.s32 $0x200;
	s19 =	simm.s32 $0x0  }
.LBB2_4:
0x16: {  	p0 =	sne.s32 s18, $0xFE00;
	[tilespmem:s19+$0x6800] =	vst v1;
	s19 =	smov.u32 s18;
	s18 =	sadd.s32 $0x200, s18  }
.Ltmp1:
0x17: {  	(pc) =	sbr.rel @p0 .LBB2_4-.Ltmp1, $2  }
0x18: {  	_ =	sdelay $0x2  }
0x19: {  	s19 =	sshra.s32 s19, $0x2  }
0x1a: {  	[tilespmem:s19+$0x6800] =	vst v1  }
0x1b: {  	[spmem:s4] =	stream.linear.scatter [tilespmem:s11], [sflag:$0x1], $0x4000, $0x38;
	[tilespmem:$0xCF80] =	vst v63  }
0x1c: {  	_ =	swait.ge [sflag:s12], $0x4000  }
0x1d: {  	[sflag:s12] =	ssyncset.done $0x0  }
0x1e: {  	[sflag:s12] =	ssyncadd.s32 $0xFFFFC000  }
0x1f: {  	[spmem:s5] =	stream.linear.scatter [tilespmem:s11], [sflag:$0x1], $0x4000, $0x38;
	[tilespmem:$0xCF80] =	vst v63  }
0x20: {  	_ =	swait.ge [sflag:s12], $0x4000  }
0x21: {  	[sflag:s12] =	ssyncset.done $0x0  }
0x22: {  	[sflag:s12] =	ssyncadd.s32 $0xFFFFC000  }
0x23: {  	[spmem:s6] =	stream.linear.scatter [tilespmem:s11], [sflag:$0x1], $0x4000, $0x38;
	[tilespmem:$0xCF80] =	vst v63  }
0x24: {  	_ =	swait.ge [sflag:s12], $0x4000  }
0x25: {  	[sflag:s12] =	ssyncset.done $0x0  }
0x26: {  	[sflag:s12] =	ssyncadd.s32 $0xFFFFC000  }
0x27: {  	[spmem:s7] =	stream.linear.scatter [tilespmem:s11], [sflag:$0x1], $0x4000, $0x38;
	[tilespmem:$0xCF80] =	vst v63  }
0x28: {  	_ =	swait.ge [sflag:s12], $0x4000  }
0x29: {  	[sflag:s12] =	ssyncset.done $0x0  }
0x2a: {  	[sflag:s12] =	ssyncadd.s32 $0xFFFFC000  }
0x2b: {  	[spmem:s8] =	stream.linear.scatter [tilespmem:s11], [sflag:$0x1], $0x3C00, $0x38;
	[tilespmem:$0xCF80] =	vst v63  }
0x2c: {  	_ =	swait.ge [sflag:s12], $0x3C00  }
0x2d: {  	[sflag:s12] =	ssyncset.done $0x0  }
0x2e: {  	[sflag:s12] =	ssyncadd.s32 $0xFFFFC400  }
0x2f: {  	s18 =	simm.s32 $0x0;
	[bflag:$0x0] =	sbarrier.arrive $0xFFFF  }
0x30: {  	[tilespmem:s18], [sflag:$0x1] =	stream.linear.gather [hbm4b:s9+s18], $0x2780, $0x38;
	[tilespmem:$0xCF80] =	vst v63  }
0x31: {  	_ =	swait.ge [sflag:s12], $0x2780  }
0x32: {  	[sflag:s12] =	ssyncset.done $0x0  }
0x33: {  	s31 =	simm.s32 $0x0;
	[sflag:s12] =	ssyncadd.s32 $0xFFFFD880  }
0x34: {  	[spmem:s2] =	stream.indirect.scatter.add.f32 [tilespmem:s14], [sflag:$0x1], $0x10, s31, s13, $0xb8;
	[tilespmem:$0xCF80] =	vst v63  }
0x35: {  	_ =	swait.ge [sflag:s12], $0x800  }
0x36: {  	s18 =	simm.s32 $0x200;
	[sflag:s12] =	ssyncset.done $0x0  }
.LBB2_6:
0x37: {  	s19 =	sshra.s32 s18, $0x2;
	[sflag:s12] =	ssyncadd.s32 $0xFFFFF800;
	p0 =	sne.s32 s18, $0x9C00  }
0x38: {  	[spmem:s2] =	stream.indirect.scatter.add.f32 [tilespmem:s14], [sflag:$0x1], $0x10, s19, s13, $0xb8;
	[tilespmem:$0xCF80] =	vst v63  }
.Ltmp2:
0x39: {  	_ = 	snop;
	(pc) =	sbr.rel @p0 .LBB2_6-.Ltmp2, $4  }
0x3a: {  	_ = 	snop  }
0x3b: {  	s18 =	sadd.s32 $0x200, s18  }
0x3c: {  	_ =	swait.ge [sflag:s12], $0x800  }
0x3d: {  	[sflag:s12] =	ssyncset.done $0x0  }
0x3e: {  	s3 =	sadd.s32 $0x1, s3  }
0x3f: {  	[sflag:s12] =	ssyncadd.s32 $0xFFFFF800;
	p0 =	sne.s32 s3, s10  }
.Ltmp3:
0x40: {  	[bflag:$0x0] =	sbarrier.arrive $0xFFFF;
	(pc) =	sbr.rel @p0 .LBB2_1-.Ltmp3, $4  }
0x41: {  	[hbm:s15], [sflag:s16] =	dma.local [spmem:s17], $0x2780  }
0x42: {  	_ =	swait.ge [sflag:s12], $0x2780  }
0x43: {  	[sflag:s12] =	ssyncset.done $0x0  }
0x44: {  	[sflag:s12] =	ssyncadd.s32 $0xFFFFD880  }
0x45: {  	_ =	sfence.sel $0x180000  }
0x46: {  	[bflag:$0x0] =	sbarrier.arrive $0xFFFF  }
0x47: {  	p0 =	sne.s32 s1, $0x0;
	_ =	strace $0x90000047  }
0x48: {  	s0 =	sadd.s32 @!p0 $0x100000, s0;
	[bflag:$0x2] =	sbarrier.arrive $0xFFFF  }
0x49: {  	[sflag:s0] =	ssyncadd.tile.s32 @!p0 $0x1;
	_ =	shalt  }
.Lfunc_end2:
_tile_overlayer_lowered:
.L_overlay_start_2:
0x4a: {  	(tag) =	ssettag $0x2  }
0x4b: {  	s0 =	rddreg [dreg:$0x0];
	s2 =	stileid.u32  }
0x4c: {  	s1 =	rddreg [dreg:$0x1];
	p0 =	sne.s32 s2, $0x0  }
0x4d: {  	s3 =	rddreg [dreg:$0x2];
	[bflag:$0x3] =	sbarrier.arrive $0xFFFF;
	s2 =	simm.s32 @!p0 $0x1C01  }
0x4e: {  	[timem:s3], [sflag:s2] =	dma.local @!p0 [hbm:s0], s1  }
0x4f: {  	s0 =	simm.s32 @!p0 $0x1  }
0x50: {  	_ =	swait.ge @!p0 [sflag:s0], s1  }
0x51: {  	s1 =	ssub.s32 @!p0 $0x0, s1;
	[sflag:s0] =	ssyncset.done @!p0 $0x0  }
0x52: {  	[sflag:s0] =	ssyncadd.s32 @!p0 s1  }
0x53: {  	[bflag:$0x3] =	sbarrier.arrive $0xFFFF  }
0x54: {  	_ =	shalt  }

</sc_bundles>
